<compile_context>
chip_gen: v7x
topology: tpu7x:2x2x1
jax: 0.10.2.dev20260603
libtpu: 0.0.44.dev20260713+nightly
codegen_flags: <defaults>
</compile_context>

<pallas_src>
import functools

import jax
import jax.numpy as jnp
from jax import lax
from jax.experimental import pallas as pl
from jax.experimental.pallas import tpu as pltpu
from jax.experimental.pallas import tpu_sc as plsc

N = 10000
E = 320000
D = 128
OUT = 3
G = 64

NC, NS, L = 2, 16, 16
NW = NC * NS

NP = 10240
EW = 10240
EP = NW * EW
CH = 128
NCHUNK_DEG = EW // CH
CHE = 64
NCHUNK = EW // CHE
NBUF = 4
RPS = NP // NS

_mesh = plsc.VectorSubcoreMesh(core_axis_name="c", subcore_axis_name="s")
_f32 = jnp.float32



@functools.partial(
    pl.kernel,
    out_type=jax.ShapeDtypeStruct((NW, NP), _f32),
    mesh=_mesh,
    scratch_types=[pltpu.VMEM((NP,), _f32),
                   pltpu.VMEM((EW,), jnp.int32)],
    compiler_params=pltpu.CompilerParams(needs_layout_passes=False),
)
def _deg(dst_hbm, zeros1_hbm, ecnt_hbm, cnt_v, idx_v):
    c = lax.axis_index("c")
    s = lax.axis_index("s")
    wid = s * NC + c
    pltpu.sync_copy(zeros1_hbm, cnt_v)
    pltpu.sync_copy(dst_hbm.at[wid], idx_v)
    ones = jnp.full((L,), 1.0, _f32)

    def chunk(i, carry):
        for k in range(CH // L):
            plsc.addupdate_scatter(
                cnt_v, [idx_v[pl.ds(i * CH + k * L, L)]], ones)
        return carry

    lax.fori_loop(0, NCHUNK_DEG, chunk, 0)
    pltpu.sync_copy(cnt_v, ecnt_hbm.at[wid])


@functools.partial(
    pl.kernel,
    out_type=jax.ShapeDtypeStruct((NC, NP, D), _f32),
    mesh=_mesh,
    scratch_types=[pltpu.VMEM((EW,), jnp.int32)]
                  + [pltpu.VMEM((1, CHE), jnp.int32)] * NBUF
                  + [pltpu.VMEM((CHE, D), _f32)] * NBUF
                  + [pltpu.VMEM_SHARED((NP, D), _f32)]
                  + [pltpu.SemaphoreType.DMA] * (2 * NBUF),
)
def _edge_scatter(u_hbm, src_hbm, dst_hbm, zeros2_hbm, out_hbm,
                  si_v, *rest):
    di_v = rest[:NBUF]
    rows_v = rest[NBUF:2 * NBUF]
    acc_sh = rest[2 * NBUF]
    gsem = rest[2 * NBUF + 1:2 * NBUF + 1 + NBUF]
    dsem = rest[2 * NBUF + 1 + NBUF:]
    c = lax.axis_index("c")
    s = lax.axis_index("s")
    wid = s * NC + c
    rs = s * RPS
    pltpu.sync_copy(src_hbm.at[wid], si_v)
    pltpu.sync_copy(zeros2_hbm.at[pl.ds(rs, RPS)], acc_sh.at[pl.ds(rs, RPS)])
    plsc.subcore_barrier()

    def sidx(c):
        return si_v.at[pl.ds(c * CHE, CHE)]

    for k in range(NBUF):
        pltpu.async_copy(dst_hbm.at[wid, k], di_v[k], dsem[k])
        pltpu.async_copy(u_hbm.at[sidx(k)], rows_v[k], gsem[k])

    def quad(i, carry):
        c0 = NBUF * i
        for k in range(NBUF):
            pltpu.make_async_copy(u_hbm.at[sidx(c0 + k)], rows_v[k],
                                  gsem[k]).wait()
            pltpu.make_async_copy(dst_hbm.at[wid, 0], di_v[k],
                                  dsem[k]).wait()
            pltpu.sync_copy(rows_v[k], acc_sh.at[di_v[k].at[0]], add=True)

            @pl.when(i < NCHUNK // NBUF - 1)
            def _():
                pltpu.async_copy(dst_hbm.at[wid, c0 + k + NBUF], di_v[k],
                                 dsem[k])
                pltpu.async_copy(u_hbm.at[sidx(c0 + k + NBUF)], rows_v[k],
                                 gsem[k])

        return carry

    lax.fori_loop(0, NCHUNK // NBUF, quad, 0)
    plsc.subcore_barrier()
    pltpu.sync_copy(acc_sh.at[pl.ds(rs, RPS)], out_hbm.at[c, pl.ds(rs, RPS)])



R = 2560
NBLK = NP // R


def _prep1_body(x_ref, cnt_ref, w_ref, u_ref, dinv_ref):
    i = pl.program_id(0)
    dn = (((0,), (0,)), ((), ()))
    tot = lax.dot_general(cnt_ref[...], jnp.ones((NW, 1), _f32), dn,
                          preferred_element_type=_f32)
    rows = i * R + lax.broadcasted_iota(jnp.int32, (R, 1), 0)
    dinv = jnp.where(rows < N, lax.rsqrt(tot + 1.0), 0.0)
    u_ref[...] = jnp.where(
        rows < N,
        jnp.dot(x_ref[...], w_ref[...], preferred_element_type=_f32) * dinv,
        0.0)
    dinv_ref[...] = dinv


def _prep1(x, ecnt, W1):
    return pl.pallas_call(
        _prep1_body,
        grid=(NBLK,),
        in_specs=[pl.BlockSpec((R, D), lambda i: (i, 0)),
                  pl.BlockSpec((NW, R), lambda i: (0, i)),
                  pl.BlockSpec((D, D), lambda i: (0, 0))],
        out_specs=[pl.BlockSpec((R, D), lambda i: (i, 0)),
                   pl.BlockSpec((R, 1), lambda i: (i, 0))],
        out_shape=[jax.ShapeDtypeStruct((NP, D), _f32),
                   jax.ShapeDtypeStruct((NP, 1), _f32)],
    )(x, ecnt, W1)


def _mid_body(y_ref, u_ref, dinv_ref, b_ref, w_ref, o_ref):
    ys = jnp.sum(y_ref[...], axis=0)
    dinv = dinv_ref[...]
    h = jnp.maximum((ys + u_ref[...]) * dinv + b_ref[...], 0.0)
    o_ref[...] = jnp.dot(h, w_ref[...], preferred_element_type=_f32) * dinv


def _mid(y, u, dinv, b, W):
    return pl.pallas_call(
        _mid_body,
        grid=(NBLK,),
        in_specs=[pl.BlockSpec((NC, R, D), lambda i: (0, i, 0)),
                  pl.BlockSpec((R, D), lambda i: (i, 0)),
                  pl.BlockSpec((R, 1), lambda i: (i, 0)),
                  pl.BlockSpec((1, D), lambda i: (0, 0)),
                  pl.BlockSpec((D, D), lambda i: (0, 0))],
        out_specs=pl.BlockSpec((R, D), lambda i: (i, 0)),
        out_shape=jax.ShapeDtypeStruct((NP, D), _f32),
    )(y, u, dinv, b, W)


def _tail_body(y_ref, u_ref, dinv_ref, b_ref, batch_ref, wc_ref, bc_ref,
               o_ref, sums_ref, cnt_ref):
    i = pl.program_id(0)
    ys = jnp.sum(y_ref[...], axis=0)
    h = jnp.maximum((ys + u_ref[...]) * dinv_ref[...] + b_ref[...], 0.0)
    cols = lax.broadcasted_iota(jnp.int32, (R, G), 1)
    rows = i * R + lax.broadcasted_iota(jnp.int32, (R, 1), 0)
    oh = ((batch_ref[...] == cols) & (rows < N)).astype(_f32)
    dn = (((0,), (0,)), ((), ()))

    @pl.when(i == 0)
    def _():
        sums_ref[...] = jnp.zeros_like(sums_ref)
        cnt_ref[...] = jnp.zeros_like(cnt_ref)

    sums_ref[...] += lax.dot_general(oh, h, dn, preferred_element_type=_f32)
    cnt_ref[...] += lax.dot_general(oh, jnp.ones((R, 1), _f32), dn,
                                    preferred_element_type=_f32)

    @pl.when(i == NBLK - 1)
    def _():
        pooled = sums_ref[...] / jnp.maximum(cnt_ref[...], 1.0)
        o_ref[...] = jnp.dot(pooled, wc_ref[...],
                             preferred_element_type=_f32) + bc_ref[...]


def _tail(y, u, dinv, b, batch_col, Wc, bc):
    return pl.pallas_call(
        _tail_body,
        grid=(NBLK,),
        in_specs=[pl.BlockSpec((NC, R, D), lambda i: (0, i, 0)),
                  pl.BlockSpec((R, D), lambda i: (i, 0)),
                  pl.BlockSpec((R, 1), lambda i: (i, 0)),
                  pl.BlockSpec((1, D), lambda i: (0, 0)),
                  pl.BlockSpec((R, 1), lambda i: (i, 0)),
                  pl.BlockSpec((D, OUT), lambda i: (0, 0)),
                  pl.BlockSpec((1, OUT), lambda i: (0, 0))],
        out_specs=pl.BlockSpec((G, OUT), lambda i: (0, 0)),
        out_shape=jax.ShapeDtypeStruct((G, OUT), _f32),
        scratch_shapes=[pltpu.VMEM((G, D), _f32),
                        pltpu.VMEM((G, 1), _f32)],
    )(y, u, dinv, b, batch_col, Wc, bc)



def kernel(x, edge_index, batch, W1, b1, W2, b2, W3, b3, Wc, bc):
    src = edge_index[0]
    dst = edge_index[1]
    pad_idx = N + (jnp.arange(EP - E, dtype=jnp.int32) % (NP - N))
    src_p = jnp.concatenate([src, pad_idx])
    dst_p = jnp.concatenate([dst, pad_idx])
    src2 = src_p.reshape(NW, EW)
    dst2 = dst_p.reshape(NW, EW)
    dst4 = dst_p.reshape(NW, NCHUNK, 1, CHE)
    zeros1 = jnp.zeros((NP,), _f32)
    zeros2 = jnp.zeros((NP, D), _f32)

    ecnt = _deg(dst2, zeros1)
    u1, dinv = _prep1(x, ecnt, W1)
    y1 = _edge_scatter(u1, src2, dst4, zeros2)
    u2 = _mid(y1, u1, dinv, b1.reshape(1, D), W2)
    y2 = _edge_scatter(u2, src2, dst4, zeros2)
    u3 = _mid(y2, u2, dinv, b2.reshape(1, D), W3)
    y3 = _edge_scatter(u3, src2, dst4, zeros2)
    return _tail(y3, u3, dinv, b3.reshape(1, D), batch.reshape(N, 1),
                 Wc, bc.reshape(1, OUT))

# --- scband reference (transcript-rebuilt; emitter-appended) ---
"""Pipeline reference for scband-simple-gnnmodel-64639257805082 (READ-ONLY COPY).

The authoritative reference and input builder live on the scoring server;
editing this copy changes nothing except your own understanding.
"""

import jax, jax.numpy as jnp
import numpy as np

N = 10000
E = 320000
D = 128
H = 128
OUT = 3
G = 64


def gcn_conv(x, edge_index, W, b):
    # PyG GCNConv: x' = D^{-1/2} (A + I) D^{-1/2} (X W) + b
    n = x.shape[0]
    src = edge_index[0]
    dst = edge_index[1]
    loop = jnp.arange(n, dtype=src.dtype)
    src = jnp.concatenate([src, loop])
    dst = jnp.concatenate([dst, loop])
    deg = jnp.zeros((n,), dtype=x.dtype).at[dst].add(1.0)
    deg_inv_sqrt = jnp.where(deg > 0, jax.lax.rsqrt(deg), 0.0)
    norm = deg_inv_sqrt[src] * deg_inv_sqrt[dst]
    h = x @ W
    msg = h[src] * norm[:, None]
    out = jnp.zeros((n, W.shape[1]), dtype=x.dtype).at[dst].add(msg)
    return out + b


def global_mean_pool(x, batch, num_graphs):
    sums = jax.ops.segment_sum(x, batch, num_segments=num_graphs)
    cnts = jax.ops.segment_sum(jnp.ones((x.shape[0],), dtype=x.dtype), batch, num_segments=num_graphs)
    return sums / jnp.clip(cnts, 1.0)[:, None]


def setup_inputs(seed: int = 0) -> dict:
    key = jax.random.key(seed)
    ks = jax.random.split(key, 12)
    x = jax.random.normal(ks[0], (N, D), dtype=jnp.float32)
    edge_index = jax.random.randint(ks[1], (2, E), 0, N, dtype=jnp.int32)
    batch = jnp.sort(jax.random.randint(ks[2], (N,), 0, G, dtype=jnp.int32))
    s1 = 1.0 / np.sqrt(D)
    s2 = 1.0 / np.sqrt(H)
    W1 = jax.random.uniform(ks[3], (D, H), jnp.float32, -s1, s1)
    b1 = jax.random.uniform(ks[4], (H,), jnp.float32, -s1, s1)
    W2 = jax.random.uniform(ks[5], (H, H), jnp.float32, -s2, s2)
    b2 = jax.random.uniform(ks[6], (H,), jnp.float32, -s2, s2)
    W3 = jax.random.uniform(ks[7], (H, H), jnp.float32, -s2, s2)
    b3 = jax.random.uniform(ks[8], (H,), jnp.float32, -s2, s2)
    Wc = jax.random.uniform(ks[9], (H, OUT), jnp.float32, -s2, s2)
    bc = jax.random.uniform(ks[10], (OUT,), jnp.float32, -s2, s2)
    return {"x": x, "edge_index": edge_index, "batch": batch,
            "W1": W1, "b1": b1, "W2": W2, "b2": b2, "W3": W3, "b3": b3,
            "Wc": Wc, "bc": bc}


def reference(x, edge_index, batch, W1, b1, W2, b2, W3, b3, Wc, bc):
    # dropout is identity in eval mode
    h = jax.nn.relu(gcn_conv(x, edge_index, W1, b1))
    h = jax.nn.relu(gcn_conv(h, edge_index, W2, b2))
    h = jax.nn.relu(gcn_conv(h, edge_index, W3, b3))
    pooled = global_mean_pool(h, batch, G)
    out = pooled @ Wc + bc
    return out

if __name__ == "__main__":
    import jax
    _d = setup_inputs()
    print(jax.jit(kernel)(*tuple(_d.values())))

</pallas_src>

<mosaic_0001>
#map = affine_map<(d0, d1) -> (0, 0)>
#map1 = affine_map<(d0, d1) -> (0, 0, 0, 0)>
#map2 = affine_map<(d0, d1) -> (0, 0, 0)>
module attributes {stable_mosaic.version = 14 : i64} {
  func.func @_edge_scatter(%arg0: i32, %arg1: i32, %arg2: memref<10240x128xf32, #tpu.memory_space<hbm>>, %arg3: memref<32x10240xi32, #tpu.memory_space<hbm>>, %arg4: memref<32x160x1x64xi32, #tpu.memory_space<hbm>>, %arg5: memref<10240x128xf32, #tpu.memory_space<hbm>>, %arg6: memref<2x10240x128xf32, #tpu.memory_space<hbm>>, %arg7: memref<10240xi32, #tpu.memory_space<vmem>>, %arg8: memref<1x64xi32, #tpu.memory_space<vmem>>, %arg9: memref<1x64xi32, #tpu.memory_space<vmem>>, %arg10: memref<1x64xi32, #tpu.memory_space<vmem>>, %arg11: memref<1x64xi32, #tpu.memory_space<vmem>>, %arg12: memref<64x128xf32, #tpu.memory_space<vmem>>, %arg13: memref<64x128xf32, #tpu.memory_space<vmem>>, %arg14: memref<64x128xf32, #tpu.memory_space<vmem>>, %arg15: memref<64x128xf32, #tpu.memory_space<vmem>>, %arg16: memref<10240x128xf32, #tpu.memory_space<vmem_shared>>, %arg17: memref<!tpu.dma_semaphore, #tpu.memory_space<semaphore_mem>>, %arg18: memref<!tpu.dma_semaphore, #tpu.memory_space<semaphore_mem>>, %arg19: memref<!tpu.dma_semaphore, #tpu.memory_space<semaphore_mem>>, %arg20: memref<!tpu.dma_semaphore, #tpu.memory_space<semaphore_mem>>, %arg21: memref<!tpu.dma_semaphore, #tpu.memory_space<semaphore_mem>>, %arg22: memref<!tpu.dma_semaphore, #tpu.memory_space<semaphore_mem>>, %arg23: memref<!tpu.dma_semaphore, #tpu.memory_space<semaphore_mem>>, %arg24: memref<!tpu.dma_semaphore, #tpu.memory_space<semaphore_mem>>) attributes {dimension_semantics = [#tpu.dimension_semantics<core_parallel>, #tpu.dimension_semantics<subcore_parallel>], iteration_bounds = array<i64: 2, 16>, scalar_prefetch = 0 : i64, scratch_operands = 18 : i64, tpu.core_type = #tpu.core_type<sc_vector_subcore>, window_params = [{transform_indices = #map}, {transform_indices = #map}, {transform_indices = #map1}, {transform_indices = #map}, {transform_indices = #map2}]} {
    %mul3A = arith.constant 2 : i32
    %mul3A_0 = arith.muli %arg1, %mul3A : i32
    %add3A = arith.addi %mul3A_0, %arg0 : i32
    %mul3A_1 = arith.constant 640 : i32
    %mul3A_2 = arith.muli %arg1, %mul3A_1 : i32
    "tpu.region"() ({
      %run_scoped3A = tpu.sem_alloc : memref<!tpu.dma_semaphore, #tpu.memory_space<semaphore_mem>>
      %dma_start3A_64 = arith.constant 0 : i32
      %dma_start3A_65 = tpu.memref_slice %arg3[%add3A, %dma_start3A_64] : memref<32x10240xi32, #tpu.memory_space<hbm>> -> memref<1x10240xi32, #tpu.memory_space<hbm>>
      %dma_start3A_66 = tpu.memref_squeeze %dma_start3A_65 : memref<1x10240xi32, #tpu.memory_space<hbm>> -> memref<10240xi32, #tpu.memory_space<hbm>>
      %dma_start3A_67 = arith.constant 0 : i32
      %dma_start3A_68 = tpu.memref_slice %arg3[%add3A, %dma_start3A_67] : memref<32x10240xi32, #tpu.memory_space<hbm>> -> memref<1x10240xi32, #tpu.memory_space<hbm>>
      %dma_start3A_69 = tpu.memref_squeeze %dma_start3A_68 : memref<1x10240xi32, #tpu.memory_space<hbm>> -> memref<10240xi32, #tpu.memory_space<hbm>>
      tpu.enqueue_dma source(%dma_start3A_69 : memref<10240xi32, #tpu.memory_space<hbm>>) target(%arg7 : memref<10240xi32, #tpu.memory_space<vmem>>) target_semaphore(%run_scoped3A : memref<!tpu.dma_semaphore, #tpu.memory_space<semaphore_mem>>)
      %dma_wait3A = arith.constant 0 : i32
      %dma_wait3A_70 = tpu.memref_slice %arg3[%add3A, %dma_wait3A] : memref<32x10240xi32, #tpu.memory_space<hbm>> -> memref<1x10240xi32, #tpu.memory_space<hbm>>
      %dma_wait3A_71 = tpu.memref_squeeze %dma_wait3A_70 : memref<1x10240xi32, #tpu.memory_space<hbm>> -> memref<10240xi32, #tpu.memory_space<hbm>>
      %dma_wait3A_72 = arith.constant 0 : i32
      %dma_wait3A_73 = tpu.memref_slice %arg3[%add3A, %dma_wait3A_72] : memref<32x10240xi32, #tpu.memory_space<hbm>> -> memref<1x10240xi32, #tpu.memory_space<hbm>>
      %dma_wait3A_74 = tpu.memref_squeeze %dma_wait3A_73 : memref<1x10240xi32, #tpu.memory_space<hbm>> -> memref<10240xi32, #tpu.memory_space<hbm>>
      tpu.wait_dma2 semaphore(%run_scoped3A : memref<!tpu.dma_semaphore, #tpu.memory_space<semaphore_mem>>) src(%dma_wait3A_74 : memref<10240xi32, #tpu.memory_space<hbm>>) dst(%arg7 : memref<10240xi32, #tpu.memory_space<vmem>>)
      tpu.yield
    }) : () -> ()
    "tpu.region"() ({
      %run_scoped3A = tpu.sem_alloc : memref<!tpu.dma_semaphore, #tpu.memory_space<semaphore_mem>>
      %dma_start3A_64 = arith.constant 0 : i32
      %dma_start3A_65 = tpu.memref_slice %arg16[%mul3A_2, %dma_start3A_64] : memref<10240x128xf32, #tpu.memory_space<vmem_shared>> -> memref<640x128xf32, #tpu.memory_space<vmem_shared>>
      %dma_start3A_66 = arith.constant 0 : i32
      %dma_start3A_67 = tpu.memref_slice %arg5[%mul3A_2, %dma_start3A_66] : memref<10240x128xf32, #tpu.memory_space<hbm>> -> memref<640x128xf32, #tpu.memory_space<hbm>>
      tpu.enqueue_dma source(%dma_start3A_67 : memref<640x128xf32, #tpu.memory_space<hbm>>) target(%dma_start3A_65 : memref<640x128xf32, #tpu.memory_space<vmem_shared>>) target_semaphore(%run_scoped3A : memref<!tpu.dma_semaphore, #tpu.memory_space<semaphore_mem>>)
      %dma_wait3A = arith.constant 0 : i32
      %dma_wait3A_68 = tpu.memref_slice %arg16[%mul3A_2, %dma_wait3A] : memref<10240x128xf32, #tpu.memory_space<vmem_shared>> -> memref<640x128xf32, #tpu.memory_space<vmem_shared>>
      %dma_wait3A_69 = arith.constant 0 : i32
      %dma_wait3A_70 = tpu.memref_slice %arg5[%mul3A_2, %dma_wait3A_69] : memref<10240x128xf32, #tpu.memory_space<hbm>> -> memref<640x128xf32, #tpu.memory_space<hbm>>
      tpu.wait_dma2 semaphore(%run_scoped3A : memref<!tpu.dma_semaphore, #tpu.memory_space<semaphore_mem>>) src(%dma_wait3A_70 : memref<640x128xf32, #tpu.memory_space<hbm>>) dst(%dma_wait3A_68 : memref<640x128xf32, #tpu.memory_space<vmem_shared>>)
      tpu.yield
    }) : () -> ()
    %barrier3A = arith.constant 0 : index
    tpu.barrier barrier_id(%barrier3A)
    %dma_start3A = arith.constant 0 : i32
    %dma_start3A_3 = arith.constant 0 : i32
    %dma_start3A_4 = arith.constant 0 : i32
    %dma_start3A_5 = tpu.memref_slice %arg4[%add3A, %dma_start3A, %dma_start3A_3, %dma_start3A_4] : memref<32x160x1x64xi32, #tpu.memory_space<hbm>> -> memref<1x1x1x64xi32, #tpu.memory_space<hbm>>
    %dma_start3A_6 = tpu.memref_squeeze %dma_start3A_5 : memref<1x1x1x64xi32, #tpu.memory_space<hbm>> -> memref<1x64xi32, #tpu.memory_space<hbm>>
    %dma_start3A_7 = arith.constant 0 : i32
    %dma_start3A_8 = arith.constant 0 : i32
    %dma_start3A_9 = tpu.memref_slice %arg4[%add3A, %dma_start3A, %dma_start3A_7, %dma_start3A_8] : memref<32x160x1x64xi32, #tpu.memory_space<hbm>> -> memref<1x1x1x64xi32, #tpu.memory_space<hbm>>
    %dma_start3A_10 = tpu.memref_squeeze %dma_start3A_9 : memref<1x1x1x64xi32, #tpu.memory_space<hbm>> -> memref<1x64xi32, #tpu.memory_space<hbm>>
    tpu.enqueue_dma source(%dma_start3A_10 : memref<1x64xi32, #tpu.memory_space<hbm>>) target(%arg8 : memref<1x64xi32, #tpu.memory_space<vmem>>) target_semaphore(%arg21 : memref<!tpu.dma_semaphore, #tpu.memory_space<semaphore_mem>>)
    %dma_start3A_11 = arith.constant 0 : i32
    %dma_start3A_12 = tpu.memref_slice %arg7[%dma_start3A_11] : memref<10240xi32, #tpu.memory_space<vmem>> -> memref<64xi32, #tpu.memory_space<vmem>>
    %dma_start3A_13 = arith.constant 0 : i32
    %dma_start3A_14 = arith.constant 0 : i32
    %dma_start3A_15 = tpu.memref_slice %arg2[%dma_start3A_13, %dma_start3A_14] : memref<10240x128xf32, #tpu.memory_space<hbm>> -> memref<10240x128xf32, #tpu.memory_space<hbm>>
    tpu.enqueue_indirect_dma source(%dma_start3A_15 : memref<10240x128xf32, #tpu.memory_space<hbm>>) target(%arg12 : memref<64x128xf32, #tpu.memory_space<vmem>>) offsets(%dma_start3A_12 : memref<64xi32, #tpu.memory_space<vmem>>) semaphore(%arg17 : memref<!tpu.dma_semaphore, #tpu.memory_space<semaphore_mem>>)
    %dma_start3A_16 = arith.constant 1 : i32
    %dma_start3A_17 = arith.constant 0 : i32
    %dma_start3A_18 = arith.constant 0 : i32
    %dma_start3A_19 = tpu.memref_slice %arg4[%add3A, %dma_start3A_16, %dma_start3A_17, %dma_start3A_18] : memref<32x160x1x64xi32, #tpu.memory_space<hbm>> -> memref<1x1x1x64xi32, #tpu.memory_space<hbm>>
    %dma_start3A_20 = tpu.memref_squeeze %dma_start3A_19 : memref<1x1x1x64xi32, #tpu.memory_space<hbm>> -> memref<1x64xi32, #tpu.memory_space<hbm>>
    %dma_start3A_21 = arith.constant 0 : i32
    %dma_start3A_22 = arith.constant 0 : i32
    %dma_start3A_23 = tpu.memref_slice %arg4[%add3A, %dma_start3A_16, %dma_start3A_21, %dma_start3A_22] : memref<32x160x1x64xi32, #tpu.memory_space<hbm>> -> memref<1x1x1x64xi32, #tpu.memory_space<hbm>>
    %dma_start3A_24 = tpu.memref_squeeze %dma_start3A_23 : memref<1x1x1x64xi32, #tpu.memory_space<hbm>> -> memref<1x64xi32, #tpu.memory_space<hbm>>
    tpu.enqueue_dma source(%dma_start3A_24 : memref<1x64xi32, #tpu.memory_space<hbm>>) target(%arg9 : memref<1x64xi32, #tpu.memory_space<vmem>>) target_semaphore(%arg22 : memref<!tpu.dma_semaphore, #tpu.memory_space<semaphore_mem>>)
    %dma_start3A_25 = arith.constant 64 : i32
    %dma_start3A_26 = tpu.memref_slice %arg7[%dma_start3A_25] : memref<10240xi32, #tpu.memory_space<vmem>> -> memref<64xi32, #tpu.memory_space<vmem>>
    %dma_start3A_27 = arith.constant 0 : i32
    %dma_start3A_28 = arith.constant 0 : i32
    %dma_start3A_29 = tpu.memref_slice %arg2[%dma_start3A_27, %dma_start3A_28] : memref<10240x128xf32, #tpu.memory_space<hbm>> -> memref<10240x128xf32, #tpu.memory_space<hbm>>
    tpu.enqueue_indirect_dma source(%dma_start3A_29 : memref<10240x128xf32, #tpu.memory_space<hbm>>) target(%arg13 : memref<64x128xf32, #tpu.memory_space<vmem>>) offsets(%dma_start3A_26 : memref<64xi32, #tpu.memory_space<vmem>>) semaphore(%arg18 : memref<!tpu.dma_semaphore, #tpu.memory_space<semaphore_mem>>)
    %dma_start3A_30 = arith.constant 2 : i32
    %dma_start3A_31 = arith.constant 0 : i32
    %dma_start3A_32 = arith.constant 0 : i32
    %dma_start3A_33 = tpu.memref_slice %arg4[%add3A, %dma_start3A_30, %dma_start3A_31, %dma_start3A_32] : memref<32x160x1x64xi32, #tpu.memory_space<hbm>> -> memref<1x1x1x64xi32, #tpu.memory_space<hbm>>
    %dma_start3A_34 = tpu.memref_squeeze %dma_start3A_33 : memref<1x1x1x64xi32, #tpu.memory_space<hbm>> -> memref<1x64xi32, #tpu.memory_space<hbm>>
    %dma_start3A_35 = arith.constant 0 : i32
    %dma_start3A_36 = arith.constant 0 : i32
    %dma_start3A_37 = tpu.memref_slice %arg4[%add3A, %dma_start3A_30, %dma_start3A_35, %dma_start3A_36] : memref<32x160x1x64xi32, #tpu.memory_space<hbm>> -> memref<1x1x1x64xi32, #tpu.memory_space<hbm>>
    %dma_start3A_38 = tpu.memref_squeeze %dma_start3A_37 : memref<1x1x1x64xi32, #tpu.memory_space<hbm>> -> memref<1x64xi32, #tpu.memory_space<hbm>>
    tpu.enqueue_dma source(%dma_start3A_38 : memref<1x64xi32, #tpu.memory_space<hbm>>) target(%arg10 : memref<1x64xi32, #tpu.memory_space<vmem>>) target_semaphore(%arg23 : memref<!tpu.dma_semaphore, #tpu.memory_space<semaphore_mem>>)
    %dma_start3A_39 = arith.constant 128 : i32
    %dma_start3A_40 = tpu.memref_slice %arg7[%dma_start3A_39] : memref<10240xi32, #tpu.memory_space<vmem>> -> memref<64xi32, #tpu.memory_space<vmem>>
    %dma_start3A_41 = arith.constant 0 : i32
    %dma_start3A_42 = arith.constant 0 : i32
    %dma_start3A_43 = tpu.memref_slice %arg2[%dma_start3A_41, %dma_start3A_42] : memref<10240x128xf32, #tpu.memory_space<hbm>> -> memref<10240x128xf32, #tpu.memory_space<hbm>>
    tpu.enqueue_indirect_dma source(%dma_start3A_43 : memref<10240x128xf32, #tpu.memory_space<hbm>>) target(%arg14 : memref<64x128xf32, #tpu.memory_space<vmem>>) offsets(%dma_start3A_40 : memref<64xi32, #tpu.memory_space<vmem>>) semaphore(%arg19 : memref<!tpu.dma_semaphore, #tpu.memory_space<semaphore_mem>>)
    %dma_start3A_44 = arith.constant 3 : i32
    %dma_start3A_45 = arith.constant 0 : i32
    %dma_start3A_46 = arith.constant 0 : i32
    %dma_start3A_47 = tpu.memref_slice %arg4[%add3A, %dma_start3A_44, %dma_start3A_45, %dma_start3A_46] : memref<32x160x1x64xi32, #tpu.memory_space<hbm>> -> memref<1x1x1x64xi32, #tpu.memory_space<hbm>>
    %dma_start3A_48 = tpu.memref_squeeze %dma_start3A_47 : memref<1x1x1x64xi32, #tpu.memory_space<hbm>> -> memref<1x64xi32, #tpu.memory_space<hbm>>
    %dma_start3A_49 = arith.constant 0 : i32
    %dma_start3A_50 = arith.constant 0 : i32
    %dma_start3A_51 = tpu.memref_slice %arg4[%add3A, %dma_start3A_44, %dma_start3A_49, %dma_start3A_50] : memref<32x160x1x64xi32, #tpu.memory_space<hbm>> -> memref<1x1x1x64xi32, #tpu.memory_space<hbm>>
    %dma_start3A_52 = tpu.memref_squeeze %dma_start3A_51 : memref<1x1x1x64xi32, #tpu.memory_space<hbm>> -> memref<1x64xi32, #tpu.memory_space<hbm>>
    tpu.enqueue_dma source(%dma_start3A_52 : memref<1x64xi32, #tpu.memory_space<hbm>>) target(%arg11 : memref<1x64xi32, #tpu.memory_space<vmem>>) target_semaphore(%arg24 : memref<!tpu.dma_semaphore, #tpu.memory_space<semaphore_mem>>)
    %dma_start3A_53 = arith.constant 192 : i32
    %dma_start3A_54 = tpu.memref_slice %arg7[%dma_start3A_53] : memref<10240xi32, #tpu.memory_space<vmem>> -> memref<64xi32, #tpu.memory_space<vmem>>
    %dma_start3A_55 = arith.constant 0 : i32
    %dma_start3A_56 = arith.constant 0 : i32
    %dma_start3A_57 = tpu.memref_slice %arg2[%dma_start3A_55, %dma_start3A_56] : memref<10240x128xf32, #tpu.memory_space<hbm>> -> memref<10240x128xf32, #tpu.memory_space<hbm>>
    tpu.enqueue_indirect_dma source(%dma_start3A_57 : memref<10240x128xf32, #tpu.memory_space<hbm>>) target(%arg15 : memref<64x128xf32, #tpu.memory_space<vmem>>) offsets(%dma_start3A_54 : memref<64xi32, #tpu.memory_space<vmem>>) semaphore(%arg20 : memref<!tpu.dma_semaphore, #tpu.memory_space<semaphore_mem>>)
    %scan3A = arith.constant 0 : i32
    %scan3A_58 = arith.constant 0 : i32
    %scan3A_59 = arith.constant 40 : i32
    %scan3A_60 = arith.addi %scan3A_58, %scan3A_59 : i32
    %scan3A_61 = arith.constant 1 : i32
    scf.for %scan3A_64 = %scan3A_58 to %scan3A_60 step %scan3A_61  : i32 {
      %mul3A_65 = arith.constant 4 : i32
      %mul3A_66 = arith.muli %mul3A_65, %scan3A_64 : i32
      %add3A_67 = arith.constant 0 : i32
      %add3A_68 = arith.addi %mul3A_66, %add3A_67 : i32
      %mul3A_69 = arith.constant 64 : i32
      %mul3A_70 = arith.muli %add3A_68, %mul3A_69 : i32
      %dma_wait3A = tpu.memref_slice %arg7[%mul3A_70] : memref<10240xi32, #tpu.memory_space<vmem>> -> memref<64xi32, #tpu.memory_space<vmem>>
      %dma_wait3A_71 = arith.constant 0 : i32
      %dma_wait3A_72 = arith.constant 0 : i32
      %dma_wait3A_73 = tpu.memref_slice %arg2[%dma_wait3A_71, %dma_wait3A_72] : memref<10240x128xf32, #tpu.memory_space<hbm>> -> memref<10240x128xf32, #tpu.memory_space<hbm>>
      tpu.wait_indirect_dma semaphore(%arg17 : memref<!tpu.dma_semaphore, #tpu.memory_space<semaphore_mem>>) src(%dma_wait3A_73 : memref<10240x128xf32, #tpu.memory_space<hbm>>) dst(%arg12 : memref<64x128xf32, #tpu.memory_space<vmem>>)
      %dma_wait3A_74 = arith.constant 0 : i32
      %dma_wait3A_75 = arith.constant 0 : i32
      %dma_wait3A_76 = arith.constant 0 : i32
      %dma_wait3A_77 = tpu.memref_slice %arg4[%add3A, %dma_wait3A_74, %dma_wait3A_75, %dma_wait3A_76] : memref<32x160x1x64xi32, #tpu.memory_space<hbm>> -> memref<1x1x1x64xi32, #tpu.memory_space<hbm>>
      %dma_wait3A_78 = tpu.memref_squeeze %dma_wait3A_77 : memref<1x1x1x64xi32, #tpu.memory_space<hbm>> -> memref<1x64xi32, #tpu.memory_space<hbm>>
      %dma_wait3A_79 = arith.constant 0 : i32
      %dma_wait3A_80 = arith.constant 0 : i32
      %dma_wait3A_81 = tpu.memref_slice %arg4[%add3A, %dma_wait3A_74, %dma_wait3A_79, %dma_wait3A_80] : memref<32x160x1x64xi32, #tpu.memory_space<hbm>> -> memref<1x1x1x64xi32, #tpu.memory_space<hbm>>
      %dma_wait3A_82 = tpu.memref_squeeze %dma_wait3A_81 : memref<1x1x1x64xi32, #tpu.memory_space<hbm>> -> memref<1x64xi32, #tpu.memory_space<hbm>>
      tpu.wait_dma2 semaphore(%arg21 : memref<!tpu.dma_semaphore, #tpu.memory_space<semaphore_mem>>) src(%dma_wait3A_82 : memref<1x64xi32, #tpu.memory_space<hbm>>) dst(%arg8 : memref<1x64xi32, #tpu.memory_space<vmem>>)
      %run_scoped3A = arith.constant 0 : i32
      "tpu.region"() ({
        %run_scoped3A_154 = tpu.sem_alloc : memref<!tpu.dma_semaphore, #tpu.memory_space<semaphore_mem>>
        %dma_start3A_155 = arith.constant 0 : i32
        %dma_start3A_156 = tpu.memref_slice %arg8[%run_scoped3A, %dma_start3A_155] : memref<1x64xi32, #tpu.memory_space<vmem>> -> memref<1x64xi32, #tpu.memory_space<vmem>>
        %dma_start3A_157 = tpu.memref_squeeze %dma_start3A_156 : memref<1x64xi32, #tpu.memory_space<vmem>> -> memref<64xi32, #tpu.memory_space<vmem>>
        %dma_start3A_158 = arith.constant 0 : i32
        %dma_start3A_159 = arith.constant 0 : i32
        %dma_start3A_160 = tpu.memref_slice %arg16[%dma_start3A_158, %dma_start3A_159] : memref<10240x128xf32, #tpu.memory_space<vmem_shared>> -> memref<10240x128xf32, #tpu.memory_space<vmem_shared>>
        tpu.enqueue_indirect_dma source(%arg12 : memref<64x128xf32, #tpu.memory_space<vmem>>) target(%dma_start3A_160 : memref<10240x128xf32, #tpu.memory_space<vmem_shared>>) offsets(%dma_start3A_157 : memref<64xi32, #tpu.memory_space<vmem>>) semaphore(%run_scoped3A_154 : memref<!tpu.dma_semaphore, #tpu.memory_space<semaphore_mem>>) {add = true}
        %dma_wait3A_161 = arith.constant 0 : i32
        %dma_wait3A_162 = tpu.memref_slice %arg8[%run_scoped3A, %dma_wait3A_161] : memref<1x64xi32, #tpu.memory_space<vmem>> -> memref<1x64xi32, #tpu.memory_space<vmem>>
        %dma_wait3A_163 = tpu.memref_squeeze %dma_wait3A_162 : memref<1x64xi32, #tpu.memory_space<vmem>> -> memref<64xi32, #tpu.memory_space<vmem>>
        %dma_wait3A_164 = arith.constant 0 : i32
        %dma_wait3A_165 = arith.constant 0 : i32
        %dma_wait3A_166 = tpu.memref_slice %arg16[%dma_wait3A_164, %dma_wait3A_165] : memref<10240x128xf32, #tpu.memory_space<vmem_shared>> -> memref<10240x128xf32, #tpu.memory_space<vmem_shared>>
        tpu.wait_indirect_dma semaphore(%run_scoped3A_154 : memref<!tpu.dma_semaphore, #tpu.memory_space<semaphore_mem>>) src(%arg12 : memref<64x128xf32, #tpu.memory_space<vmem>>) dst(%dma_wait3A_166 : memref<10240x128xf32, #tpu.memory_space<vmem_shared>>)
        tpu.yield
      }) : () -> ()
      %lt3A = arith.constant 39 : i32
      %lt3A_83 = arith.cmpi slt, %scan3A_64, %lt3A : i32
      %convert_element_type3A = arith.extui %lt3A_83 : i1 to i32
      %cond3A = arith.constant 0 : i32
      %cond3A_84 = arith.cmpi ne, %convert_element_type3A, %cond3A : i32
      scf.if %cond3A_84 {
        %add3A_154 = arith.constant 0 : i32
        %add3A_155 = arith.addi %mul3A_66, %add3A_154 : i32
        %add3A_156 = arith.constant 4 : i32
        %add3A_157 = arith.addi %add3A_155, %add3A_156 : i32
        %dma_start3A_158 = arith.constant 0 : i32
        %dma_start3A_159 = arith.constant 0 : i32
        %dma_start3A_160 = tpu.memref_slice %arg4[%add3A, %add3A_157, %dma_start3A_158, %dma_start3A_159] : memref<32x160x1x64xi32, #tpu.memory_space<hbm>> -> memref<1x1x1x64xi32, #tpu.memory_space<hbm>>
        %dma_start3A_161 = tpu.memref_squeeze %dma_start3A_160 : memref<1x1x1x64xi32, #tpu.memory_space<hbm>> -> memref<1x64xi32, #tpu.memory_space<hbm>>
        %dma_start3A_162 = arith.constant 0 : i32
        %dma_start3A_163 = arith.constant 0 : i32
        %dma_start3A_164 = tpu.memref_slice %arg4[%add3A, %add3A_157, %dma_start3A_162, %dma_start3A_163] : memref<32x160x1x64xi32, #tpu.memory_space<hbm>> -> memref<1x1x1x64xi32, #tpu.memory_space<hbm>>
        %dma_start3A_165 = tpu.memref_squeeze %dma_start3A_164 : memref<1x1x1x64xi32, #tpu.memory_space<hbm>> -> memref<1x64xi32, #tpu.memory_space<hbm>>
        tpu.enqueue_dma source(%dma_start3A_165 : memref<1x64xi32, #tpu.memory_space<hbm>>) target(%arg8 : memref<1x64xi32, #tpu.memory_space<vmem>>) target_semaphore(%arg21 : memref<!tpu.dma_semaphore, #tpu.memory_space<semaphore_mem>>)
        %add3A_166 = arith.constant 0 : i32
        %add3A_167 = arith.addi %mul3A_66, %add3A_166 : i32
        %add3A_168 = arith.constant 4 : i32
        %add3A_169 = arith.addi %add3A_167, %add3A_168 : i32
        %mul3A_170 = arith.constant 64 : i32
        %mul3A_171 = arith.muli %add3A_169, %mul3A_170 : i32
        %dma_start3A_172 = tpu.memref_slice %arg7[%mul3A_171] : memref<10240xi32, #tpu.memory_space<vmem>> -> memref<64xi32, #tpu.memory_space<vmem>>
        %dma_start3A_173 = arith.constant 0 : i32
        %dma_start3A_174 = arith.constant 0 : i32
        %dma_start3A_175 = tpu.memref_slice %arg2[%dma_start3A_173, %dma_start3A_174] : memref<10240x128xf32, #tpu.memory_space<hbm>> -> memref<10240x128xf32, #tpu.memory_space<hbm>>
        tpu.enqueue_indirect_dma source(%dma_start3A_175 : memref<10240x128xf32, #tpu.memory_space<hbm>>) target(%arg12 : memref<64x128xf32, #tpu.memory_space<vmem>>) offsets(%dma_start3A_172 : memref<64xi32, #tpu.memory_space<vmem>>) semaphore(%arg17 : memref<!tpu.dma_semaphore, #tpu.memory_space<semaphore_mem>>)
      } else {
      }
      %add3A_85 = arith.constant 1 : i32
      %add3A_86 = arith.addi %mul3A_66, %add3A_85 : i32
      %mul3A_87 = arith.constant 64 : i32
      %mul3A_88 = arith.muli %add3A_86, %mul3A_87 : i32
      %dma_wait3A_89 = tpu.memref_slice %arg7[%mul3A_88] : memref<10240xi32, #tpu.memory_space<vmem>> -> memref<64xi32, #tpu.memory_space<vmem>>
      %dma_wait3A_90 = arith.constant 0 : i32
      %dma_wait3A_91 = arith.constant 0 : i32
      %dma_wait3A_92 = tpu.memref_slice %arg2[%dma_wait3A_90, %dma_wait3A_91] : memref<10240x128xf32, #tpu.memory_space<hbm>> -> memref<10240x128xf32, #tpu.memory_space<hbm>>
      tpu.wait_indirect_dma semaphore(%arg18 : memref<!tpu.dma_semaphore, #tpu.memory_space<semaphore_mem>>) src(%dma_wait3A_92 : memref<10240x128xf32, #tpu.memory_space<hbm>>) dst(%arg13 : memref<64x128xf32, #tpu.memory_space<vmem>>)
      %dma_wait3A_93 = arith.constant 0 : i32
      %dma_wait3A_94 = arith.constant 0 : i32
      %dma_wait3A_95 = arith.constant 0 : i32
      %dma_wait3A_96 = tpu.memref_slice %arg4[%add3A, %dma_wait3A_93, %dma_wait3A_94, %dma_wait3A_95] : memref<32x160x1x64xi32, #tpu.memory_space<hbm>> -> memref<1x1x1x64xi32, #tpu.memory_space<hbm>>
      %dma_wait3A_97 = tpu.memref_squeeze %dma_wait3A_96 : memref<1x1x1x64xi32, #tpu.memory_space<hbm>> -> memref<1x64xi32, #tpu.memory_space<hbm>>
      %dma_wait3A_98 = arith.constant 0 : i32
      %dma_wait3A_99 = arith.constant 0 : i32
      %dma_wait3A_100 = tpu.memref_slice %arg4[%add3A, %dma_wait3A_93, %dma_wait3A_98, %dma_wait3A_99] : memref<32x160x1x64xi32, #tpu.memory_space<hbm>> -> memref<1x1x1x64xi32, #tpu.memory_space<hbm>>
      %dma_wait3A_101 = tpu.memref_squeeze %dma_wait3A_100 : memref<1x1x1x64xi32, #tpu.memory_space<hbm>> -> memref<1x64xi32, #tpu.memory_space<hbm>>
      tpu.wait_dma2 semaphore(%arg22 : memref<!tpu.dma_semaphore, #tpu.memory_space<semaphore_mem>>) src(%dma_wait3A_101 : memref<1x64xi32, #tpu.memory_space<hbm>>) dst(%arg9 : memref<1x64xi32, #tpu.memory_space<vmem>>)
      %run_scoped3A_102 = arith.constant 0 : i32
      "tpu.region"() ({
        %run_scoped3A_154 = tpu.sem_alloc : memref<!tpu.dma_semaphore, #tpu.memory_space<semaphore_mem>>
        %dma_start3A_155 = arith.constant 0 : i32
        %dma_start3A_156 = tpu.memref_slice %arg9[%run_scoped3A_102, %dma_start3A_155] : memref<1x64xi32, #tpu.memory_space<vmem>> -> memref<1x64xi32, #tpu.memory_space<vmem>>
        %dma_start3A_157 = tpu.memref_squeeze %dma_start3A_156 : memref<1x64xi32, #tpu.memory_space<vmem>> -> memref<64xi32, #tpu.memory_space<vmem>>
        %dma_start3A_158 = arith.constant 0 : i32
        %dma_start3A_159 = arith.constant 0 : i32
        %dma_start3A_160 = tpu.memref_slice %arg16[%dma_start3A_158, %dma_start3A_159] : memref<10240x128xf32, #tpu.memory_space<vmem_shared>> -> memref<10240x128xf32, #tpu.memory_space<vmem_shared>>
        tpu.enqueue_indirect_dma source(%arg13 : memref<64x128xf32, #tpu.memory_space<vmem>>) target(%dma_start3A_160 : memref<10240x128xf32, #tpu.memory_space<vmem_shared>>) offsets(%dma_start3A_157 : memref<64xi32, #tpu.memory_space<vmem>>) semaphore(%run_scoped3A_154 : memref<!tpu.dma_semaphore, #tpu.memory_space<semaphore_mem>>) {add = true}
        %dma_wait3A_161 = arith.constant 0 : i32
        %dma_wait3A_162 = tpu.memref_slice %arg9[%run_scoped3A_102, %dma_wait3A_161] : memref<1x64xi32, #tpu.memory_space<vmem>> -> memref<1x64xi32, #tpu.memory_space<vmem>>
        %dma_wait3A_163 = tpu.memref_squeeze %dma_wait3A_162 : memref<1x64xi32, #tpu.memory_space<vmem>> -> memref<64xi32, #tpu.memory_space<vmem>>
        %dma_wait3A_164 = arith.constant 0 : i32
        %dma_wait3A_165 = arith.constant 0 : i32
        %dma_wait3A_166 = tpu.memref_slice %arg16[%dma_wait3A_164, %dma_wait3A_165] : memref<10240x128xf32, #tpu.memory_space<vmem_shared>> -> memref<10240x128xf32, #tpu.memory_space<vmem_shared>>
        tpu.wait_indirect_dma semaphore(%run_scoped3A_154 : memref<!tpu.dma_semaphore, #tpu.memory_space<semaphore_mem>>) src(%arg13 : memref<64x128xf32, #tpu.memory_space<vmem>>) dst(%dma_wait3A_166 : memref<10240x128xf32, #tpu.memory_space<vmem_shared>>)
        tpu.yield
      }) : () -> ()
      %lt3A_103 = arith.constant 39 : i32
      %lt3A_104 = arith.cmpi slt, %scan3A_64, %lt3A_103 : i32
      %convert_element_type3A_105 = arith.extui %lt3A_104 : i1 to i32
      %cond3A_106 = arith.constant 0 : i32
      %cond3A_107 = arith.cmpi ne, %convert_element_type3A_105, %cond3A_106 : i32
      scf.if %cond3A_107 {
        %add3A_154 = arith.constant 1 : i32
        %add3A_155 = arith.addi %mul3A_66, %add3A_154 : i32
        %add3A_156 = arith.constant 4 : i32
        %add3A_157 = arith.addi %add3A_155, %add3A_156 : i32
        %dma_start3A_158 = arith.constant 0 : i32
        %dma_start3A_159 = arith.constant 0 : i32
        %dma_start3A_160 = tpu.memref_slice %arg4[%add3A, %add3A_157, %dma_start3A_158, %dma_start3A_159] : memref<32x160x1x64xi32, #tpu.memory_space<hbm>> -> memref<1x1x1x64xi32, #tpu.memory_space<hbm>>
        %dma_start3A_161 = tpu.memref_squeeze %dma_start3A_160 : memref<1x1x1x64xi32, #tpu.memory_space<hbm>> -> memref<1x64xi32, #tpu.memory_space<hbm>>
        %dma_start3A_162 = arith.constant 0 : i32
        %dma_start3A_163 = arith.constant 0 : i32
        %dma_start3A_164 = tpu.memref_slice %arg4[%add3A, %add3A_157, %dma_start3A_162, %dma_start3A_163] : memref<32x160x1x64xi32, #tpu.memory_space<hbm>> -> memref<1x1x1x64xi32, #tpu.memory_space<hbm>>
        %dma_start3A_165 = tpu.memref_squeeze %dma_start3A_164 : memref<1x1x1x64xi32, #tpu.memory_space<hbm>> -> memref<1x64xi32, #tpu.memory_space<hbm>>
        tpu.enqueue_dma source(%dma_start3A_165 : memref<1x64xi32, #tpu.memory_space<hbm>>) target(%arg9 : memref<1x64xi32, #tpu.memory_space<vmem>>) target_semaphore(%arg22 : memref<!tpu.dma_semaphore, #tpu.memory_space<semaphore_mem>>)
        %add3A_166 = arith.constant 1 : i32
        %add3A_167 = arith.addi %mul3A_66, %add3A_166 : i32
        %add3A_168 = arith.constant 4 : i32
        %add3A_169 = arith.addi %add3A_167, %add3A_168 : i32
        %mul3A_170 = arith.constant 64 : i32
        %mul3A_171 = arith.muli %add3A_169, %mul3A_170 : i32
        %dma_start3A_172 = tpu.memref_slice %arg7[%mul3A_171] : memref<10240xi32, #tpu.memory_space<vmem>> -> memref<64xi32, #tpu.memory_space<vmem>>
        %dma_start3A_173 = arith.constant 0 : i32
        %dma_start3A_174 = arith.constant 0 : i32
        %dma_start3A_175 = tpu.memref_slice %arg2[%dma_start3A_173, %dma_start3A_174] : memref<10240x128xf32, #tpu.memory_space<hbm>> -> memref<10240x128xf32, #tpu.memory_space<hbm>>
        tpu.enqueue_indirect_dma source(%dma_start3A_175 : memref<10240x128xf32, #tpu.memory_space<hbm>>) target(%arg13 : memref<64x128xf32, #tpu.memory_space<vmem>>) offsets(%dma_start3A_172 : memref<64xi32, #tpu.memory_space<vmem>>) semaphore(%arg18 : memref<!tpu.dma_semaphore, #tpu.memory_space<semaphore_mem>>)
      } else {
      }
      %add3A_108 = arith.constant 2 : i32
      %add3A_109 = arith.addi %mul3A_66, %add3A_108 : i32
      %mul3A_110 = arith.constant 64 : i32
      %mul3A_111 = arith.muli %add3A_109, %mul3A_110 : i32
      %dma_wait3A_112 = tpu.memref_slice %arg7[%mul3A_111] : memref<10240xi32, #tpu.memory_space<vmem>> -> memref<64xi32, #tpu.memory_space<vmem>>
      %dma_wait3A_113 = arith.constant 0 : i32
      %dma_wait3A_114 = arith.constant 0 : i32
      %dma_wait3A_115 = tpu.memref_slice %arg2[%dma_wait3A_113, %dma_wait3A_114] : memref<10240x128xf32, #tpu.memory_space<hbm>> -> memref<10240x128xf32, #tpu.memory_space<hbm>>
      tpu.wait_indirect_dma semaphore(%arg19 : memref<!tpu.dma_semaphore, #tpu.memory_space<semaphore_mem>>) src(%dma_wait3A_115 : memref<10240x128xf32, #tpu.memory_space<hbm>>) dst(%arg14 : memref<64x128xf32, #tpu.memory_space<vmem>>)
      %dma_wait3A_116 = arith.constant 0 : i32
      %dma_wait3A_117 = arith.constant 0 : i32
      %dma_wait3A_118 = arith.constant 0 : i32
      %dma_wait3A_119 = tpu.memref_slice %arg4[%add3A, %dma_wait3A_116, %dma_wait3A_117, %dma_wait3A_118] : memref<32x160x1x64xi32, #tpu.memory_space<hbm>> -> memref<1x1x1x64xi32, #tpu.memory_space<hbm>>
      %dma_wait3A_120 = tpu.memref_squeeze %dma_wait3A_119 : memref<1x1x1x64xi32, #tpu.memory_space<hbm>> -> memref<1x64xi32, #tpu.memory_space<hbm>>
      %dma_wait3A_121 = arith.constant 0 : i32
      %dma_wait3A_122 = arith.constant 0 : i32
      %dma_wait3A_123 = tpu.memref_slice %arg4[%add3A, %dma_wait3A_116, %dma_wait3A_121, %dma_wait3A_122] : memref<32x160x1x64xi32, #tpu.memory_space<hbm>> -> memref<1x1x1x64xi32, #tpu.memory_space<hbm>>
      %dma_wait3A_124 = tpu.memref_squeeze %dma_wait3A_123 : memref<1x1x1x64xi32, #tpu.memory_space<hbm>> -> memref<1x64xi32, #tpu.memory_space<hbm>>
      tpu.wait_dma2 semaphore(%arg23 : memref<!tpu.dma_semaphore, #tpu.memory_space<semaphore_mem>>) src(%dma_wait3A_124 : memref<1x64xi32, #tpu.memory_space<hbm>>) dst(%arg10 : memref<1x64xi32, #tpu.memory_space<vmem>>)
      %run_scoped3A_125 = arith.constant 0 : i32
      "tpu.region"() ({
        %run_scoped3A_154 = tpu.sem_alloc : memref<!tpu.dma_semaphore, #tpu.memory_space<semaphore_mem>>
        %dma_start3A_155 = arith.constant 0 : i32
        %dma_start3A_156 = tpu.memref_slice %arg10[%run_scoped3A_125, %dma_start3A_155] : memref<1x64xi32, #tpu.memory_space<vmem>> -> memref<1x64xi32, #tpu.memory_space<vmem>>
        %dma_start3A_157 = tpu.memref_squeeze %dma_start3A_156 : memref<1x64xi32, #tpu.memory_space<vmem>> -> memref<64xi32, #tpu.memory_space<vmem>>
        %dma_start3A_158 = arith.constant 0 : i32
        %dma_start3A_159 = arith.constant 0 : i32
        %dma_start3A_160 = tpu.memref_slice %arg16[%dma_start3A_158, %dma_start3A_159] : memref<10240x128xf32, #tpu.memory_space<vmem_shared>> -> memref<10240x128xf32, #tpu.memory_space<vmem_shared>>
        tpu.enqueue_indirect_dma source(%arg14 : memref<64x128xf32, #tpu.memory_space<vmem>>) target(%dma_start3A_160 : memref<10240x128xf32, #tpu.memory_space<vmem_shared>>) offsets(%dma_start3A_157 : memref<64xi32, #tpu.memory_space<vmem>>) semaphore(%run_scoped3A_154 : memref<!tpu.dma_semaphore, #tpu.memory_space<semaphore_mem>>) {add = true}
        %dma_wait3A_161 = arith.constant 0 : i32
        %dma_wait3A_162 = tpu.memref_slice %arg10[%run_scoped3A_125, %dma_wait3A_161] : memref<1x64xi32, #tpu.memory_space<vmem>> -> memref<1x64xi32, #tpu.memory_space<vmem>>
        %dma_wait3A_163 = tpu.memref_squeeze %dma_wait3A_162 : memref<1x64xi32, #tpu.memory_space<vmem>> -> memref<64xi32, #tpu.memory_space<vmem>>
        %dma_wait3A_164 = arith.constant 0 : i32
        %dma_wait3A_165 = arith.constant 0 : i32
        %dma_wait3A_166 = tpu.memref_slice %arg16[%dma_wait3A_164, %dma_wait3A_165] : memref<10240x128xf32, #tpu.memory_space<vmem_shared>> -> memref<10240x128xf32, #tpu.memory_space<vmem_shared>>
        tpu.wait_indirect_dma semaphore(%run_scoped3A_154 : memref<!tpu.dma_semaphore, #tpu.memory_space<semaphore_mem>>) src(%arg14 : memref<64x128xf32, #tpu.memory_space<vmem>>) dst(%dma_wait3A_166 : memref<10240x128xf32, #tpu.memory_space<vmem_shared>>)
        tpu.yield
      }) : () -> ()
      %lt3A_126 = arith.constant 39 : i32
      %lt3A_127 = arith.cmpi slt, %scan3A_64, %lt3A_126 : i32
      %convert_element_type3A_128 = arith.extui %lt3A_127 : i1 to i32
      %cond3A_129 = arith.constant 0 : i32
      %cond3A_130 = arith.cmpi ne, %convert_element_type3A_128, %cond3A_129 : i32
      scf.if %cond3A_130 {
        %add3A_154 = arith.constant 2 : i32
        %add3A_155 = arith.addi %mul3A_66, %add3A_154 : i32
        %add3A_156 = arith.constant 4 : i32
        %add3A_157 = arith.addi %add3A_155, %add3A_156 : i32
        %dma_start3A_158 = arith.constant 0 : i32
        %dma_start3A_159 = arith.constant 0 : i32
        %dma_start3A_160 = tpu.memref_slice %arg4[%add3A, %add3A_157, %dma_start3A_158, %dma_start3A_159] : memref<32x160x1x64xi32, #tpu.memory_space<hbm>> -> memref<1x1x1x64xi32, #tpu.memory_space<hbm>>
        %dma_start3A_161 = tpu.memref_squeeze %dma_start3A_160 : memref<1x1x1x64xi32, #tpu.memory_space<hbm>> -> memref<1x64xi32, #tpu.memory_space<hbm>>
        %dma_start3A_162 = arith.constant 0 : i32
        %dma_start3A_163 = arith.constant 0 : i32
        %dma_start3A_164 = tpu.memref_slice %arg4[%add3A, %add3A_157, %dma_start3A_162, %dma_start3A_163] : memref<32x160x1x64xi32, #tpu.memory_space<hbm>> -> memref<1x1x1x64xi32, #tpu.memory_space<hbm>>
        %dma_start3A_165 = tpu.memref_squeeze %dma_start3A_164 : memref<1x1x1x64xi32, #tpu.memory_space<hbm>> -> memref<1x64xi32, #tpu.memory_space<hbm>>
        tpu.enqueue_dma source(%dma_start3A_165 : memref<1x64xi32, #tpu.memory_space<hbm>>) target(%arg10 : memref<1x64xi32, #tpu.memory_space<vmem>>) target_semaphore(%arg23 : memref<!tpu.dma_semaphore, #tpu.memory_space<semaphore_mem>>)
        %add3A_166 = arith.constant 2 : i32
        %add3A_167 = arith.addi %mul3A_66, %add3A_166 : i32
        %add3A_168 = arith.constant 4 : i32
        %add3A_169 = arith.addi %add3A_167, %add3A_168 : i32
        %mul3A_170 = arith.constant 64 : i32
        %mul3A_171 = arith.muli %add3A_169, %mul3A_170 : i32
        %dma_start3A_172 = tpu.memref_slice %arg7[%mul3A_171] : memref<10240xi32, #tpu.memory_space<vmem>> -> memref<64xi32, #tpu.memory_space<vmem>>
        %dma_start3A_173 = arith.constant 0 : i32
        %dma_start3A_174 = arith.constant 0 : i32
        %dma_start3A_175 = tpu.memref_slice %arg2[%dma_start3A_173, %dma_start3A_174] : memref<10240x128xf32, #tpu.memory_space<hbm>> -> memref<10240x128xf32, #tpu.memory_space<hbm>>
        tpu.enqueue_indirect_dma source(%dma_start3A_175 : memref<10240x128xf32, #tpu.memory_space<hbm>>) target(%arg14 : memref<64x128xf32, #tpu.memory_space<vmem>>) offsets(%dma_start3A_172 : memref<64xi32, #tpu.memory_space<vmem>>) semaphore(%arg19 : memref<!tpu.dma_semaphore, #tpu.memory_space<semaphore_mem>>)
      } else {
      }
      %add3A_131 = arith.constant 3 : i32
      %add3A_132 = arith.addi %mul3A_66, %add3A_131 : i32
      %mul3A_133 = arith.constant 64 : i32
      %mul3A_134 = arith.muli %add3A_132, %mul3A_133 : i32
      %dma_wait3A_135 = tpu.memref_slice %arg7[%mul3A_134] : memref<10240xi32, #tpu.memory_space<vmem>> -> memref<64xi32, #tpu.memory_space<vmem>>
      %dma_wait3A_136 = arith.constant 0 : i32
      %dma_wait3A_137 = arith.constant 0 : i32
      %dma_wait3A_138 = tpu.memref_slice %arg2[%dma_wait3A_136, %dma_wait3A_137] : memref<10240x128xf32, #tpu.memory_space<hbm>> -> memref<10240x128xf32, #tpu.memory_space<hbm>>
      tpu.wait_indirect_dma semaphore(%arg20 : memref<!tpu.dma_semaphore, #tpu.memory_space<semaphore_mem>>) src(%dma_wait3A_138 : memref<10240x128xf32, #tpu.memory_space<hbm>>) dst(%arg15 : memref<64x128xf32, #tpu.memory_space<vmem>>)
      %dma_wait3A_139 = arith.constant 0 : i32
      %dma_wait3A_140 = arith.constant 0 : i32
      %dma_wait3A_141 = arith.constant 0 : i32
      %dma_wait3A_142 = tpu.memref_slice %arg4[%add3A, %dma_wait3A_139, %dma_wait3A_140, %dma_wait3A_141] : memref<32x160x1x64xi32, #tpu.memory_space<hbm>> -> memref<1x1x1x64xi32, #tpu.memory_space<hbm>>
      %dma_wait3A_143 = tpu.memref_squeeze %dma_wait3A_142 : memref<1x1x1x64xi32, #tpu.memory_space<hbm>> -> memref<1x64xi32, #tpu.memory_space<hbm>>
      %dma_wait3A_144 = arith.constant 0 : i32
      %dma_wait3A_145 = arith.constant 0 : i32
      %dma_wait3A_146 = tpu.memref_slice %arg4[%add3A, %dma_wait3A_139, %dma_wait3A_144, %dma_wait3A_145] : memref<32x160x1x64xi32, #tpu.memory_space<hbm>> -> memref<1x1x1x64xi32, #tpu.memory_space<hbm>>
      %dma_wait3A_147 = tpu.memref_squeeze %dma_wait3A_146 : memref<1x1x1x64xi32, #tpu.memory_space<hbm>> -> memref<1x64xi32, #tpu.memory_space<hbm>>
      tpu.wait_dma2 semaphore(%arg24 : memref<!tpu.dma_semaphore, #tpu.memory_space<semaphore_mem>>) src(%dma_wait3A_147 : memref<1x64xi32, #tpu.memory_space<hbm>>) dst(%arg11 : memref<1x64xi32, #tpu.memory_space<vmem>>)
      %run_scoped3A_148 = arith.constant 0 : i32
      "tpu.region"() ({
        %run_scoped3A_154 = tpu.sem_alloc : memref<!tpu.dma_semaphore, #tpu.memory_space<semaphore_mem>>
        %dma_start3A_155 = arith.constant 0 : i32
        %dma_start3A_156 = tpu.memref_slice %arg11[%run_scoped3A_148, %dma_start3A_155] : memref<1x64xi32, #tpu.memory_space<vmem>> -> memref<1x64xi32, #tpu.memory_space<vmem>>
        %dma_start3A_157 = tpu.memref_squeeze %dma_start3A_156 : memref<1x64xi32, #tpu.memory_space<vmem>> -> memref<64xi32, #tpu.memory_space<vmem>>
        %dma_start3A_158 = arith.constant 0 : i32
        %dma_start3A_159 = arith.constant 0 : i32
        %dma_start3A_160 = tpu.memref_slice %arg16[%dma_start3A_158, %dma_start3A_159] : memref<10240x128xf32, #tpu.memory_space<vmem_shared>> -> memref<10240x128xf32, #tpu.memory_space<vmem_shared>>
        tpu.enqueue_indirect_dma source(%arg15 : memref<64x128xf32, #tpu.memory_space<vmem>>) target(%dma_start3A_160 : memref<10240x128xf32, #tpu.memory_space<vmem_shared>>) offsets(%dma_start3A_157 : memref<64xi32, #tpu.memory_space<vmem>>) semaphore(%run_scoped3A_154 : memref<!tpu.dma_semaphore, #tpu.memory_space<semaphore_mem>>) {add = true}
        %dma_wait3A_161 = arith.constant 0 : i32
        %dma_wait3A_162 = tpu.memref_slice %arg11[%run_scoped3A_148, %dma_wait3A_161] : memref<1x64xi32, #tpu.memory_space<vmem>> -> memref<1x64xi32, #tpu.memory_space<vmem>>
        %dma_wait3A_163 = tpu.memref_squeeze %dma_wait3A_162 : memref<1x64xi32, #tpu.memory_space<vmem>> -> memref<64xi32, #tpu.memory_space<vmem>>
        %dma_wait3A_164 = arith.constant 0 : i32
        %dma_wait3A_165 = arith.constant 0 : i32
        %dma_wait3A_166 = tpu.memref_slice %arg16[%dma_wait3A_164, %dma_wait3A_165] : memref<10240x128xf32, #tpu.memory_space<vmem_shared>> -> memref<10240x128xf32, #tpu.memory_space<vmem_shared>>
        tpu.wait_indirect_dma semaphore(%run_scoped3A_154 : memref<!tpu.dma_semaphore, #tpu.memory_space<semaphore_mem>>) src(%arg15 : memref<64x128xf32, #tpu.memory_space<vmem>>) dst(%dma_wait3A_166 : memref<10240x128xf32, #tpu.memory_space<vmem_shared>>)
        tpu.yield
      }) : () -> ()
      %lt3A_149 = arith.constant 39 : i32
      %lt3A_150 = arith.cmpi slt, %scan3A_64, %lt3A_149 : i32
      %convert_element_type3A_151 = arith.extui %lt3A_150 : i1 to i32
      %cond3A_152 = arith.constant 0 : i32
      %cond3A_153 = arith.cmpi ne, %convert_element_type3A_151, %cond3A_152 : i32
      scf.if %cond3A_153 {
        %add3A_154 = arith.constant 3 : i32
        %add3A_155 = arith.addi %mul3A_66, %add3A_154 : i32
        %add3A_156 = arith.constant 4 : i32
        %add3A_157 = arith.addi %add3A_155, %add3A_156 : i32
        %dma_start3A_158 = arith.constant 0 : i32
        %dma_start3A_159 = arith.constant 0 : i32
        %dma_start3A_160 = tpu.memref_slice %arg4[%add3A, %add3A_157, %dma_start3A_158, %dma_start3A_159] : memref<32x160x1x64xi32, #tpu.memory_space<hbm>> -> memref<1x1x1x64xi32, #tpu.memory_space<hbm>>
        %dma_start3A_161 = tpu.memref_squeeze %dma_start3A_160 : memref<1x1x1x64xi32, #tpu.memory_space<hbm>> -> memref<1x64xi32, #tpu.memory_space<hbm>>
        %dma_start3A_162 = arith.constant 0 : i32
        %dma_start3A_163 = arith.constant 0 : i32
        %dma_start3A_164 = tpu.memref_slice %arg4[%add3A, %add3A_157, %dma_start3A_162, %dma_start3A_163] : memref<32x160x1x64xi32, #tpu.memory_space<hbm>> -> memref<1x1x1x64xi32, #tpu.memory_space<hbm>>
        %dma_start3A_165 = tpu.memref_squeeze %dma_start3A_164 : memref<1x1x1x64xi32, #tpu.memory_space<hbm>> -> memref<1x64xi32, #tpu.memory_space<hbm>>
        tpu.enqueue_dma source(%dma_start3A_165 : memref<1x64xi32, #tpu.memory_space<hbm>>) target(%arg11 : memref<1x64xi32, #tpu.memory_space<vmem>>) target_semaphore(%arg24 : memref<!tpu.dma_semaphore, #tpu.memory_space<semaphore_mem>>)
        %add3A_166 = arith.constant 3 : i32
        %add3A_167 = arith.addi %mul3A_66, %add3A_166 : i32
        %add3A_168 = arith.constant 4 : i32
        %add3A_169 = arith.addi %add3A_167, %add3A_168 : i32
        %mul3A_170 = arith.constant 64 : i32
        %mul3A_171 = arith.muli %add3A_169, %mul3A_170 : i32
        %dma_start3A_172 = tpu.memref_slice %arg7[%mul3A_171] : memref<10240xi32, #tpu.memory_space<vmem>> -> memref<64xi32, #tpu.memory_space<vmem>>
        %dma_start3A_173 = arith.constant 0 : i32
        %dma_start3A_174 = arith.constant 0 : i32
        %dma_start3A_175 = tpu.memref_slice %arg2[%dma_start3A_173, %dma_start3A_174] : memref<10240x128xf32, #tpu.memory_space<hbm>> -> memref<10240x128xf32, #tpu.memory_space<hbm>>
        tpu.enqueue_indirect_dma source(%dma_start3A_175 : memref<10240x128xf32, #tpu.memory_space<hbm>>) target(%arg15 : memref<64x128xf32, #tpu.memory_space<vmem>>) offsets(%dma_start3A_172 : memref<64xi32, #tpu.memory_space<vmem>>) semaphore(%arg20 : memref<!tpu.dma_semaphore, #tpu.memory_space<semaphore_mem>>)
      } else {
      }
    }
    %scan3A_62 = arith.constant 40 : i32
    %barrier3A_63 = arith.constant 0 : index
    tpu.barrier barrier_id(%barrier3A_63)
    "tpu.region"() ({
      %run_scoped3A = tpu.sem_alloc : memref<!tpu.dma_semaphore, #tpu.memory_space<semaphore_mem>>
      %dma_start3A_64 = arith.constant 0 : i32
      %dma_start3A_65 = tpu.memref_slice %arg6[%arg0, %mul3A_2, %dma_start3A_64] : memref<2x10240x128xf32, #tpu.memory_space<hbm>> -> memref<1x640x128xf32, #tpu.memory_space<hbm>>
      %dma_start3A_66 = tpu.memref_squeeze %dma_start3A_65 : memref<1x640x128xf32, #tpu.memory_space<hbm>> -> memref<640x128xf32, #tpu.memory_space<hbm>>
      %dma_start3A_67 = arith.constant 0 : i32
      %dma_start3A_68 = tpu.memref_slice %arg16[%mul3A_2, %dma_start3A_67] : memref<10240x128xf32, #tpu.memory_space<vmem_shared>> -> memref<640x128xf32, #tpu.memory_space<vmem_shared>>
      tpu.enqueue_dma source(%dma_start3A_68 : memref<640x128xf32, #tpu.memory_space<vmem_shared>>) target(%dma_start3A_66 : memref<640x128xf32, #tpu.memory_space<hbm>>) target_semaphore(%run_scoped3A : memref<!tpu.dma_semaphore, #tpu.memory_space<semaphore_mem>>)
      %dma_wait3A = arith.constant 0 : i32
      %dma_wait3A_69 = tpu.memref_slice %arg6[%arg0, %mul3A_2, %dma_wait3A] : memref<2x10240x128xf32, #tpu.memory_space<hbm>> -> memref<1x640x128xf32, #tpu.memory_space<hbm>>
      %dma_wait3A_70 = tpu.memref_squeeze %dma_wait3A_69 : memref<1x640x128xf32, #tpu.memory_space<hbm>> -> memref<640x128xf32, #tpu.memory_space<hbm>>
      %dma_wait3A_71 = arith.constant 0 : i32
      %dma_wait3A_72 = tpu.memref_slice %arg16[%mul3A_2, %dma_wait3A_71] : memref<10240x128xf32, #tpu.memory_space<vmem_shared>> -> memref<640x128xf32, #tpu.memory_space<vmem_shared>>
      tpu.wait_dma2 semaphore(%run_scoped3A : memref<!tpu.dma_semaphore, #tpu.memory_space<semaphore_mem>>) src(%dma_wait3A_72 : memref<640x128xf32, #tpu.memory_space<vmem_shared>>) dst(%dma_wait3A_70 : memref<640x128xf32, #tpu.memory_space<hbm>>)
      tpu.yield
    }) : () -> ()
    return
  }
}

#map = affine_map<(d0, d1) -> (0, 0)>
#map1 = affine_map<(d0, d1) -> (0)>
module attributes {stable_mosaic.version = 14 : i64} {
  func.func @_deg(%arg0: i32, %arg1: i32, %arg2: memref<32x10240xi32, #tpu.memory_space<hbm>>, %arg3: memref<10240xf32, #tpu.memory_space<hbm>>, %arg4: memref<32x10240xf32, #tpu.memory_space<hbm>>, %arg5: memref<10240xf32, #tpu.memory_space<vmem>>, %arg6: memref<10240xi32, #tpu.memory_space<vmem>>) attributes {dimension_semantics = [#tpu.dimension_semantics<core_parallel>, #tpu.dimension_semantics<subcore_parallel>], iteration_bounds = array<i64: 2, 16>, scalar_prefetch = 0 : i64, scratch_operands = 2 : i64, tpu.core_type = #tpu.core_type<sc_vector_subcore>, window_params = [{transform_indices = #map}, {transform_indices = #map1}, {transform_indices = #map}]} {
    %mul3A = arith.constant 2 : i32
    %mul3A_0 = arith.muli %arg1, %mul3A : i32
    %add3A = arith.addi %mul3A_0, %arg0 : i32
    "tpu.region"() ({
      %run_scoped3A = tpu.sem_alloc : memref<!tpu.dma_semaphore, #tpu.memory_space<semaphore_mem>>
      tpu.enqueue_dma source(%arg3 : memref<10240xf32, #tpu.memory_space<hbm>>) target(%arg5 : memref<10240xf32, #tpu.memory_space<vmem>>) target_semaphore(%run_scoped3A : memref<!tpu.dma_semaphore, #tpu.memory_space<semaphore_mem>>)
      tpu.wait_dma2 semaphore(%run_scoped3A : memref<!tpu.dma_semaphore, #tpu.memory_space<semaphore_mem>>) src(%arg3 : memref<10240xf32, #tpu.memory_space<hbm>>) dst(%arg5 : memref<10240xf32, #tpu.memory_space<vmem>>)
      tpu.yield
    }) : () -> ()
    "tpu.region"() ({
      %run_scoped3A = tpu.sem_alloc : memref<!tpu.dma_semaphore, #tpu.memory_space<semaphore_mem>>
      %dma_start3A = arith.constant 0 : i32
      %dma_start3A_7 = tpu.memref_slice %arg2[%add3A, %dma_start3A] : memref<32x10240xi32, #tpu.memory_space<hbm>> -> memref<1x10240xi32, #tpu.memory_space<hbm>>
      %dma_start3A_8 = tpu.memref_squeeze %dma_start3A_7 : memref<1x10240xi32, #tpu.memory_space<hbm>> -> memref<10240xi32, #tpu.memory_space<hbm>>
      %dma_start3A_9 = arith.constant 0 : i32
      %dma_start3A_10 = tpu.memref_slice %arg2[%add3A, %dma_start3A_9] : memref<32x10240xi32, #tpu.memory_space<hbm>> -> memref<1x10240xi32, #tpu.memory_space<hbm>>
      %dma_start3A_11 = tpu.memref_squeeze %dma_start3A_10 : memref<1x10240xi32, #tpu.memory_space<hbm>> -> memref<10240xi32, #tpu.memory_space<hbm>>
      tpu.enqueue_dma source(%dma_start3A_11 : memref<10240xi32, #tpu.memory_space<hbm>>) target(%arg6 : memref<10240xi32, #tpu.memory_space<vmem>>) target_semaphore(%run_scoped3A : memref<!tpu.dma_semaphore, #tpu.memory_space<semaphore_mem>>)
      %dma_wait3A = arith.constant 0 : i32
      %dma_wait3A_12 = tpu.memref_slice %arg2[%add3A, %dma_wait3A] : memref<32x10240xi32, #tpu.memory_space<hbm>> -> memref<1x10240xi32, #tpu.memory_space<hbm>>
      %dma_wait3A_13 = tpu.memref_squeeze %dma_wait3A_12 : memref<1x10240xi32, #tpu.memory_space<hbm>> -> memref<10240xi32, #tpu.memory_space<hbm>>
      %dma_wait3A_14 = arith.constant 0 : i32
      %dma_wait3A_15 = tpu.memref_slice %arg2[%add3A, %dma_wait3A_14] : memref<32x10240xi32, #tpu.memory_space<hbm>> -> memref<1x10240xi32, #tpu.memory_space<hbm>>
      %dma_wait3A_16 = tpu.memref_squeeze %dma_wait3A_15 : memref<1x10240xi32, #tpu.memory_space<hbm>> -> memref<10240xi32, #tpu.memory_space<hbm>>
      tpu.wait_dma2 semaphore(%run_scoped3A : memref<!tpu.dma_semaphore, #tpu.memory_space<semaphore_mem>>) src(%dma_wait3A_16 : memref<10240xi32, #tpu.memory_space<hbm>>) dst(%arg6 : memref<10240xi32, #tpu.memory_space<vmem>>)
      tpu.yield
    }) : () -> ()
    %broadcast_in_dim3A = arith.constant 1.000000e+00 : f32
    %broadcast_in_dim3A_1 = vector.broadcast %broadcast_in_dim3A : f32 to vector<16xf32>
    %scan3A = arith.constant 0 : i32
    %scan3A_2 = arith.constant 0 : i32
    %scan3A_3 = arith.constant 80 : i32
    %scan3A_4 = arith.addi %scan3A_2, %scan3A_3 : i32
    %scan3A_5 = arith.constant 1 : i32
    scf.for %scan3A_7 = %scan3A_2 to %scan3A_4 step %scan3A_5  : i32 {
      %mul3A_8 = arith.constant 128 : i32
      %mul3A_9 = arith.muli %scan3A_7, %mul3A_8 : i32
      %add3A_10 = arith.constant 0 : i32
      %add3A_11 = arith.addi %mul3A_9, %add3A_10 : i32
      %get3A = arith.index_cast %add3A_11 : i32 to index
      %get3A_12 = tpu.vector_load %arg6[%get3A] {strides = array<i32>} : memref<10240xi32, #tpu.memory_space<vmem>>, vector<16xi32>,
      tpu.vector_store_idx %arg5[%get3A_12], %broadcast_in_dim3A_1 {add = true} : memref<10240xf32, #tpu.memory_space<vmem>>[vector<16xi32>], vector<16xf32>,
      %mul3A_13 = arith.constant 128 : i32
      %mul3A_14 = arith.muli %scan3A_7, %mul3A_13 : i32
      %add3A_15 = arith.constant 16 : i32
      %add3A_16 = arith.addi %mul3A_14, %add3A_15 : i32
      %get3A_17 = arith.index_cast %add3A_16 : i32 to index
      %get3A_18 = tpu.vector_load %arg6[%get3A_17] {strides = array<i32>} : memref<10240xi32, #tpu.memory_space<vmem>>, vector<16xi32>,
      tpu.vector_store_idx %arg5[%get3A_18], %broadcast_in_dim3A_1 {add = true} : memref<10240xf32, #tpu.memory_space<vmem>>[vector<16xi32>], vector<16xf32>,
      %mul3A_19 = arith.constant 128 : i32
      %mul3A_20 = arith.muli %scan3A_7, %mul3A_19 : i32
      %add3A_21 = arith.constant 32 : i32
      %add3A_22 = arith.addi %mul3A_20, %add3A_21 : i32
      %get3A_23 = arith.index_cast %add3A_22 : i32 to index
      %get3A_24 = tpu.vector_load %arg6[%get3A_23] {strides = array<i32>} : memref<10240xi32, #tpu.memory_space<vmem>>, vector<16xi32>,
      tpu.vector_store_idx %arg5[%get3A_24], %broadcast_in_dim3A_1 {add = true} : memref<10240xf32, #tpu.memory_space<vmem>>[vector<16xi32>], vector<16xf32>,
      %mul3A_25 = arith.constant 128 : i32
      %mul3A_26 = arith.muli %scan3A_7, %mul3A_25 : i32
      %add3A_27 = arith.constant 48 : i32
      %add3A_28 = arith.addi %mul3A_26, %add3A_27 : i32
      %get3A_29 = arith.index_cast %add3A_28 : i32 to index
      %get3A_30 = tpu.vector_load %arg6[%get3A_29] {strides = array<i32>} : memref<10240xi32, #tpu.memory_space<vmem>>, vector<16xi32>,
      tpu.vector_store_idx %arg5[%get3A_30], %broadcast_in_dim3A_1 {add = true} : memref<10240xf32, #tpu.memory_space<vmem>>[vector<16xi32>], vector<16xf32>,
      %mul3A_31 = arith.constant 128 : i32
      %mul3A_32 = arith.muli %scan3A_7, %mul3A_31 : i32
      %add3A_33 = arith.constant 64 : i32
      %add3A_34 = arith.addi %mul3A_32, %add3A_33 : i32
      %get3A_35 = arith.index_cast %add3A_34 : i32 to index
      %get3A_36 = tpu.vector_load %arg6[%get3A_35] {strides = array<i32>} : memref<10240xi32, #tpu.memory_space<vmem>>, vector<16xi32>,
      tpu.vector_store_idx %arg5[%get3A_36], %broadcast_in_dim3A_1 {add = true} : memref<10240xf32, #tpu.memory_space<vmem>>[vector<16xi32>], vector<16xf32>,
      %mul3A_37 = arith.constant 128 : i32
      %mul3A_38 = arith.muli %scan3A_7, %mul3A_37 : i32
      %add3A_39 = arith.constant 80 : i32
      %add3A_40 = arith.addi %mul3A_38, %add3A_39 : i32
      %get3A_41 = arith.index_cast %add3A_40 : i32 to index
      %get3A_42 = tpu.vector_load %arg6[%get3A_41] {strides = array<i32>} : memref<10240xi32, #tpu.memory_space<vmem>>, vector<16xi32>,
      tpu.vector_store_idx %arg5[%get3A_42], %broadcast_in_dim3A_1 {add = true} : memref<10240xf32, #tpu.memory_space<vmem>>[vector<16xi32>], vector<16xf32>,
      %mul3A_43 = arith.constant 128 : i32
      %mul3A_44 = arith.muli %scan3A_7, %mul3A_43 : i32
      %add3A_45 = arith.constant 96 : i32
      %add3A_46 = arith.addi %mul3A_44, %add3A_45 : i32
      %get3A_47 = arith.index_cast %add3A_46 : i32 to index
      %get3A_48 = tpu.vector_load %arg6[%get3A_47] {strides = array<i32>} : memref<10240xi32, #tpu.memory_space<vmem>>, vector<16xi32>,
      tpu.vector_store_idx %arg5[%get3A_48], %broadcast_in_dim3A_1 {add = true} : memref<10240xf32, #tpu.memory_space<vmem>>[vector<16xi32>], vector<16xf32>,
      %mul3A_49 = arith.constant 128 : i32
      %mul3A_50 = arith.muli %scan3A_7, %mul3A_49 : i32
      %add3A_51 = arith.constant 112 : i32
      %add3A_52 = arith.addi %mul3A_50, %add3A_51 : i32
      %get3A_53 = arith.index_cast %add3A_52 : i32 to index
      %get3A_54 = tpu.vector_load %arg6[%get3A_53] {strides = array<i32>} : memref<10240xi32, #tpu.memory_space<vmem>>, vector<16xi32>,
      tpu.vector_store_idx %arg5[%get3A_54], %broadcast_in_dim3A_1 {add = true} : memref<10240xf32, #tpu.memory_space<vmem>>[vector<16xi32>], vector<16xf32>,
    }
    %scan3A_6 = arith.constant 80 : i32
    "tpu.region"() ({
      %run_scoped3A = tpu.sem_alloc : memref<!tpu.dma_semaphore, #tpu.memory_space<semaphore_mem>>
      %dma_start3A = arith.constant 0 : i32
      %dma_start3A_7 = tpu.memref_slice %arg4[%add3A, %dma_start3A] : memref<32x10240xf32, #tpu.memory_space<hbm>> -> memref<1x10240xf32, #tpu.memory_space<hbm>>
      %dma_start3A_8 = tpu.memref_squeeze %dma_start3A_7 : memref<1x10240xf32, #tpu.memory_space<hbm>> -> memref<10240xf32, #tpu.memory_space<hbm>>
      %dma_start3A_9 = arith.constant 0 : i32
      %dma_start3A_10 = tpu.memref_slice %arg4[%add3A, %dma_start3A_9] : memref<32x10240xf32, #tpu.memory_space<hbm>> -> memref<1x10240xf32, #tpu.memory_space<hbm>>
      %dma_start3A_11 = tpu.memref_squeeze %dma_start3A_10 : memref<1x10240xf32, #tpu.memory_space<hbm>> -> memref<10240xf32, #tpu.memory_space<hbm>>
      tpu.enqueue_dma source(%arg5 : memref<10240xf32, #tpu.memory_space<vmem>>) target(%dma_start3A_11 : memref<10240xf32, #tpu.memory_space<hbm>>) target_semaphore(%run_scoped3A : memref<!tpu.dma_semaphore, #tpu.memory_space<semaphore_mem>>)
      %dma_wait3A = arith.constant 0 : i32
      %dma_wait3A_12 = tpu.memref_slice %arg4[%add3A, %dma_wait3A] : memref<32x10240xf32, #tpu.memory_space<hbm>> -> memref<1x10240xf32, #tpu.memory_space<hbm>>
      %dma_wait3A_13 = tpu.memref_squeeze %dma_wait3A_12 : memref<1x10240xf32, #tpu.memory_space<hbm>> -> memref<10240xf32, #tpu.memory_space<hbm>>
      %dma_wait3A_14 = arith.constant 0 : i32
      %dma_wait3A_15 = tpu.memref_slice %arg4[%add3A, %dma_wait3A_14] : memref<32x10240xf32, #tpu.memory_space<hbm>> -> memref<1x10240xf32, #tpu.memory_space<hbm>>
      %dma_wait3A_16 = tpu.memref_squeeze %dma_wait3A_15 : memref<1x10240xf32, #tpu.memory_space<hbm>> -> memref<10240xf32, #tpu.memory_space<hbm>>
      tpu.wait_dma2 semaphore(%run_scoped3A : memref<!tpu.dma_semaphore, #tpu.memory_space<semaphore_mem>>) src(%arg5 : memref<10240xf32, #tpu.memory_space<vmem>>) dst(%dma_wait3A_16 : memref<10240xf32, #tpu.memory_space<hbm>>)
      tpu.yield
    }) : () -> ()
    return
  }
}

#map = affine_map<(d0, d1) -> (0, 0)>
#map1 = affine_map<(d0, d1) -> (0, 0, 0, 0)>
#map2 = affine_map<(d0, d1) -> (0, 0, 0)>
module attributes {stable_mosaic.version = 14 : i64} {
  func.func @_edge_scatter(%arg0: i32, %arg1: i32, %arg2: memref<10240x128xf32, #tpu.memory_space<hbm>>, %arg3: memref<32x10240xi32, #tpu.memory_space<hbm>>, %arg4: memref<32x160x1x64xi32, #tpu.memory_space<hbm>>, %arg5: memref<10240x128xf32, #tpu.memory_space<hbm>>, %arg6: memref<2x10240x128xf32, #tpu.memory_space<hbm>>, %arg7: memref<10240xi32, #tpu.memory_space<vmem>>, %arg8: memref<1x64xi32, #tpu.memory_space<vmem>>, %arg9: memref<1x64xi32, #tpu.memory_space<vmem>>, %arg10: memref<1x64xi32, #tpu.memory_space<vmem>>, %arg11: memref<1x64xi32, #tpu.memory_space<vmem>>, %arg12: memref<64x128xf32, #tpu.memory_space<vmem>>, %arg13: memref<64x128xf32, #tpu.memory_space<vmem>>, %arg14: memref<64x128xf32, #tpu.memory_space<vmem>>, %arg15: memref<64x128xf32, #tpu.memory_space<vmem>>, %arg16: memref<10240x128xf32, #tpu.memory_space<vmem_shared>>, %arg17: memref<!tpu.dma_semaphore, #tpu.memory_space<semaphore_mem>>, %arg18: memref<!tpu.dma_semaphore, #tpu.memory_space<semaphore_mem>>, %arg19: memref<!tpu.dma_semaphore, #tpu.memory_space<semaphore_mem>>, %arg20: memref<!tpu.dma_semaphore, #tpu.memory_space<semaphore_mem>>, %arg21: memref<!tpu.dma_semaphore, #tpu.memory_space<semaphore_mem>>, %arg22: memref<!tpu.dma_semaphore, #tpu.memory_space<semaphore_mem>>, %arg23: memref<!tpu.dma_semaphore, #tpu.memory_space<semaphore_mem>>, %arg24: memref<!tpu.dma_semaphore, #tpu.memory_space<semaphore_mem>>) attributes {dimension_semantics = [#tpu.dimension_semantics<core_parallel>, #tpu.dimension_semantics<subcore_parallel>], iteration_bounds = array<i64: 2, 16>, scalar_prefetch = 0 : i64, scratch_operands = 18 : i64, tpu.core_type = #tpu.core_type<sc_vector_subcore>, window_params = [{transform_indices = #map}, {transform_indices = #map}, {transform_indices = #map1}, {transform_indices = #map}, {transform_indices = #map2}]} {
    %mul3A = arith.constant 2 : i32
    %mul3A_0 = arith.muli %arg1, %mul3A : i32
    %add3A = arith.addi %mul3A_0, %arg0 : i32
    %mul3A_1 = arith.constant 640 : i32
    %mul3A_2 = arith.muli %arg1, %mul3A_1 : i32
    "tpu.region"() ({
      %run_scoped3A = tpu.sem_alloc : memref<!tpu.dma_semaphore, #tpu.memory_space<semaphore_mem>>
      %dma_start3A_64 = arith.constant 0 : i32
      %dma_start3A_65 = tpu.memref_slice %arg3[%add3A, %dma_start3A_64] : memref<32x10240xi32, #tpu.memory_space<hbm>> -> memref<1x10240xi32, #tpu.memory_space<hbm>>
      %dma_start3A_66 = tpu.memref_squeeze %dma_start3A_65 : memref<1x10240xi32, #tpu.memory_space<hbm>> -> memref<10240xi32, #tpu.memory_space<hbm>>
      %dma_start3A_67 = arith.constant 0 : i32
      %dma_start3A_68 = tpu.memref_slice %arg3[%add3A, %dma_start3A_67] : memref<32x10240xi32, #tpu.memory_space<hbm>> -> memref<1x10240xi32, #tpu.memory_space<hbm>>
      %dma_start3A_69 = tpu.memref_squeeze %dma_start3A_68 : memref<1x10240xi32, #tpu.memory_space<hbm>> -> memref<10240xi32, #tpu.memory_space<hbm>>
      tpu.enqueue_dma source(%dma_start3A_69 : memref<10240xi32, #tpu.memory_space<hbm>>) target(%arg7 : memref<10240xi32, #tpu.memory_space<vmem>>) target_semaphore(%run_scoped3A : memref<!tpu.dma_semaphore, #tpu.memory_space<semaphore_mem>>)
      %dma_wait3A = arith.constant 0 : i32
      %dma_wait3A_70 = tpu.memref_slice %arg3[%add3A, %dma_wait3A] : memref<32x10240xi32, #tpu.memory_space<hbm>> -> memref<1x10240xi32, #tpu.memory_space<hbm>>
      %dma_wait3A_71 = tpu.memref_squeeze %dma_wait3A_70 : memref<1x10240xi32, #tpu.memory_space<hbm>> -> memref<10240xi32, #tpu.memory_space<hbm>>
      %dma_wait3A_72 = arith.constant 0 : i32
      %dma_wait3A_73 = tpu.memref_slice %arg3[%add3A, %dma_wait3A_72] : memref<32x10240xi32, #tpu.memory_space<hbm>> -> memref<1x10240xi32, #tpu.memory_space<hbm>>
      %dma_wait3A_74 = tpu.memref_squeeze %dma_wait3A_73 : memref<1x10240xi32, #tpu.memory_space<hbm>> -> memref<10240xi32, #tpu.memory_space<hbm>>
      tpu.wait_dma2 semaphore(%run_scoped3A : memref<!tpu.dma_semaphore, #tpu.memory_space<semaphore_mem>>) src(%dma_wait3A_74 : memref<10240xi32, #tpu.memory_space<hbm>>) dst(%arg7 : memref<10240xi32, #tpu.memory_space<vmem>>)
      tpu.yield
    }) : () -> ()
    "tpu.region"() ({
      %run_scoped3A = tpu.sem_alloc : memref<!tpu.dma_semaphore, #tpu.memory_space<semaphore_mem>>
      %dma_start3A_64 = arith.constant 0 : i32
      %dma_start3A_65 = tpu.memref_slice %arg16[%mul3A_2, %dma_start3A_64] : memref<10240x128xf32, #tpu.memory_space<vmem_shared>> -> memref<640x128xf32, #tpu.memory_space<vmem_shared>>
      %dma_start3A_66 = arith.constant 0 : i32
      %dma_start3A_67 = tpu.memref_slice %arg5[%mul3A_2, %dma_start3A_66] : memref<10240x128xf32, #tpu.memory_space<hbm>> -> memref<640x128xf32, #tpu.memory_space<hbm>>
      tpu.enqueue_dma source(%dma_start3A_67 : memref<640x128xf32, #tpu.memory_space<hbm>>) target(%dma_start3A_65 : memref<640x128xf32, #tpu.memory_space<vmem_shared>>) target_semaphore(%run_scoped3A : memref<!tpu.dma_semaphore, #tpu.memory_space<semaphore_mem>>)
      %dma_wait3A = arith.constant 0 : i32
      %dma_wait3A_68 = tpu.memref_slice %arg16[%mul3A_2, %dma_wait3A] : memref<10240x128xf32, #tpu.memory_space<vmem_shared>> -> memref<640x128xf32, #tpu.memory_space<vmem_shared>>
      %dma_wait3A_69 = arith.constant 0 : i32
      %dma_wait3A_70 = tpu.memref_slice %arg5[%mul3A_2, %dma_wait3A_69] : memref<10240x128xf32, #tpu.memory_space<hbm>> -> memref<640x128xf32, #tpu.memory_space<hbm>>
      tpu.wait_dma2 semaphore(%run_scoped3A : memref<!tpu.dma_semaphore, #tpu.memory_space<semaphore_mem>>) src(%dma_wait3A_70 : memref<640x128xf32, #tpu.memory_space<hbm>>) dst(%dma_wait3A_68 : memref<640x128xf32, #tpu.memory_space<vmem_shared>>)
      tpu.yield
    }) : () -> ()
    %barrier3A = arith.constant 0 : index
    tpu.barrier barrier_id(%barrier3A)
    %dma_start3A = arith.constant 0 : i32
    %dma_start3A_3 = arith.constant 0 : i32
    %dma_start3A_4 = arith.constant 0 : i32
    %dma_start3A_5 = tpu.memref_slice %arg4[%add3A, %dma_start3A, %dma_start3A_3, %dma_start3A_4] : memref<32x160x1x64xi32, #tpu.memory_space<hbm>> -> memref<1x1x1x64xi32, #tpu.memory_space<hbm>>
    %dma_start3A_6 = tpu.memref_squeeze %dma_start3A_5 : memref<1x1x1x64xi32, #tpu.memory_space<hbm>> -> memref<1x64xi32, #tpu.memory_space<hbm>>
    %dma_start3A_7 = arith.constant 0 : i32
    %dma_start3A_8 = arith.constant 0 : i32
    %dma_start3A_9 = tpu.memref_slice %arg4[%add3A, %dma_start3A, %dma_start3A_7, %dma_start3A_8] : memref<32x160x1x64xi32, #tpu.memory_space<hbm>> -> memref<1x1x1x64xi32, #tpu.memory_space<hbm>>
    %dma_start3A_10 = tpu.memref_squeeze %dma_start3A_9 : memref<1x1x1x64xi32, #tpu.memory_space<hbm>> -> memref<1x64xi32, #tpu.memory_space<hbm>>
    tpu.enqueue_dma source(%dma_start3A_10 : memref<1x64xi32, #tpu.memory_space<hbm>>) target(%arg8 : memref<1x64xi32, #tpu.memory_space<vmem>>) target_semaphore(%arg21 : memref<!tpu.dma_semaphore, #tpu.memory_space<semaphore_mem>>)
    %dma_start3A_11 = arith.constant 0 : i32
    %dma_start3A_12 = tpu.memref_slice %arg7[%dma_start3A_11] : memref<10240xi32, #tpu.memory_space<vmem>> -> memref<64xi32, #tpu.memory_space<vmem>>
    %dma_start3A_13 = arith.constant 0 : i32
    %dma_start3A_14 = arith.constant 0 : i32
    %dma_start3A_15 = tpu.memref_slice %arg2[%dma_start3A_13, %dma_start3A_14] : memref<10240x128xf32, #tpu.memory_space<hbm>> -> memref<10240x128xf32, #tpu.memory_space<hbm>>
    tpu.enqueue_indirect_dma source(%dma_start3A_15 : memref<10240x128xf32, #tpu.memory_space<hbm>>) target(%arg12 : memref<64x128xf32, #tpu.memory_space<vmem>>) offsets(%dma_start3A_12 : memref<64xi32, #tpu.memory_space<vmem>>) semaphore(%arg17 : memref<!tpu.dma_semaphore, #tpu.memory_space<semaphore_mem>>)
    %dma_start3A_16 = arith.constant 1 : i32
    %dma_start3A_17 = arith.constant 0 : i32
    %dma_start3A_18 = arith.constant 0 : i32
    %dma_start3A_19 = tpu.memref_slice %arg4[%add3A, %dma_start3A_16, %dma_start3A_17, %dma_start3A_18] : memref<32x160x1x64xi32, #tpu.memory_space<hbm>> -> memref<1x1x1x64xi32, #tpu.memory_space<hbm>>
    %dma_start3A_20 = tpu.memref_squeeze %dma_start3A_19 : memref<1x1x1x64xi32, #tpu.memory_space<hbm>> -> memref<1x64xi32, #tpu.memory_space<hbm>>
    %dma_start3A_21 = arith.constant 0 : i32
    %dma_start3A_22 = arith.constant 0 : i32
    %dma_start3A_23 = tpu.memref_slice %arg4[%add3A, %dma_start3A_16, %dma_start3A_21, %dma_start3A_22] : memref<32x160x1x64xi32, #tpu.memory_space<hbm>> -> memref<1x1x1x64xi32, #tpu.memory_space<hbm>>
    %dma_start3A_24 = tpu.memref_squeeze %dma_start3A_23 : memref<1x1x1x64xi32, #tpu.memory_space<hbm>> -> memref<1x64xi32, #tpu.memory_space<hbm>>
    tpu.enqueue_dma source(%dma_start3A_24 : memref<1x64xi32, #tpu.memory_space<hbm>>) target(%arg9 : memref<1x64xi32, #tpu.memory_space<vmem>>) target_semaphore(%arg22 : memref<!tpu.dma_semaphore, #tpu.memory_space<semaphore_mem>>)
    %dma_start3A_25 = arith.constant 64 : i32
    %dma_start3A_26 = tpu.memref_slice %arg7[%dma_start3A_25] : memref<10240xi32, #tpu.memory_space<vmem>> -> memref<64xi32, #tpu.memory_space<vmem>>
    %dma_start3A_27 = arith.constant 0 : i32
    %dma_start3A_28 = arith.constant 0 : i32
    %dma_start3A_29 = tpu.memref_slice %arg2[%dma_start3A_27, %dma_start3A_28] : memref<10240x128xf32, #tpu.memory_space<hbm>> -> memref<10240x128xf32, #tpu.memory_space<hbm>>
    tpu.enqueue_indirect_dma source(%dma_start3A_29 : memref<10240x128xf32, #tpu.memory_space<hbm>>) target(%arg13 : memref<64x128xf32, #tpu.memory_space<vmem>>) offsets(%dma_start3A_26 : memref<64xi32, #tpu.memory_space<vmem>>) semaphore(%arg18 : memref<!tpu.dma_semaphore, #tpu.memory_space<semaphore_mem>>)
    %dma_start3A_30 = arith.constant 2 : i32
    %dma_start3A_31 = arith.constant 0 : i32
    %dma_start3A_32 = arith.constant 0 : i32
    %dma_start3A_33 = tpu.memref_slice %arg4[%add3A, %dma_start3A_30, %dma_start3A_31, %dma_start3A_32] : memref<32x160x1x64xi32, #tpu.memory_space<hbm>> -> memref<1x1x1x64xi32, #tpu.memory_space<hbm>>
    %dma_start3A_34 = tpu.memref_squeeze %dma_start3A_33 : memref<1x1x1x64xi32, #tpu.memory_space<hbm>> -> memref<1x64xi32, #tpu.memory_space<hbm>>
    %dma_start3A_35 = arith.constant 0 : i32
    %dma_start3A_36 = arith.constant 0 : i32
    %dma_start3A_37 = tpu.memref_slice %arg4[%add3A, %dma_start3A_30, %dma_start3A_35, %dma_start3A_36] : memref<32x160x1x64xi32, #tpu.memory_space<hbm>> -> memref<1x1x1x64xi32, #tpu.memory_space<hbm>>
    %dma_start3A_38 = tpu.memref_squeeze %dma_start3A_37 : memref<1x1x1x64xi32, #tpu.memory_space<hbm>> -> memref<1x64xi32, #tpu.memory_space<hbm>>
    tpu.enqueue_dma source(%dma_start3A_38 : memref<1x64xi32, #tpu.memory_space<hbm>>) target(%arg10 : memref<1x64xi32, #tpu.memory_space<vmem>>) target_semaphore(%arg23 : memref<!tpu.dma_semaphore, #tpu.memory_space<semaphore_mem>>)
    %dma_start3A_39 = arith.constant 128 : i32
    %dma_start3A_40 = tpu.memref_slice %arg7[%dma_start3A_39] : memref<10240xi32, #tpu.memory_space<vmem>> -> memref<64xi32, #tpu.memory_space<vmem>>
    %dma_start3A_41 = arith.constant 0 : i32
    %dma_start3A_42 = arith.constant 0 : i32
    %dma_start3A_43 = tpu.memref_slice %arg2[%dma_start3A_41, %dma_start3A_42] : memref<10240x128xf32, #tpu.memory_space<hbm>> -> memref<10240x128xf32, #tpu.memory_space<hbm>>
    tpu.enqueue_indirect_dma source(%dma_start3A_43 : memref<10240x128xf32, #tpu.memory_space<hbm>>) target(%arg14 : memref<64x128xf32, #tpu.memory_space<vmem>>) offsets(%dma_start3A_40 : memref<64xi32, #tpu.memory_space<vmem>>) semaphore(%arg19 : memref<!tpu.dma_semaphore, #tpu.memory_space<semaphore_mem>>)
    %dma_start3A_44 = arith.constant 3 : i32
    %dma_start3A_45 = arith.constant 0 : i32
    %dma_start3A_46 = arith.constant 0 : i32
    %dma_start3A_47 = tpu.memref_slice %arg4[%add3A, %dma_start3A_44, %dma_start3A_45, %dma_start3A_46] : memref<32x160x1x64xi32, #tpu.memory_space<hbm>> -> memref<1x1x1x64xi32, #tpu.memory_space<hbm>>
    %dma_start3A_48 = tpu.memref_squeeze %dma_start3A_47 : memref<1x1x1x64xi32, #tpu.memory_space<hbm>> -> memref<1x64xi32, #tpu.memory_space<hbm>>
    %dma_start3A_49 = arith.constant 0 : i32
    %dma_start3A_50 = arith.constant 0 : i32
    %dma_start3A_51 = tpu.memref_slice %arg4[%add3A, %dma_start3A_44, %dma_start3A_49, %dma_start3A_50] : memref<32x160x1x64xi32, #tpu.memory_space<hbm>> -> memref<1x1x1x64xi32, #tpu.memory_space<hbm>>
    %dma_start3A_52 = tpu.memref_squeeze %dma_start3A_51 : memref<1x1x1x64xi32, #tpu.memory_space<hbm>> -> memref<1x64xi32, #tpu.memory_space<hbm>>
    tpu.enqueue_dma source(%dma_start3A_52 : memref<1x64xi32, #tpu.memory_space<hbm>>) target(%arg11 : memref<1x64xi32, #tpu.memory_space<vmem>>) target_semaphore(%arg24 : memref<!tpu.dma_semaphore, #tpu.memory_space<semaphore_mem>>)
    %dma_start3A_53 = arith.constant 192 : i32
    %dma_start3A_54 = tpu.memref_slice %arg7[%dma_start3A_53] : memref<10240xi32, #tpu.memory_space<vmem>> -> memref<64xi32, #tpu.memory_space<vmem>>
    %dma_start3A_55 = arith.constant 0 : i32
    %dma_start3A_56 = arith.constant 0 : i32
    %dma_start3A_57 = tpu.memref_slice %arg2[%dma_start3A_55, %dma_start3A_56] : memref<10240x128xf32, #tpu.memory_space<hbm>> -> memref<10240x128xf32, #tpu.memory_space<hbm>>
    tpu.enqueue_indirect_dma source(%dma_start3A_57 : memref<10240x128xf32, #tpu.memory_space<hbm>>) target(%arg15 : memref<64x128xf32, #tpu.memory_space<vmem>>) offsets(%dma_start3A_54 : memref<64xi32, #tpu.memory_space<vmem>>) semaphore(%arg20 : memref<!tpu.dma_semaphore, #tpu.memory_space<semaphore_mem>>)
    %scan3A = arith.constant 0 : i32
    %scan3A_58 = arith.constant 0 : i32
    %scan3A_59 = arith.constant 40 : i32
    %scan3A_60 = arith.addi %scan3A_58, %scan3A_59 : i32
    %scan3A_61 = arith.constant 1 : i32
    scf.for %scan3A_64 = %scan3A_58 to %scan3A_60 step %scan3A_61  : i32 {
      %mul3A_65 = arith.constant 4 : i32
      %mul3A_66 = arith.muli %mul3A_65, %scan3A_64 : i32
      %add3A_67 = arith.constant 0 : i32
      %add3A_68 = arith.addi %mul3A_66, %add3A_67 : i32
      %mul3A_69 = arith.constant 64 : i32
      %mul3A_70 = arith.muli %add3A_68, %mul3A_69 : i32
      %dma_wait3A = tpu.memref_slice %arg7[%mul3A_70] : memref<10240xi32, #tpu.memory_space<vmem>> -> memref<64xi32, #tpu.memory_space<vmem>>
      %dma_wait3A_71 = arith.constant 0 : i32
      %dma_wait3A_72 = arith.constant 0 : i32
      %dma_wait3A_73 = tpu.memref_slice %arg2[%dma_wait3A_71, %dma_wait3A_72] : memref<10240x128xf32, #tpu.memory_space<hbm>> -> memref<10240x128xf32, #tpu.memory_space<hbm>>
      tpu.wait_indirect_dma semaphore(%arg17 : memref<!tpu.dma_semaphore, #tpu.memory_space<semaphore_mem>>) src(%dma_wait3A_73 : memref<10240x128xf32, #tpu.memory_space<hbm>>) dst(%arg12 : memref<64x128xf32, #tpu.memory_space<vmem>>)
      %dma_wait3A_74 = arith.constant 0 : i32
      %dma_wait3A_75 = arith.constant 0 : i32
      %dma_wait3A_76 = arith.constant 0 : i32
      %dma_wait3A_77 = tpu.memref_slice %arg4[%add3A, %dma_wait3A_74, %dma_wait3A_75, %dma_wait3A_76] : memref<32x160x1x64xi32, #tpu.memory_space<hbm>> -> memref<1x1x1x64xi32, #tpu.memory_space<hbm>>
      %dma_wait3A_78 = tpu.memref_squeeze %dma_wait3A_77 : memref<1x1x1x64xi32, #tpu.memory_space<hbm>> -> memref<1x64xi32, #tpu.memory_space<hbm>>
      %dma_wait3A_79 = arith.constant 0 : i32
      %dma_wait3A_80 = arith.constant 0 : i32
      %dma_wait3A_81 = tpu.memref_slice %arg4[%add3A, %dma_wait3A_74, %dma_wait3A_79, %dma_wait3A_80] : memref<32x160x1x64xi32, #tpu.memory_space<hbm>> -> memref<1x1x1x64xi32, #tpu.memory_space<hbm>>
      %dma_wait3A_82 = tpu.memref_squeeze %dma_wait3A_81 : memref<1x1x1x64xi32, #tpu.memory_space<hbm>> -> memref<1x64xi32, #tpu.memory_space<hbm>>
      tpu.wait_dma2 semaphore(%arg21 : memref<!tpu.dma_semaphore, #tpu.memory_space<semaphore_mem>>) src(%dma_wait3A_82 : memref<1x64xi32, #tpu.memory_space<hbm>>) dst(%arg8 : memref<1x64xi32, #tpu.memory_space<vmem>>)
      %run_scoped3A = arith.constant 0 : i32
      "tpu.region"() ({
        %run_scoped3A_154 = tpu.sem_alloc : memref<!tpu.dma_semaphore, #tpu.memory_space<semaphore_mem>>
        %dma_start3A_155 = arith.constant 0 : i32
        %dma_start3A_156 = tpu.memref_slice %arg8[%run_scoped3A, %dma_start3A_155] : memref<1x64xi32, #tpu.memory_space<vmem>> -> memref<1x64xi32, #tpu.memory_space<vmem>>
        %dma_start3A_157 = tpu.memref_squeeze %dma_start3A_156 : memref<1x64xi32, #tpu.memory_space<vmem>> -> memref<64xi32, #tpu.memory_space<vmem>>
        %dma_start3A_158 = arith.constant 0 : i32
        %dma_start3A_159 = arith.constant 0 : i32
        %dma_start3A_160 = tpu.memref_slice %arg16[%dma_start3A_158, %dma_start3A_159] : memref<10240x128xf32, #tpu.memory_space<vmem_shared>> -> memref<10240x128xf32, #tpu.memory_space<vmem_shared>>
        tpu.enqueue_indirect_dma source(%arg12 : memref<64x128xf32, #tpu.memory_space<vmem>>) target(%dma_start3A_160 : memref<10240x128xf32, #tpu.memory_space<vmem_shared>>) offsets(%dma_start3A_157 : memref<64xi32, #tpu.memory_space<vmem>>) semaphore(%run_scoped3A_154 : memref<!tpu.dma_semaphore, #tpu.memory_space<semaphore_mem>>) {add = true}
        %dma_wait3A_161 = arith.constant 0 : i32
        %dma_wait3A_162 = tpu.memref_slice %arg8[%run_scoped3A, %dma_wait3A_161] : memref<1x64xi32, #tpu.memory_space<vmem>> -> memref<1x64xi32, #tpu.memory_space<vmem>>
        %dma_wait3A_163 = tpu.memref_squeeze %dma_wait3A_162 : memref<1x64xi32, #tpu.memory_space<vmem>> -> memref<64xi32, #tpu.memory_space<vmem>>
        %dma_wait3A_164 = arith.constant 0 : i32
        %dma_wait3A_165 = arith.constant 0 : i32
        %dma_wait3A_166 = tpu.memref_slice %arg16[%dma_wait3A_164, %dma_wait3A_165] : memref<10240x128xf32, #tpu.memory_space<vmem_shared>> -> memref<10240x128xf32, #tpu.memory_space<vmem_shared>>
        tpu.wait_indirect_dma semaphore(%run_scoped3A_154 : memref<!tpu.dma_semaphore, #tpu.memory_space<semaphore_mem>>) src(%arg12 : memref<64x128xf32, #tpu.memory_space<vmem>>) dst(%dma_wait3A_166 : memref<10240x128xf32, #tpu.memory_space<vmem_shared>>)
        tpu.yield
      }) : () -> ()
      %lt3A = arith.constant 39 : i32
      %lt3A_83 = arith.cmpi slt, %scan3A_64, %lt3A : i32
      %convert_element_type3A = arith.extui %lt3A_83 : i1 to i32
      %cond3A = arith.constant 0 : i32
      %cond3A_84 = arith.cmpi ne, %convert_element_type3A, %cond3A : i32
      scf.if %cond3A_84 {
        %add3A_154 = arith.constant 0 : i32
        %add3A_155 = arith.addi %mul3A_66, %add3A_154 : i32
        %add3A_156 = arith.constant 4 : i32
        %add3A_157 = arith.addi %add3A_155, %add3A_156 : i32
        %dma_start3A_158 = arith.constant 0 : i32
        %dma_start3A_159 = arith.constant 0 : i32
        %dma_start3A_160 = tpu.memref_slice %arg4[%add3A, %add3A_157, %dma_start3A_158, %dma_start3A_159] : memref<32x160x1x64xi32, #tpu.memory_space<hbm>> -> memref<1x1x1x64xi32, #tpu.memory_space<hbm>>
        %dma_start3A_161 = tpu.memref_squeeze %dma_start3A_160 : memref<1x1x1x64xi32, #tpu.memory_space<hbm>> -> memref<1x64xi32, #tpu.memory_space<hbm>>
        %dma_start3A_162 = arith.constant 0 : i32
        %dma_start3A_163 = arith.constant 0 : i32
        %dma_start3A_164 = tpu.memref_slice %arg4[%add3A, %add3A_157, %dma_start3A_162, %dma_start3A_163] : memref<32x160x1x64xi32, #tpu.memory_space<hbm>> -> memref<1x1x1x64xi32, #tpu.memory_space<hbm>>
        %dma_start3A_165 = tpu.memref_squeeze %dma_start3A_164 : memref<1x1x1x64xi32, #tpu.memory_space<hbm>> -> memref<1x64xi32, #tpu.memory_space<hbm>>
        tpu.enqueue_dma source(%dma_start3A_165 : memref<1x64xi32, #tpu.memory_space<hbm>>) target(%arg8 : memref<1x64xi32, #tpu.memory_space<vmem>>) target_semaphore(%arg21 : memref<!tpu.dma_semaphore, #tpu.memory_space<semaphore_mem>>)
        %add3A_166 = arith.constant 0 : i32
        %add3A_167 = arith.addi %mul3A_66, %add3A_166 : i32
        %add3A_168 = arith.constant 4 : i32
        %add3A_169 = arith.addi %add3A_167, %add3A_168 : i32
        %mul3A_170 = arith.constant 64 : i32
        %mul3A_171 = arith.muli %add3A_169, %mul3A_170 : i32
        %dma_start3A_172 = tpu.memref_slice %arg7[%mul3A_171] : memref<10240xi32, #tpu.memory_space<vmem>> -> memref<64xi32, #tpu.memory_space<vmem>>
        %dma_start3A_173 = arith.constant 0 : i32
        %dma_start3A_174 = arith.constant 0 : i32
        %dma_start3A_175 = tpu.memref_slice %arg2[%dma_start3A_173, %dma_start3A_174] : memref<10240x128xf32, #tpu.memory_space<hbm>> -> memref<10240x128xf32, #tpu.memory_space<hbm>>
        tpu.enqueue_indirect_dma source(%dma_start3A_175 : memref<10240x128xf32, #tpu.memory_space<hbm>>) target(%arg12 : memref<64x128xf32, #tpu.memory_space<vmem>>) offsets(%dma_start3A_172 : memref<64xi32, #tpu.memory_space<vmem>>) semaphore(%arg17 : memref<!tpu.dma_semaphore, #tpu.memory_space<semaphore_mem>>)
      } else {
      }
      %add3A_85 = arith.constant 1 : i32
      %add3A_86 = arith.addi %mul3A_66, %add3A_85 : i32
      %mul3A_87 = arith.constant 64 : i32
      %mul3A_88 = arith.muli %add3A_86, %mul3A_87 : i32
      %dma_wait3A_89 = tpu.memref_slice %arg7[%mul3A_88] : memref<10240xi32, #tpu.memory_space<vmem>> -> memref<64xi32, #tpu.memory_space<vmem>>
      %dma_wait3A_90 = arith.constant 0 : i32
      %dma_wait3A_91 = arith.constant 0 : i32
      %dma_wait3A_92 = tpu.memref_slice %arg2[%dma_wait3A_90, %dma_wait3A_91] : memref<10240x128xf32, #tpu.memory_space<hbm>> -> memref<10240x128xf32, #tpu.memory_space<hbm>>
      tpu.wait_indirect_dma semaphore(%arg18 : memref<!tpu.dma_semaphore, #tpu.memory_space<semaphore_mem>>) src(%dma_wait3A_92 : memref<10240x128xf32, #tpu.memory_space<hbm>>) dst(%arg13 : memref<64x128xf32, #tpu.memory_space<vmem>>)
      %dma_wait3A_93 = arith.constant 0 : i32
      %dma_wait3A_94 = arith.constant 0 : i32
      %dma_wait3A_95 = arith.constant 0 : i32
      %dma_wait3A_96 = tpu.memref_slice %arg4[%add3A, %dma_wait3A_93, %dma_wait3A_94, %dma_wait3A_95] : memref<32x160x1x64xi32, #tpu.memory_space<hbm>> -> memref<1x1x1x64xi32, #tpu.memory_space<hbm>>
      %dma_wait3A_97 = tpu.memref_squeeze %dma_wait3A_96 : memref<1x1x1x64xi32, #tpu.memory_space<hbm>> -> memref<1x64xi32, #tpu.memory_space<hbm>>
      %dma_wait3A_98 = arith.constant 0 : i32
      %dma_wait3A_99 = arith.constant 0 : i32
      %dma_wait3A_100 = tpu.memref_slice %arg4[%add3A, %dma_wait3A_93, %dma_wait3A_98, %dma_wait3A_99] : memref<32x160x1x64xi32, #tpu.memory_space<hbm>> -> memref<1x1x1x64xi32, #tpu.memory_space<hbm>>
      %dma_wait3A_101 = tpu.memref_squeeze %dma_wait3A_100 : memref<1x1x1x64xi32, #tpu.memory_space<hbm>> -> memref<1x64xi32, #tpu.memory_space<hbm>>
      tpu.wait_dma2 semaphore(%arg22 : memref<!tpu.dma_semaphore, #tpu.memory_space<semaphore_mem>>) src(%dma_wait3A_101 : memref<1x64xi32, #tpu.memory_space<hbm>>) dst(%arg9 : memref<1x64xi32, #tpu.memory_space<vmem>>)
      %run_scoped3A_102 = arith.constant 0 : i32
      "tpu.region"() ({
        %run_scoped3A_154 = tpu.sem_alloc : memref<!tpu.dma_semaphore, #tpu.memory_space<semaphore_mem>>
        %dma_start3A_155 = arith.constant 0 : i32
        %dma_start3A_156 = tpu.memref_slice %arg9[%run_scoped3A_102, %dma_start3A_155] : memref<1x64xi32, #tpu.memory_space<vmem>> -> memref<1x64xi32, #tpu.memory_space<vmem>>
        %dma_start3A_157 = tpu.memref_squeeze %dma_start3A_156 : memref<1x64xi32, #tpu.memory_space<vmem>> -> memref<64xi32, #tpu.memory_space<vmem>>
        %dma_start3A_158 = arith.constant 0 : i32
        %dma_start3A_159 = arith.constant 0 : i32
        %dma_start3A_160 = tpu.memref_slice %arg16[%dma_start3A_158, %dma_start3A_159] : memref<10240x128xf32, #tpu.memory_space<vmem_shared>> -> memref<10240x128xf32, #tpu.memory_space<vmem_shared>>
        tpu.enqueue_indirect_dma source(%arg13 : memref<64x128xf32, #tpu.memory_space<vmem>>) target(%dma_start3A_160 : memref<10240x128xf32, #tpu.memory_space<vmem_shared>>) offsets(%dma_start3A_157 : memref<64xi32, #tpu.memory_space<vmem>>) semaphore(%run_scoped3A_154 : memref<!tpu.dma_semaphore, #tpu.memory_space<semaphore_mem>>) {add = true}
        %dma_wait3A_161 = arith.constant 0 : i32
        %dma_wait3A_162 = tpu.memref_slice %arg9[%run_scoped3A_102, %dma_wait3A_161] : memref<1x64xi32, #tpu.memory_space<vmem>> -> memref<1x64xi32, #tpu.memory_space<vmem>>
        %dma_wait3A_163 = tpu.memref_squeeze %dma_wait3A_162 : memref<1x64xi32, #tpu.memory_space<vmem>> -> memref<64xi32, #tpu.memory_space<vmem>>
        %dma_wait3A_164 = arith.constant 0 : i32
        %dma_wait3A_165 = arith.constant 0 : i32
        %dma_wait3A_166 = tpu.memref_slice %arg16[%dma_wait3A_164, %dma_wait3A_165] : memref<10240x128xf32, #tpu.memory_space<vmem_shared>> -> memref<10240x128xf32, #tpu.memory_space<vmem_shared>>
        tpu.wait_indirect_dma semaphore(%run_scoped3A_154 : memref<!tpu.dma_semaphore, #tpu.memory_space<semaphore_mem>>) src(%arg13 : memref<64x128xf32, #tpu.memory_space<vmem>>) dst(%dma_wait3A_166 : memref<10240x128xf32, #tpu.memory_space<vmem_shared>>)
        tpu.yield
      }) : () -> ()
      %lt3A_103 = arith.constant 39 : i32
      %lt3A_104 = arith.cmpi slt, %scan3A_64, %lt3A_103 : i32
      %convert_element_type3A_105 = arith.extui %lt3A_104 : i1 to i32
      %cond3A_106 = arith.constant 0 : i32
      %cond3A_107 = arith.cmpi ne, %convert_element_type3A_105, %cond3A_106 : i32
      scf.if %cond3A_107 {
        %add3A_154 = arith.constant 1 : i32
        %add3A_155 = arith.addi %mul3A_66, %add3A_154 : i32
        %add3A_156 = arith.constant 4 : i32
        %add3A_157 = arith.addi %add3A_155, %add3A_156 : i32
        %dma_start3A_158 = arith.constant 0 : i32
        %dma_start3A_159 = arith.constant 0 : i32
        %dma_start3A_160 = tpu.memref_slice %arg4[%add3A, %add3A_157, %dma_start3A_158, %dma_start3A_159] : memref<32x160x1x64xi32, #tpu.memory_space<hbm>> -> memref<1x1x1x64xi32, #tpu.memory_space<hbm>>
        %dma_start3A_161 = tpu.memref_squeeze %dma_start3A_160 : memref<1x1x1x64xi32, #tpu.memory_space<hbm>> -> memref<1x64xi32, #tpu.memory_space<hbm>>
        %dma_start3A_162 = arith.constant 0 : i32
        %dma_start3A_163 = arith.constant 0 : i32
        %dma_start3A_164 = tpu.memref_slice %arg4[%add3A, %add3A_157, %dma_start3A_162, %dma_start3A_163] : memref<32x160x1x64xi32, #tpu.memory_space<hbm>> -> memref<1x1x1x64xi32, #tpu.memory_space<hbm>>
        %dma_start3A_165 = tpu.memref_squeeze %dma_start3A_164 : memref<1x1x1x64xi32, #tpu.memory_space<hbm>> -> memref<1x64xi32, #tpu.memory_space<hbm>>
        tpu.enqueue_dma source(%dma_start3A_165 : memref<1x64xi32, #tpu.memory_space<hbm>>) target(%arg9 : memref<1x64xi32, #tpu.memory_space<vmem>>) target_semaphore(%arg22 : memref<!tpu.dma_semaphore, #tpu.memory_space<semaphore_mem>>)
        %add3A_166 = arith.constant 1 : i32
        %add3A_167 = arith.addi %mul3A_66, %add3A_166 : i32
        %add3A_168 = arith.constant 4 : i32
        %add3A_169 = arith.addi %add3A_167, %add3A_168 : i32
        %mul3A_170 = arith.constant 64 : i32
        %mul3A_171 = arith.muli %add3A_169, %mul3A_170 : i32
        %dma_start3A_172 = tpu.memref_slice %arg7[%mul3A_171] : memref<10240xi32, #tpu.memory_space<vmem>> -> memref<64xi32, #tpu.memory_space<vmem>>
        %dma_start3A_173 = arith.constant 0 : i32
        %dma_start3A_174 = arith.constant 0 : i32
        %dma_start3A_175 = tpu.memref_slice %arg2[%dma_start3A_173, %dma_start3A_174] : memref<10240x128xf32, #tpu.memory_space<hbm>> -> memref<10240x128xf32, #tpu.memory_space<hbm>>
        tpu.enqueue_indirect_dma source(%dma_start3A_175 : memref<10240x128xf32, #tpu.memory_space<hbm>>) target(%arg13 : memref<64x128xf32, #tpu.memory_space<vmem>>) offsets(%dma_start3A_172 : memref<64xi32, #tpu.memory_space<vmem>>) semaphore(%arg18 : memref<!tpu.dma_semaphore, #tpu.memory_space<semaphore_mem>>)
      } else {
      }
      %add3A_108 = arith.constant 2 : i32
      %add3A_109 = arith.addi %mul3A_66, %add3A_108 : i32
      %mul3A_110 = arith.constant 64 : i32
      %mul3A_111 = arith.muli %add3A_109, %mul3A_110 : i32
      %dma_wait3A_112 = tpu.memref_slice %arg7[%mul3A_111] : memref<10240xi32, #tpu.memory_space<vmem>> -> memref<64xi32, #tpu.memory_space<vmem>>
      %dma_wait3A_113 = arith.constant 0 : i32
      %dma_wait3A_114 = arith.constant 0 : i32
      %dma_wait3A_115 = tpu.memref_slice %arg2[%dma_wait3A_113, %dma_wait3A_114] : memref<10240x128xf32, #tpu.memory_space<hbm>> -> memref<10240x128xf32, #tpu.memory_space<hbm>>
      tpu.wait_indirect_dma semaphore(%arg19 : memref<!tpu.dma_semaphore, #tpu.memory_space<semaphore_mem>>) src(%dma_wait3A_115 : memref<10240x128xf32, #tpu.memory_space<hbm>>) dst(%arg14 : memref<64x128xf32, #tpu.memory_space<vmem>>)
      %dma_wait3A_116 = arith.constant 0 : i32
      %dma_wait3A_117 = arith.constant 0 : i32
      %dma_wait3A_118 = arith.constant 0 : i32
      %dma_wait3A_119 = tpu.memref_slice %arg4[%add3A, %dma_wait3A_116, %dma_wait3A_117, %dma_wait3A_118] : memref<32x160x1x64xi32, #tpu.memory_space<hbm>> -> memref<1x1x1x64xi32, #tpu.memory_space<hbm>>
      %dma_wait3A_120 = tpu.memref_squeeze %dma_wait3A_119 : memref<1x1x1x64xi32, #tpu.memory_space<hbm>> -> memref<1x64xi32, #tpu.memory_space<hbm>>
      %dma_wait3A_121 = arith.constant 0 : i32
      %dma_wait3A_122 = arith.constant 0 : i32
      %dma_wait3A_123 = tpu.memref_slice %arg4[%add3A, %dma_wait3A_116, %dma_wait3A_121, %dma_wait3A_122] : memref<32x160x1x64xi32, #tpu.memory_space<hbm>> -> memref<1x1x1x64xi32, #tpu.memory_space<hbm>>
      %dma_wait3A_124 = tpu.memref_squeeze %dma_wait3A_123 : memref<1x1x1x64xi32, #tpu.memory_space<hbm>> -> memref<1x64xi32, #tpu.memory_space<hbm>>
      tpu.wait_dma2 semaphore(%arg23 : memref<!tpu.dma_semaphore, #tpu.memory_space<semaphore_mem>>) src(%dma_wait3A_124 : memref<1x64xi32, #tpu.memory_space<hbm>>) dst(%arg10 : memref<1x64xi32, #tpu.memory_space<vmem>>)
      %run_scoped3A_125 = arith.constant 0 : i32
      "tpu.region"() ({
        %run_scoped3A_154 = tpu.sem_alloc : memref<!tpu.dma_semaphore, #tpu.memory_space<semaphore_mem>>
        %dma_start3A_155 = arith.constant 0 : i32
        %dma_start3A_156 = tpu.memref_slice %arg10[%run_scoped3A_125, %dma_start3A_155] : memref<1x64xi32, #tpu.memory_space<vmem>> -> memref<1x64xi32, #tpu.memory_space<vmem>>
        %dma_start3A_157 = tpu.memref_squeeze %dma_start3A_156 : memref<1x64xi32, #tpu.memory_space<vmem>> -> memref<64xi32, #tpu.memory_space<vmem>>
        %dma_start3A_158 = arith.constant 0 : i32
        %dma_start3A_159 = arith.constant 0 : i32
        %dma_start3A_160 = tpu.memref_slice %arg16[%dma_start3A_158, %dma_start3A_159] : memref<10240x128xf32, #tpu.memory_space<vmem_shared>> -> memref<10240x128xf32, #tpu.memory_space<vmem_shared>>
        tpu.enqueue_indirect_dma source(%arg14 : memref<64x128xf32, #tpu.memory_space<vmem>>) target(%dma_start3A_160 : memref<10240x128xf32, #tpu.memory_space<vmem_shared>>) offsets(%dma_start3A_157 : memref<64xi32, #tpu.memory_space<vmem>>) semaphore(%run_scoped3A_154 : memref<!tpu.dma_semaphore, #tpu.memory_space<semaphore_mem>>) {add = true}
        %dma_wait3A_161 = arith.constant 0 : i32
        %dma_wait3A_162 = tpu.memref_slice %arg10[%run_scoped3A_125, %dma_wait3A_161] : memref<1x64xi32, #tpu.memory_space<vmem>> -> memref<1x64xi32, #tpu.memory_space<vmem>>
        %dma_wait3A_163 = tpu.memref_squeeze %dma_wait3A_162 : memref<1x64xi32, #tpu.memory_space<vmem>> -> memref<64xi32, #tpu.memory_space<vmem>>
        %dma_wait3A_164 = arith.constant 0 : i32
        %dma_wait3A_165 = arith.constant 0 : i32
        %dma_wait3A_166 = tpu.memref_slice %arg16[%dma_wait3A_164, %dma_wait3A_165] : memref<10240x128xf32, #tpu.memory_space<vmem_shared>> -> memref<10240x128xf32, #tpu.memory_space<vmem_shared>>
        tpu.wait_indirect_dma semaphore(%run_scoped3A_154 : memref<!tpu.dma_semaphore, #tpu.memory_space<semaphore_mem>>) src(%arg14 : memref<64x128xf32, #tpu.memory_space<vmem>>) dst(%dma_wait3A_166 : memref<10240x128xf32, #tpu.memory_space<vmem_shared>>)
        tpu.yield
      }) : () -> ()
      %lt3A_126 = arith.constant 39 : i32
      %lt3A_127 = arith.cmpi slt, %scan3A_64, %lt3A_126 : i32
      %convert_element_type3A_128 = arith.extui %lt3A_127 : i1 to i32
      %cond3A_129 = arith.constant 0 : i32
      %cond3A_130 = arith.cmpi ne, %convert_element_type3A_128, %cond3A_129 : i32
      scf.if %cond3A_130 {
        %add3A_154 = arith.constant 2 : i32
        %add3A_155 = arith.addi %mul3A_66, %add3A_154 : i32
        %add3A_156 = arith.constant 4 : i32
        %add3A_157 = arith.addi %add3A_155, %add3A_156 : i32
        %dma_start3A_158 = arith.constant 0 : i32
        %dma_start3A_159 = arith.constant 0 : i32
        %dma_start3A_160 = tpu.memref_slice %arg4[%add3A, %add3A_157, %dma_start3A_158, %dma_start3A_159] : memref<32x160x1x64xi32, #tpu.memory_space<hbm>> -> memref<1x1x1x64xi32, #tpu.memory_space<hbm>>
        %dma_start3A_161 = tpu.memref_squeeze %dma_start3A_160 : memref<1x1x1x64xi32, #tpu.memory_space<hbm>> -> memref<1x64xi32, #tpu.memory_space<hbm>>
        %dma_start3A_162 = arith.constant 0 : i32
        %dma_start3A_163 = arith.constant 0 : i32
        %dma_start3A_164 = tpu.memref_slice %arg4[%add3A, %add3A_157, %dma_start3A_162, %dma_start3A_163] : memref<32x160x1x64xi32, #tpu.memory_space<hbm>> -> memref<1x1x1x64xi32, #tpu.memory_space<hbm>>
        %dma_start3A_165 = tpu.memref_squeeze %dma_start3A_164 : memref<1x1x1x64xi32, #tpu.memory_space<hbm>> -> memref<1x64xi32, #tpu.memory_space<hbm>>
        tpu.enqueue_dma source(%dma_start3A_165 : memref<1x64xi32, #tpu.memory_space<hbm>>) target(%arg10 : memref<1x64xi32, #tpu.memory_space<vmem>>) target_semaphore(%arg23 : memref<!tpu.dma_semaphore, #tpu.memory_space<semaphore_mem>>)
        %add3A_166 = arith.constant 2 : i32
        %add3A_167 = arith.addi %mul3A_66, %add3A_166 : i32
        %add3A_168 = arith.constant 4 : i32
        %add3A_169 = arith.addi %add3A_167, %add3A_168 : i32
        %mul3A_170 = arith.constant 64 : i32
        %mul3A_171 = arith.muli %add3A_169, %mul3A_170 : i32
        %dma_start3A_172 = tpu.memref_slice %arg7[%mul3A_171] : memref<10240xi32, #tpu.memory_space<vmem>> -> memref<64xi32, #tpu.memory_space<vmem>>
        %dma_start3A_173 = arith.constant 0 : i32
        %dma_start3A_174 = arith.constant 0 : i32
        %dma_start3A_175 = tpu.memref_slice %arg2[%dma_start3A_173, %dma_start3A_174] : memref<10240x128xf32, #tpu.memory_space<hbm>> -> memref<10240x128xf32, #tpu.memory_space<hbm>>
        tpu.enqueue_indirect_dma source(%dma_start3A_175 : memref<10240x128xf32, #tpu.memory_space<hbm>>) target(%arg14 : memref<64x128xf32, #tpu.memory_space<vmem>>) offsets(%dma_start3A_172 : memref<64xi32, #tpu.memory_space<vmem>>) semaphore(%arg19 : memref<!tpu.dma_semaphore, #tpu.memory_space<semaphore_mem>>)
      } else {
      }
      %add3A_131 = arith.constant 3 : i32
      %add3A_132 = arith.addi %mul3A_66, %add3A_131 : i32
      %mul3A_133 = arith.constant 64 : i32
      %mul3A_134 = arith.muli %add3A_132, %mul3A_133 : i32
      %dma_wait3A_135 = tpu.memref_slice %arg7[%mul3A_134] : memref<10240xi32, #tpu.memory_space<vmem>> -> memref<64xi32, #tpu.memory_space<vmem>>
      %dma_wait3A_136 = arith.constant 0 : i32
      %dma_wait3A_137 = arith.constant 0 : i32
      %dma_wait3A_138 = tpu.memref_slice %arg2[%dma_wait3A_136, %dma_wait3A_137] : memref<10240x128xf32, #tpu.memory_space<hbm>> -> memref<10240x128xf32, #tpu.memory_space<hbm>>
      tpu.wait_indirect_dma semaphore(%arg20 : memref<!tpu.dma_semaphore, #tpu.memory_space<semaphore_mem>>) src(%dma_wait3A_138 : memref<10240x128xf32, #tpu.memory_space<hbm>>) dst(%arg15 : memref<64x128xf32, #tpu.memory_space<vmem>>)
      %dma_wait3A_139 = arith.constant 0 : i32
      %dma_wait3A_140 = arith.constant 0 : i32
      %dma_wait3A_141 = arith.constant 0 : i32
      %dma_wait3A_142 = tpu.memref_slice %arg4[%add3A, %dma_wait3A_139, %dma_wait3A_140, %dma_wait3A_141] : memref<32x160x1x64xi32, #tpu.memory_space<hbm>> -> memref<1x1x1x64xi32, #tpu.memory_space<hbm>>
      %dma_wait3A_143 = tpu.memref_squeeze %dma_wait3A_142 : memref<1x1x1x64xi32, #tpu.memory_space<hbm>> -> memref<1x64xi32, #tpu.memory_space<hbm>>
      %dma_wait3A_144 = arith.constant 0 : i32
      %dma_wait3A_145 = arith.constant 0 : i32
      %dma_wait3A_146 = tpu.memref_slice %arg4[%add3A, %dma_wait3A_139, %dma_wait3A_144, %dma_wait3A_145] : memref<32x160x1x64xi32, #tpu.memory_space<hbm>> -> memref<1x1x1x64xi32, #tpu.memory_space<hbm>>
      %dma_wait3A_147 = tpu.memref_squeeze %dma_wait3A_146 : memref<1x1x1x64xi32, #tpu.memory_space<hbm>> -> memref<1x64xi32, #tpu.memory_space<hbm>>
      tpu.wait_dma2 semaphore(%arg24 : memref<!tpu.dma_semaphore, #tpu.memory_space<semaphore_mem>>) src(%dma_wait3A_147 : memref<1x64xi32, #tpu.memory_space<hbm>>) dst(%arg11 : memref<1x64xi32, #tpu.memory_space<vmem>>)
      %run_scoped3A_148 = arith.constant 0 : i32
      "tpu.region"() ({
        %run_scoped3A_154 = tpu.sem_alloc : memref<!tpu.dma_semaphore, #tpu.memory_space<semaphore_mem>>
        %dma_start3A_155 = arith.constant 0 : i32
        %dma_start3A_156 = tpu.memref_slice %arg11[%run_scoped3A_148, %dma_start3A_155] : memref<1x64xi32, #tpu.memory_space<vmem>> -> memref<1x64xi32, #tpu.memory_space<vmem>>
        %dma_start3A_157 = tpu.memref_squeeze %dma_start3A_156 : memref<1x64xi32, #tpu.memory_space<vmem>> -> memref<64xi32, #tpu.memory_space<vmem>>
        %dma_start3A_158 = arith.constant 0 : i32
        %dma_start3A_159 = arith.constant 0 : i32
        %dma_start3A_160 = tpu.memref_slice %arg16[%dma_start3A_158, %dma_start3A_159] : memref<10240x128xf32, #tpu.memory_space<vmem_shared>> -> memref<10240x128xf32, #tpu.memory_space<vmem_shared>>
        tpu.enqueue_indirect_dma source(%arg15 : memref<64x128xf32, #tpu.memory_space<vmem>>) target(%dma_start3A_160 : memref<10240x128xf32, #tpu.memory_space<vmem_shared>>) offsets(%dma_start3A_157 : memref<64xi32, #tpu.memory_space<vmem>>) semaphore(%run_scoped3A_154 : memref<!tpu.dma_semaphore, #tpu.memory_space<semaphore_mem>>) {add = true}
        %dma_wait3A_161 = arith.constant 0 : i32
        %dma_wait3A_162 = tpu.memref_slice %arg11[%run_scoped3A_148, %dma_wait3A_161] : memref<1x64xi32, #tpu.memory_space<vmem>> -> memref<1x64xi32, #tpu.memory_space<vmem>>
        %dma_wait3A_163 = tpu.memref_squeeze %dma_wait3A_162 : memref<1x64xi32, #tpu.memory_space<vmem>> -> memref<64xi32, #tpu.memory_space<vmem>>
        %dma_wait3A_164 = arith.constant 0 : i32
        %dma_wait3A_165 = arith.constant 0 : i32
        %dma_wait3A_166 = tpu.memref_slice %arg16[%dma_wait3A_164, %dma_wait3A_165] : memref<10240x128xf32, #tpu.memory_space<vmem_shared>> -> memref<10240x128xf32, #tpu.memory_space<vmem_shared>>
        tpu.wait_indirect_dma semaphore(%run_scoped3A_154 : memref<!tpu.dma_semaphore, #tpu.memory_space<semaphore_mem>>) src(%arg15 : memref<64x128xf32, #tpu.memory_space<vmem>>) dst(%dma_wait3A_166 : memref<10240x128xf32, #tpu.memory_space<vmem_shared>>)
        tpu.yield
      }) : () -> ()
      %lt3A_149 = arith.constant 39 : i32
      %lt3A_150 = arith.cmpi slt, %scan3A_64, %lt3A_149 : i32
      %convert_element_type3A_151 = arith.extui %lt3A_150 : i1 to i32
      %cond3A_152 = arith.constant 0 : i32
      %cond3A_153 = arith.cmpi ne, %convert_element_type3A_151, %cond3A_152 : i32
      scf.if %cond3A_153 {
        %add3A_154 = arith.constant 3 : i32
        %add3A_155 = arith.addi %mul3A_66, %add3A_154 : i32
        %add3A_156 = arith.constant 4 : i32
        %add3A_157 = arith.addi %add3A_155, %add3A_156 : i32
        %dma_start3A_158 = arith.constant 0 : i32
        %dma_start3A_159 = arith.constant 0 : i32
        %dma_start3A_160 = tpu.memref_slice %arg4[%add3A, %add3A_157, %dma_start3A_158, %dma_start3A_159] : memref<32x160x1x64xi32, #tpu.memory_space<hbm>> -> memref<1x1x1x64xi32, #tpu.memory_space<hbm>>
        %dma_start3A_161 = tpu.memref_squeeze %dma_start3A_160 : memref<1x1x1x64xi32, #tpu.memory_space<hbm>> -> memref<1x64xi32, #tpu.memory_space<hbm>>
        %dma_start3A_162 = arith.constant 0 : i32
        %dma_start3A_163 = arith.constant 0 : i32
        %dma_start3A_164 = tpu.memref_slice %arg4[%add3A, %add3A_157, %dma_start3A_162, %dma_start3A_163] : memref<32x160x1x64xi32, #tpu.memory_space<hbm>> -> memref<1x1x1x64xi32, #tpu.memory_space<hbm>>
        %dma_start3A_165 = tpu.memref_squeeze %dma_start3A_164 : memref<1x1x1x64xi32, #tpu.memory_space<hbm>> -> memref<1x64xi32, #tpu.memory_space<hbm>>
        tpu.enqueue_dma source(%dma_start3A_165 : memref<1x64xi32, #tpu.memory_space<hbm>>) target(%arg11 : memref<1x64xi32, #tpu.memory_space<vmem>>) target_semaphore(%arg24 : memref<!tpu.dma_semaphore, #tpu.memory_space<semaphore_mem>>)
        %add3A_166 = arith.constant 3 : i32
        %add3A_167 = arith.addi %mul3A_66, %add3A_166 : i32
        %add3A_168 = arith.constant 4 : i32
        %add3A_169 = arith.addi %add3A_167, %add3A_168 : i32
        %mul3A_170 = arith.constant 64 : i32
        %mul3A_171 = arith.muli %add3A_169, %mul3A_170 : i32
        %dma_start3A_172 = tpu.memref_slice %arg7[%mul3A_171] : memref<10240xi32, #tpu.memory_space<vmem>> -> memref<64xi32, #tpu.memory_space<vmem>>
        %dma_start3A_173 = arith.constant 0 : i32
        %dma_start3A_174 = arith.constant 0 : i32
        %dma_start3A_175 = tpu.memref_slice %arg2[%dma_start3A_173, %dma_start3A_174] : memref<10240x128xf32, #tpu.memory_space<hbm>> -> memref<10240x128xf32, #tpu.memory_space<hbm>>
        tpu.enqueue_indirect_dma source(%dma_start3A_175 : memref<10240x128xf32, #tpu.memory_space<hbm>>) target(%arg15 : memref<64x128xf32, #tpu.memory_space<vmem>>) offsets(%dma_start3A_172 : memref<64xi32, #tpu.memory_space<vmem>>) semaphore(%arg20 : memref<!tpu.dma_semaphore, #tpu.memory_space<semaphore_mem>>)
      } else {
      }
    }
    %scan3A_62 = arith.constant 40 : i32
    %barrier3A_63 = arith.constant 0 : index
    tpu.barrier barrier_id(%barrier3A_63)
    "tpu.region"() ({
      %run_scoped3A = tpu.sem_alloc : memref<!tpu.dma_semaphore, #tpu.memory_space<semaphore_mem>>
      %dma_start3A_64 = arith.constant 0 : i32
      %dma_start3A_65 = tpu.memref_slice %arg6[%arg0, %mul3A_2, %dma_start3A_64] : memref<2x10240x128xf32, #tpu.memory_space<hbm>> -> memref<1x640x128xf32, #tpu.memory_space<hbm>>
      %dma_start3A_66 = tpu.memref_squeeze %dma_start3A_65 : memref<1x640x128xf32, #tpu.memory_space<hbm>> -> memref<640x128xf32, #tpu.memory_space<hbm>>
      %dma_start3A_67 = arith.constant 0 : i32
      %dma_start3A_68 = tpu.memref_slice %arg16[%mul3A_2, %dma_start3A_67] : memref<10240x128xf32, #tpu.memory_space<vmem_shared>> -> memref<640x128xf32, #tpu.memory_space<vmem_shared>>
      tpu.enqueue_dma source(%dma_start3A_68 : memref<640x128xf32, #tpu.memory_space<vmem_shared>>) target(%dma_start3A_66 : memref<640x128xf32, #tpu.memory_space<hbm>>) target_semaphore(%run_scoped3A : memref<!tpu.dma_semaphore, #tpu.memory_space<semaphore_mem>>)
      %dma_wait3A = arith.constant 0 : i32
      %dma_wait3A_69 = tpu.memref_slice %arg6[%arg0, %mul3A_2, %dma_wait3A] : memref<2x10240x128xf32, #tpu.memory_space<hbm>> -> memref<1x640x128xf32, #tpu.memory_space<hbm>>
      %dma_wait3A_70 = tpu.memref_squeeze %dma_wait3A_69 : memref<1x640x128xf32, #tpu.memory_space<hbm>> -> memref<640x128xf32, #tpu.memory_space<hbm>>
      %dma_wait3A_71 = arith.constant 0 : i32
      %dma_wait3A_72 = tpu.memref_slice %arg16[%mul3A_2, %dma_wait3A_71] : memref<10240x128xf32, #tpu.memory_space<vmem_shared>> -> memref<640x128xf32, #tpu.memory_space<vmem_shared>>
      tpu.wait_dma2 semaphore(%run_scoped3A : memref<!tpu.dma_semaphore, #tpu.memory_space<semaphore_mem>>) src(%dma_wait3A_72 : memref<640x128xf32, #tpu.memory_space<vmem_shared>>) dst(%dma_wait3A_70 : memref<640x128xf32, #tpu.memory_space<hbm>>)
      tpu.yield
    }) : () -> ()
    return
  }
}

#map = affine_map<(d0, d1) -> (0, 0)>
#map1 = affine_map<(d0, d1) -> (0, 0, 0, 0)>
#map2 = affine_map<(d0, d1) -> (0, 0, 0)>
module attributes {stable_mosaic.version = 14 : i64} {
  func.func @_edge_scatter(%arg0: i32, %arg1: i32, %arg2: memref<10240x128xf32, #tpu.memory_space<hbm>>, %arg3: memref<32x10240xi32, #tpu.memory_space<hbm>>, %arg4: memref<32x160x1x64xi32, #tpu.memory_space<hbm>>, %arg5: memref<10240x128xf32, #tpu.memory_space<hbm>>, %arg6: memref<2x10240x128xf32, #tpu.memory_space<hbm>>, %arg7: memref<10240xi32, #tpu.memory_space<vmem>>, %arg8: memref<1x64xi32, #tpu.memory_space<vmem>>, %arg9: memref<1x64xi32, #tpu.memory_space<vmem>>, %arg10: memref<1x64xi32, #tpu.memory_space<vmem>>, %arg11: memref<1x64xi32, #tpu.memory_space<vmem>>, %arg12: memref<64x128xf32, #tpu.memory_space<vmem>>, %arg13: memref<64x128xf32, #tpu.memory_space<vmem>>, %arg14: memref<64x128xf32, #tpu.memory_space<vmem>>, %arg15: memref<64x128xf32, #tpu.memory_space<vmem>>, %arg16: memref<10240x128xf32, #tpu.memory_space<vmem_shared>>, %arg17: memref<!tpu.dma_semaphore, #tpu.memory_space<semaphore_mem>>, %arg18: memref<!tpu.dma_semaphore, #tpu.memory_space<semaphore_mem>>, %arg19: memref<!tpu.dma_semaphore, #tpu.memory_space<semaphore_mem>>, %arg20: memref<!tpu.dma_semaphore, #tpu.memory_space<semaphore_mem>>, %arg21: memref<!tpu.dma_semaphore, #tpu.memory_space<semaphore_mem>>, %arg22: memref<!tpu.dma_semaphore, #tpu.memory_space<semaphore_mem>>, %arg23: memref<!tpu.dma_semaphore, #tpu.memory_space<semaphore_mem>>, %arg24: memref<!tpu.dma_semaphore, #tpu.memory_space<semaphore_mem>>) attributes {dimension_semantics = [#tpu.dimension_semantics<core_parallel>, #tpu.dimension_semantics<subcore_parallel>], iteration_bounds = array<i64: 2, 16>, scalar_prefetch = 0 : i64, scratch_operands = 18 : i64, tpu.core_type = #tpu.core_type<sc_vector_subcore>, window_params = [{transform_indices = #map}, {transform_indices = #map}, {transform_indices = #map1}, {transform_indices = #map}, {transform_indices = #map2}]} {
    %mul3A = arith.constant 2 : i32
    %mul3A_0 = arith.muli %arg1, %mul3A : i32
    %add3A = arith.addi %mul3A_0, %arg0 : i32
    %mul3A_1 = arith.constant 640 : i32
    %mul3A_2 = arith.muli %arg1, %mul3A_1 : i32
    "tpu.region"() ({
      %run_scoped3A = tpu.sem_alloc : memref<!tpu.dma_semaphore, #tpu.memory_space<semaphore_mem>>
      %dma_start3A_64 = arith.constant 0 : i32
      %dma_start3A_65 = tpu.memref_slice %arg3[%add3A, %dma_start3A_64] : memref<32x10240xi32, #tpu.memory_space<hbm>> -> memref<1x10240xi32, #tpu.memory_space<hbm>>
      %dma_start3A_66 = tpu.memref_squeeze %dma_start3A_65 : memref<1x10240xi32, #tpu.memory_space<hbm>> -> memref<10240xi32, #tpu.memory_space<hbm>>
      %dma_start3A_67 = arith.constant 0 : i32
      %dma_start3A_68 = tpu.memref_slice %arg3[%add3A, %dma_start3A_67] : memref<32x10240xi32, #tpu.memory_space<hbm>> -> memref<1x10240xi32, #tpu.memory_space<hbm>>
      %dma_start3A_69 = tpu.memref_squeeze %dma_start3A_68 : memref<1x10240xi32, #tpu.memory_space<hbm>> -> memref<10240xi32, #tpu.memory_space<hbm>>
      tpu.enqueue_dma source(%dma_start3A_69 : memref<10240xi32, #tpu.memory_space<hbm>>) target(%arg7 : memref<10240xi32, #tpu.memory_space<vmem>>) target_semaphore(%run_scoped3A : memref<!tpu.dma_semaphore, #tpu.memory_space<semaphore_mem>>)
      %dma_wait3A = arith.constant 0 : i32
      %dma_wait3A_70 = tpu.memref_slice %arg3[%add3A, %dma_wait3A] : memref<32x10240xi32, #tpu.memory_space<hbm>> -> memref<1x10240xi32, #tpu.memory_space<hbm>>
      %dma_wait3A_71 = tpu.memref_squeeze %dma_wait3A_70 : memref<1x10240xi32, #tpu.memory_space<hbm>> -> memref<10240xi32, #tpu.memory_space<hbm>>
      %dma_wait3A_72 = arith.constant 0 : i32
      %dma_wait3A_73 = tpu.memref_slice %arg3[%add3A, %dma_wait3A_72] : memref<32x10240xi32, #tpu.memory_space<hbm>> -> memref<1x10240xi32, #tpu.memory_space<hbm>>
      %dma_wait3A_74 = tpu.memref_squeeze %dma_wait3A_73 : memref<1x10240xi32, #tpu.memory_space<hbm>> -> memref<10240xi32, #tpu.memory_space<hbm>>
      tpu.wait_dma2 semaphore(%run_scoped3A : memref<!tpu.dma_semaphore, #tpu.memory_space<semaphore_mem>>) src(%dma_wait3A_74 : memref<10240xi32, #tpu.memory_space<hbm>>) dst(%arg7 : memref<10240xi32, #tpu.memory_space<vmem>>)
      tpu.yield
    }) : () -> ()
    "tpu.region"() ({
      %run_scoped3A = tpu.sem_alloc : memref<!tpu.dma_semaphore, #tpu.memory_space<semaphore_mem>>
      %dma_start3A_64 = arith.constant 0 : i32
      %dma_start3A_65 = tpu.memref_slice %arg16[%mul3A_2, %dma_start3A_64] : memref<10240x128xf32, #tpu.memory_space<vmem_shared>> -> memref<640x128xf32, #tpu.memory_space<vmem_shared>>
      %dma_start3A_66 = arith.constant 0 : i32
      %dma_start3A_67 = tpu.memref_slice %arg5[%mul3A_2, %dma_start3A_66] : memref<10240x128xf32, #tpu.memory_space<hbm>> -> memref<640x128xf32, #tpu.memory_space<hbm>>
      tpu.enqueue_dma source(%dma_start3A_67 : memref<640x128xf32, #tpu.memory_space<hbm>>) target(%dma_start3A_65 : memref<640x128xf32, #tpu.memory_space<vmem_shared>>) target_semaphore(%run_scoped3A : memref<!tpu.dma_semaphore, #tpu.memory_space<semaphore_mem>>)
      %dma_wait3A = arith.constant 0 : i32
      %dma_wait3A_68 = tpu.memref_slice %arg16[%mul3A_2, %dma_wait3A] : memref<10240x128xf32, #tpu.memory_space<vmem_shared>> -> memref<640x128xf32, #tpu.memory_space<vmem_shared>>
      %dma_wait3A_69 = arith.constant 0 : i32
      %dma_wait3A_70 = tpu.memref_slice %arg5[%mul3A_2, %dma_wait3A_69] : memref<10240x128xf32, #tpu.memory_space<hbm>> -> memref<640x128xf32, #tpu.memory_space<hbm>>
      tpu.wait_dma2 semaphore(%run_scoped3A : memref<!tpu.dma_semaphore, #tpu.memory_space<semaphore_mem>>) src(%dma_wait3A_70 : memref<640x128xf32, #tpu.memory_space<hbm>>) dst(%dma_wait3A_68 : memref<640x128xf32, #tpu.memory_space<vmem_shared>>)
      tpu.yield
    }) : () -> ()
    %barrier3A = arith.constant 0 : index
    tpu.barrier barrier_id(%barrier3A)
    %dma_start3A = arith.constant 0 : i32
    %dma_start3A_3 = arith.constant 0 : i32
    %dma_start3A_4 = arith.constant 0 : i32
    %dma_start3A_5 = tpu.memref_slice %arg4[%add3A, %dma_start3A, %dma_start3A_3, %dma_start3A_4] : memref<32x160x1x64xi32, #tpu.memory_space<hbm>> -> memref<1x1x1x64xi32, #tpu.memory_space<hbm>>
    %dma_start3A_6 = tpu.memref_squeeze %dma_start3A_5 : memref<1x1x1x64xi32, #tpu.memory_space<hbm>> -> memref<1x64xi32, #tpu.memory_space<hbm>>
    %dma_start3A_7 = arith.constant 0 : i32
    %dma_start3A_8 = arith.constant 0 : i32
    %dma_start3A_9 = tpu.memref_slice %arg4[%add3A, %dma_start3A, %dma_start3A_7, %dma_start3A_8] : memref<32x160x1x64xi32, #tpu.memory_space<hbm>> -> memref<1x1x1x64xi32, #tpu.memory_space<hbm>>
    %dma_start3A_10 = tpu.memref_squeeze %dma_start3A_9 : memref<1x1x1x64xi32, #tpu.memory_space<hbm>> -> memref<1x64xi32, #tpu.memory_space<hbm>>
    tpu.enqueue_dma source(%dma_start3A_10 : memref<1x64xi32, #tpu.memory_space<hbm>>) target(%arg8 : memref<1x64xi32, #tpu.memory_space<vmem>>) target_semaphore(%arg21 : memref<!tpu.dma_semaphore, #tpu.memory_space<semaphore_mem>>)
    %dma_start3A_11 = arith.constant 0 : i32
    %dma_start3A_12 = tpu.memref_slice %arg7[%dma_start3A_11] : memref<10240xi32, #tpu.memory_space<vmem>> -> memref<64xi32, #tpu.memory_space<vmem>>
    %dma_start3A_13 = arith.constant 0 : i32
    %dma_start3A_14 = arith.constant 0 : i32
    %dma_start3A_15 = tpu.memref_slice %arg2[%dma_start3A_13, %dma_start3A_14] : memref<10240x128xf32, #tpu.memory_space<hbm>> -> memref<10240x128xf32, #tpu.memory_space<hbm>>
    tpu.enqueue_indirect_dma source(%dma_start3A_15 : memref<10240x128xf32, #tpu.memory_space<hbm>>) target(%arg12 : memref<64x128xf32, #tpu.memory_space<vmem>>) offsets(%dma_start3A_12 : memref<64xi32, #tpu.memory_space<vmem>>) semaphore(%arg17 : memref<!tpu.dma_semaphore, #tpu.memory_space<semaphore_mem>>)
    %dma_start3A_16 = arith.constant 1 : i32
    %dma_start3A_17 = arith.constant 0 : i32
    %dma_start3A_18 = arith.constant 0 : i32
    %dma_start3A_19 = tpu.memref_slice %arg4[%add3A, %dma_start3A_16, %dma_start3A_17, %dma_start3A_18] : memref<32x160x1x64xi32, #tpu.memory_space<hbm>> -> memref<1x1x1x64xi32, #tpu.memory_space<hbm>>
    %dma_start3A_20 = tpu.memref_squeeze %dma_start3A_19 : memref<1x1x1x64xi32, #tpu.memory_space<hbm>> -> memref<1x64xi32, #tpu.memory_space<hbm>>
    %dma_start3A_21 = arith.constant 0 : i32
    %dma_start3A_22 = arith.constant 0 : i32
    %dma_start3A_23 = tpu.memref_slice %arg4[%add3A, %dma_start3A_16, %dma_start3A_21, %dma_start3A_22] : memref<32x160x1x64xi32, #tpu.memory_space<hbm>> -> memref<1x1x1x64xi32, #tpu.memory_space<hbm>>
    %dma_start3A_24 = tpu.memref_squeeze %dma_start3A_23 : memref<1x1x1x64xi32, #tpu.memory_space<hbm>> -> memref<1x64xi32, #tpu.memory_space<hbm>>
    tpu.enqueue_dma source(%dma_start3A_24 : memref<1x64xi32, #tpu.memory_space<hbm>>) target(%arg9 : memref<1x64xi32, #tpu.memory_space<vmem>>) target_semaphore(%arg22 : memref<!tpu.dma_semaphore, #tpu.memory_space<semaphore_mem>>)
    %dma_start3A_25 = arith.constant 64 : i32
    %dma_start3A_26 = tpu.memref_slice %arg7[%dma_start3A_25] : memref<10240xi32, #tpu.memory_space<vmem>> -> memref<64xi32, #tpu.memory_space<vmem>>
    %dma_start3A_27 = arith.constant 0 : i32
    %dma_start3A_28 = arith.constant 0 : i32
    %dma_start3A_29 = tpu.memref_slice %arg2[%dma_start3A_27, %dma_start3A_28] : memref<10240x128xf32, #tpu.memory_space<hbm>> -> memref<10240x128xf32, #tpu.memory_space<hbm>>
    tpu.enqueue_indirect_dma source(%dma_start3A_29 : memref<10240x128xf32, #tpu.memory_space<hbm>>) target(%arg13 : memref<64x128xf32, #tpu.memory_space<vmem>>) offsets(%dma_start3A_26 : memref<64xi32, #tpu.memory_space<vmem>>) semaphore(%arg18 : memref<!tpu.dma_semaphore, #tpu.memory_space<semaphore_mem>>)
    %dma_start3A_30 = arith.constant 2 : i32
    %dma_start3A_31 = arith.constant 0 : i32
    %dma_start3A_32 = arith.constant 0 : i32
    %dma_start3A_33 = tpu.memref_slice %arg4[%add3A, %dma_start3A_30, %dma_start3A_31, %dma_start3A_32] : memref<32x160x1x64xi32, #tpu.memory_space<hbm>> -> memref<1x1x1x64xi32, #tpu.memory_space<hbm>>
    %dma_start3A_34 = tpu.memref_squeeze %dma_start3A_33 : memref<1x1x1x64xi32, #tpu.memory_space<hbm>> -> memref<1x64xi32, #tpu.memory_space<hbm>>
    %dma_start3A_35 = arith.constant 0 : i32
    %dma_start3A_36 = arith.constant 0 : i32
    %dma_start3A_37 = tpu.memref_slice %arg4[%add3A, %dma_start3A_30, %dma_start3A_35, %dma_start3A_36] : memref<32x160x1x64xi32, #tpu.memory_space<hbm>> -> memref<1x1x1x64xi32, #tpu.memory_space<hbm>>
    %dma_start3A_38 = tpu.memref_squeeze %dma_start3A_37 : memref<1x1x1x64xi32, #tpu.memory_space<hbm>> -> memref<1x64xi32, #tpu.memory_space<hbm>>
    tpu.enqueue_dma source(%dma_start3A_38 : memref<1x64xi32, #tpu.memory_space<hbm>>) target(%arg10 : memref<1x64xi32, #tpu.memory_space<vmem>>) target_semaphore(%arg23 : memref<!tpu.dma_semaphore, #tpu.memory_space<semaphore_mem>>)
    %dma_start3A_39 = arith.constant 128 : i32
    %dma_start3A_40 = tpu.memref_slice %arg7[%dma_start3A_39] : memref<10240xi32, #tpu.memory_space<vmem>> -> memref<64xi32, #tpu.memory_space<vmem>>
    %dma_start3A_41 = arith.constant 0 : i32
    %dma_start3A_42 = arith.constant 0 : i32
    %dma_start3A_43 = tpu.memref_slice %arg2[%dma_start3A_41, %dma_start3A_42] : memref<10240x128xf32, #tpu.memory_space<hbm>> -> memref<10240x128xf32, #tpu.memory_space<hbm>>
    tpu.enqueue_indirect_dma source(%dma_start3A_43 : memref<10240x128xf32, #tpu.memory_space<hbm>>) target(%arg14 : memref<64x128xf32, #tpu.memory_space<vmem>>) offsets(%dma_start3A_40 : memref<64xi32, #tpu.memory_space<vmem>>) semaphore(%arg19 : memref<!tpu.dma_semaphore, #tpu.memory_space<semaphore_mem>>)
    %dma_start3A_44 = arith.constant 3 : i32
    %dma_start3A_45 = arith.constant 0 : i32
    %dma_start3A_46 = arith.constant 0 : i32
    %dma_start3A_47 = tpu.memref_slice %arg4[%add3A, %dma_start3A_44, %dma_start3A_45, %dma_start3A_46] : memref<32x160x1x64xi32, #tpu.memory_space<hbm>> -> memref<1x1x1x64xi32, #tpu.memory_space<hbm>>
    %dma_start3A_48 = tpu.memref_squeeze %dma_start3A_47 : memref<1x1x1x64xi32, #tpu.memory_space<hbm>> -> memref<1x64xi32, #tpu.memory_space<hbm>>
    %dma_start3A_49 = arith.constant 0 : i32
    %dma_start3A_50 = arith.constant 0 : i32
    %dma_start3A_51 = tpu.memref_slice %arg4[%add3A, %dma_start3A_44, %dma_start3A_49, %dma_start3A_50] : memref<32x160x1x64xi32, #tpu.memory_space<hbm>> -> memref<1x1x1x64xi32, #tpu.memory_space<hbm>>
    %dma_start3A_52 = tpu.memref_squeeze %dma_start3A_51 : memref<1x1x1x64xi32, #tpu.memory_space<hbm>> -> memref<1x64xi32, #tpu.memory_space<hbm>>
    tpu.enqueue_dma source(%dma_start3A_52 : memref<1x64xi32, #tpu.memory_space<hbm>>) target(%arg11 : memref<1x64xi32, #tpu.memory_space<vmem>>) target_semaphore(%arg24 : memref<!tpu.dma_semaphore, #tpu.memory_space<semaphore_mem>>)
    %dma_start3A_53 = arith.constant 192 : i32
    %dma_start3A_54 = tpu.memref_slice %arg7[%dma_start3A_53] : memref<10240xi32, #tpu.memory_space<vmem>> -> memref<64xi32, #tpu.memory_space<vmem>>
    %dma_start3A_55 = arith.constant 0 : i32
    %dma_start3A_56 = arith.constant 0 : i32
    %dma_start3A_57 = tpu.memref_slice %arg2[%dma_start3A_55, %dma_start3A_56] : memref<10240x128xf32, #tpu.memory_space<hbm>> -> memref<10240x128xf32, #tpu.memory_space<hbm>>
    tpu.enqueue_indirect_dma source(%dma_start3A_57 : memref<10240x128xf32, #tpu.memory_space<hbm>>) target(%arg15 : memref<64x128xf32, #tpu.memory_space<vmem>>) offsets(%dma_start3A_54 : memref<64xi32, #tpu.memory_space<vmem>>) semaphore(%arg20 : memref<!tpu.dma_semaphore, #tpu.memory_space<semaphore_mem>>)
    %scan3A = arith.constant 0 : i32
    %scan3A_58 = arith.constant 0 : i32
    %scan3A_59 = arith.constant 40 : i32
    %scan3A_60 = arith.addi %scan3A_58, %scan3A_59 : i32
    %scan3A_61 = arith.constant 1 : i32
    scf.for %scan3A_64 = %scan3A_58 to %scan3A_60 step %scan3A_61  : i32 {
      %mul3A_65 = arith.constant 4 : i32
      %mul3A_66 = arith.muli %mul3A_65, %scan3A_64 : i32
      %add3A_67 = arith.constant 0 : i32
      %add3A_68 = arith.addi %mul3A_66, %add3A_67 : i32
      %mul3A_69 = arith.constant 64 : i32
      %mul3A_70 = arith.muli %add3A_68, %mul3A_69 : i32
      %dma_wait3A = tpu.memref_slice %arg7[%mul3A_70] : memref<10240xi32, #tpu.memory_space<vmem>> -> memref<64xi32, #tpu.memory_space<vmem>>
      %dma_wait3A_71 = arith.constant 0 : i32
      %dma_wait3A_72 = arith.constant 0 : i32
      %dma_wait3A_73 = tpu.memref_slice %arg2[%dma_wait3A_71, %dma_wait3A_72] : memref<10240x128xf32, #tpu.memory_space<hbm>> -> memref<10240x128xf32, #tpu.memory_space<hbm>>
      tpu.wait_indirect_dma semaphore(%arg17 : memref<!tpu.dma_semaphore, #tpu.memory_space<semaphore_mem>>) src(%dma_wait3A_73 : memref<10240x128xf32, #tpu.memory_space<hbm>>) dst(%arg12 : memref<64x128xf32, #tpu.memory_space<vmem>>)
      %dma_wait3A_74 = arith.constant 0 : i32
      %dma_wait3A_75 = arith.constant 0 : i32
      %dma_wait3A_76 = arith.constant 0 : i32
      %dma_wait3A_77 = tpu.memref_slice %arg4[%add3A, %dma_wait3A_74, %dma_wait3A_75, %dma_wait3A_76] : memref<32x160x1x64xi32, #tpu.memory_space<hbm>> -> memref<1x1x1x64xi32, #tpu.memory_space<hbm>>
      %dma_wait3A_78 = tpu.memref_squeeze %dma_wait3A_77 : memref<1x1x1x64xi32, #tpu.memory_space<hbm>> -> memref<1x64xi32, #tpu.memory_space<hbm>>
      %dma_wait3A_79 = arith.constant 0 : i32
      %dma_wait3A_80 = arith.constant 0 : i32
      %dma_wait3A_81 = tpu.memref_slice %arg4[%add3A, %dma_wait3A_74, %dma_wait3A_79, %dma_wait3A_80] : memref<32x160x1x64xi32, #tpu.memory_space<hbm>> -> memref<1x1x1x64xi32, #tpu.memory_space<hbm>>
      %dma_wait3A_82 = tpu.memref_squeeze %dma_wait3A_81 : memref<1x1x1x64xi32, #tpu.memory_space<hbm>> -> memref<1x64xi32, #tpu.memory_space<hbm>>
      tpu.wait_dma2 semaphore(%arg21 : memref<!tpu.dma_semaphore, #tpu.memory_space<semaphore_mem>>) src(%dma_wait3A_82 : memref<1x64xi32, #tpu.memory_space<hbm>>) dst(%arg8 : memref<1x64xi32, #tpu.memory_space<vmem>>)
      %run_scoped3A = arith.constant 0 : i32
      "tpu.region"() ({
        %run_scoped3A_154 = tpu.sem_alloc : memref<!tpu.dma_semaphore, #tpu.memory_space<semaphore_mem>>
        %dma_start3A_155 = arith.constant 0 : i32
        %dma_start3A_156 = tpu.memref_slice %arg8[%run_scoped3A, %dma_start3A_155] : memref<1x64xi32, #tpu.memory_space<vmem>> -> memref<1x64xi32, #tpu.memory_space<vmem>>
        %dma_start3A_157 = tpu.memref_squeeze %dma_start3A_156 : memref<1x64xi32, #tpu.memory_space<vmem>> -> memref<64xi32, #tpu.memory_space<vmem>>
        %dma_start3A_158 = arith.constant 0 : i32
        %dma_start3A_159 = arith.constant 0 : i32
        %dma_start3A_160 = tpu.memref_slice %arg16[%dma_start3A_158, %dma_start3A_159] : memref<10240x128xf32, #tpu.memory_space<vmem_shared>> -> memref<10240x128xf32, #tpu.memory_space<vmem_shared>>
        tpu.enqueue_indirect_dma source(%arg12 : memref<64x128xf32, #tpu.memory_space<vmem>>) target(%dma_start3A_160 : memref<10240x128xf32, #tpu.memory_space<vmem_shared>>) offsets(%dma_start3A_157 : memref<64xi32, #tpu.memory_space<vmem>>) semaphore(%run_scoped3A_154 : memref<!tpu.dma_semaphore, #tpu.memory_space<semaphore_mem>>) {add = true}
        %dma_wait3A_161 = arith.constant 0 : i32
        %dma_wait3A_162 = tpu.memref_slice %arg8[%run_scoped3A, %dma_wait3A_161] : memref<1x64xi32, #tpu.memory_space<vmem>> -> memref<1x64xi32, #tpu.memory_space<vmem>>
        %dma_wait3A_163 = tpu.memref_squeeze %dma_wait3A_162 : memref<1x64xi32, #tpu.memory_space<vmem>> -> memref<64xi32, #tpu.memory_space<vmem>>
        %dma_wait3A_164 = arith.constant 0 : i32
        %dma_wait3A_165 = arith.constant 0 : i32
        %dma_wait3A_166 = tpu.memref_slice %arg16[%dma_wait3A_164, %dma_wait3A_165] : memref<10240x128xf32, #tpu.memory_space<vmem_shared>> -> memref<10240x128xf32, #tpu.memory_space<vmem_shared>>
        tpu.wait_indirect_dma semaphore(%run_scoped3A_154 : memref<!tpu.dma_semaphore, #tpu.memory_space<semaphore_mem>>) src(%arg12 : memref<64x128xf32, #tpu.memory_space<vmem>>) dst(%dma_wait3A_166 : memref<10240x128xf32, #tpu.memory_space<vmem_shared>>)
        tpu.yield
      }) : () -> ()
      %lt3A = arith.constant 39 : i32
      %lt3A_83 = arith.cmpi slt, %scan3A_64, %lt3A : i32
      %convert_element_type3A = arith.extui %lt3A_83 : i1 to i32
      %cond3A = arith.constant 0 : i32
      %cond3A_84 = arith.cmpi ne, %convert_element_type3A, %cond3A : i32
      scf.if %cond3A_84 {
        %add3A_154 = arith.constant 0 : i32
        %add3A_155 = arith.addi %mul3A_66, %add3A_154 : i32
        %add3A_156 = arith.constant 4 : i32
        %add3A_157 = arith.addi %add3A_155, %add3A_156 : i32
        %dma_start3A_158 = arith.constant 0 : i32
        %dma_start3A_159 = arith.constant 0 : i32
        %dma_start3A_160 = tpu.memref_slice %arg4[%add3A, %add3A_157, %dma_start3A_158, %dma_start3A_159] : memref<32x160x1x64xi32, #tpu.memory_space<hbm>> -> memref<1x1x1x64xi32, #tpu.memory_space<hbm>>
        %dma_start3A_161 = tpu.memref_squeeze %dma_start3A_160 : memref<1x1x1x64xi32, #tpu.memory_space<hbm>> -> memref<1x64xi32, #tpu.memory_space<hbm>>
        %dma_start3A_162 = arith.constant 0 : i32
        %dma_start3A_163 = arith.constant 0 : i32
        %dma_start3A_164 = tpu.memref_slice %arg4[%add3A, %add3A_157, %dma_start3A_162, %dma_start3A_163] : memref<32x160x1x64xi32, #tpu.memory_space<hbm>> -> memref<1x1x1x64xi32, #tpu.memory_space<hbm>>
        %dma_start3A_165 = tpu.memref_squeeze %dma_start3A_164 : memref<1x1x1x64xi32, #tpu.memory_space<hbm>> -> memref<1x64xi32, #tpu.memory_space<hbm>>
        tpu.enqueue_dma source(%dma_start3A_165 : memref<1x64xi32, #tpu.memory_space<hbm>>) target(%arg8 : memref<1x64xi32, #tpu.memory_space<vmem>>) target_semaphore(%arg21 : memref<!tpu.dma_semaphore, #tpu.memory_space<semaphore_mem>>)
        %add3A_166 = arith.constant 0 : i32
        %add3A_167 = arith.addi %mul3A_66, %add3A_166 : i32
        %add3A_168 = arith.constant 4 : i32
        %add3A_169 = arith.addi %add3A_167, %add3A_168 : i32
        %mul3A_170 = arith.constant 64 : i32
        %mul3A_171 = arith.muli %add3A_169, %mul3A_170 : i32
        %dma_start3A_172 = tpu.memref_slice %arg7[%mul3A_171] : memref<10240xi32, #tpu.memory_space<vmem>> -> memref<64xi32, #tpu.memory_space<vmem>>
        %dma_start3A_173 = arith.constant 0 : i32
        %dma_start3A_174 = arith.constant 0 : i32
        %dma_start3A_175 = tpu.memref_slice %arg2[%dma_start3A_173, %dma_start3A_174] : memref<10240x128xf32, #tpu.memory_space<hbm>> -> memref<10240x128xf32, #tpu.memory_space<hbm>>
        tpu.enqueue_indirect_dma source(%dma_start3A_175 : memref<10240x128xf32, #tpu.memory_space<hbm>>) target(%arg12 : memref<64x128xf32, #tpu.memory_space<vmem>>) offsets(%dma_start3A_172 : memref<64xi32, #tpu.memory_space<vmem>>) semaphore(%arg17 : memref<!tpu.dma_semaphore, #tpu.memory_space<semaphore_mem>>)
      } else {
      }
      %add3A_85 = arith.constant 1 : i32
      %add3A_86 = arith.addi %mul3A_66, %add3A_85 : i32
      %mul3A_87 = arith.constant 64 : i32
      %mul3A_88 = arith.muli %add3A_86, %mul3A_87 : i32
      %dma_wait3A_89 = tpu.memref_slice %arg7[%mul3A_88] : memref<10240xi32, #tpu.memory_space<vmem>> -> memref<64xi32, #tpu.memory_space<vmem>>
      %dma_wait3A_90 = arith.constant 0 : i32
      %dma_wait3A_91 = arith.constant 0 : i32
      %dma_wait3A_92 = tpu.memref_slice %arg2[%dma_wait3A_90, %dma_wait3A_91] : memref<10240x128xf32, #tpu.memory_space<hbm>> -> memref<10240x128xf32, #tpu.memory_space<hbm>>
      tpu.wait_indirect_dma semaphore(%arg18 : memref<!tpu.dma_semaphore, #tpu.memory_space<semaphore_mem>>) src(%dma_wait3A_92 : memref<10240x128xf32, #tpu.memory_space<hbm>>) dst(%arg13 : memref<64x128xf32, #tpu.memory_space<vmem>>)
      %dma_wait3A_93 = arith.constant 0 : i32
      %dma_wait3A_94 = arith.constant 0 : i32
      %dma_wait3A_95 = arith.constant 0 : i32
      %dma_wait3A_96 = tpu.memref_slice %arg4[%add3A, %dma_wait3A_93, %dma_wait3A_94, %dma_wait3A_95] : memref<32x160x1x64xi32, #tpu.memory_space<hbm>> -> memref<1x1x1x64xi32, #tpu.memory_space<hbm>>
      %dma_wait3A_97 = tpu.memref_squeeze %dma_wait3A_96 : memref<1x1x1x64xi32, #tpu.memory_space<hbm>> -> memref<1x64xi32, #tpu.memory_space<hbm>>
      %dma_wait3A_98 = arith.constant 0 : i32
      %dma_wait3A_99 = arith.constant 0 : i32
      %dma_wait3A_100 = tpu.memref_slice %arg4[%add3A, %dma_wait3A_93, %dma_wait3A_98, %dma_wait3A_99] : memref<32x160x1x64xi32, #tpu.memory_space<hbm>> -> memref<1x1x1x64xi32, #tpu.memory_space<hbm>>
      %dma_wait3A_101 = tpu.memref_squeeze %dma_wait3A_100 : memref<1x1x1x64xi32, #tpu.memory_space<hbm>> -> memref<1x64xi32, #tpu.memory_space<hbm>>
      tpu.wait_dma2 semaphore(%arg22 : memref<!tpu.dma_semaphore, #tpu.memory_space<semaphore_mem>>) src(%dma_wait3A_101 : memref<1x64xi32, #tpu.memory_space<hbm>>) dst(%arg9 : memref<1x64xi32, #tpu.memory_space<vmem>>)
      %run_scoped3A_102 = arith.constant 0 : i32
      "tpu.region"() ({
        %run_scoped3A_154 = tpu.sem_alloc : memref<!tpu.dma_semaphore, #tpu.memory_space<semaphore_mem>>
        %dma_start3A_155 = arith.constant 0 : i32
        %dma_start3A_156 = tpu.memref_slice %arg9[%run_scoped3A_102, %dma_start3A_155] : memref<1x64xi32, #tpu.memory_space<vmem>> -> memref<1x64xi32, #tpu.memory_space<vmem>>
        %dma_start3A_157 = tpu.memref_squeeze %dma_start3A_156 : memref<1x64xi32, #tpu.memory_space<vmem>> -> memref<64xi32, #tpu.memory_space<vmem>>
        %dma_start3A_158 = arith.constant 0 : i32
        %dma_start3A_159 = arith.constant 0 : i32
        %dma_start3A_160 = tpu.memref_slice %arg16[%dma_start3A_158, %dma_start3A_159] : memref<10240x128xf32, #tpu.memory_space<vmem_shared>> -> memref<10240x128xf32, #tpu.memory_space<vmem_shared>>
        tpu.enqueue_indirect_dma source(%arg13 : memref<64x128xf32, #tpu.memory_space<vmem>>) target(%dma_start3A_160 : memref<10240x128xf32, #tpu.memory_space<vmem_shared>>) offsets(%dma_start3A_157 : memref<64xi32, #tpu.memory_space<vmem>>) semaphore(%run_scoped3A_154 : memref<!tpu.dma_semaphore, #tpu.memory_space<semaphore_mem>>) {add = true}
        %dma_wait3A_161 = arith.constant 0 : i32
        %dma_wait3A_162 = tpu.memref_slice %arg9[%run_scoped3A_102, %dma_wait3A_161] : memref<1x64xi32, #tpu.memory_space<vmem>> -> memref<1x64xi32, #tpu.memory_space<vmem>>
        %dma_wait3A_163 = tpu.memref_squeeze %dma_wait3A_162 : memref<1x64xi32, #tpu.memory_space<vmem>> -> memref<64xi32, #tpu.memory_space<vmem>>
        %dma_wait3A_164 = arith.constant 0 : i32
        %dma_wait3A_165 = arith.constant 0 : i32
        %dma_wait3A_166 = tpu.memref_slice %arg16[%dma_wait3A_164, %dma_wait3A_165] : memref<10240x128xf32, #tpu.memory_space<vmem_shared>> -> memref<10240x128xf32, #tpu.memory_space<vmem_shared>>
        tpu.wait_indirect_dma semaphore(%run_scoped3A_154 : memref<!tpu.dma_semaphore, #tpu.memory_space<semaphore_mem>>) src(%arg13 : memref<64x128xf32, #tpu.memory_space<vmem>>) dst(%dma_wait3A_166 : memref<10240x128xf32, #tpu.memory_space<vmem_shared>>)
        tpu.yield
      }) : () -> ()
      %lt3A_103 = arith.constant 39 : i32
      %lt3A_104 = arith.cmpi slt, %scan3A_64, %lt3A_103 : i32
      %convert_element_type3A_105 = arith.extui %lt3A_104 : i1 to i32
      %cond3A_106 = arith.constant 0 : i32
      %cond3A_107 = arith.cmpi ne, %convert_element_type3A_105, %cond3A_106 : i32
      scf.if %cond3A_107 {
        %add3A_154 = arith.constant 1 : i32
        %add3A_155 = arith.addi %mul3A_66, %add3A_154 : i32
        %add3A_156 = arith.constant 4 : i32
        %add3A_157 = arith.addi %add3A_155, %add3A_156 : i32
        %dma_start3A_158 = arith.constant 0 : i32
        %dma_start3A_159 = arith.constant 0 : i32
        %dma_start3A_160 = tpu.memref_slice %arg4[%add3A, %add3A_157, %dma_start3A_158, %dma_start3A_159] : memref<32x160x1x64xi32, #tpu.memory_space<hbm>> -> memref<1x1x1x64xi32, #tpu.memory_space<hbm>>
        %dma_start3A_161 = tpu.memref_squeeze %dma_start3A_160 : memref<1x1x1x64xi32, #tpu.memory_space<hbm>> -> memref<1x64xi32, #tpu.memory_space<hbm>>
        %dma_start3A_162 = arith.constant 0 : i32
        %dma_start3A_163 = arith.constant 0 : i32
        %dma_start3A_164 = tpu.memref_slice %arg4[%add3A, %add3A_157, %dma_start3A_162, %dma_start3A_163] : memref<32x160x1x64xi32, #tpu.memory_space<hbm>> -> memref<1x1x1x64xi32, #tpu.memory_space<hbm>>
        %dma_start3A_165 = tpu.memref_squeeze %dma_start3A_164 : memref<1x1x1x64xi32, #tpu.memory_space<hbm>> -> memref<1x64xi32, #tpu.memory_space<hbm>>
        tpu.enqueue_dma source(%dma_start3A_165 : memref<1x64xi32, #tpu.memory_space<hbm>>) target(%arg9 : memref<1x64xi32, #tpu.memory_space<vmem>>) target_semaphore(%arg22 : memref<!tpu.dma_semaphore, #tpu.memory_space<semaphore_mem>>)
        %add3A_166 = arith.constant 1 : i32
        %add3A_167 = arith.addi %mul3A_66, %add3A_166 : i32
        %add3A_168 = arith.constant 4 : i32
        %add3A_169 = arith.addi %add3A_167, %add3A_168 : i32
        %mul3A_170 = arith.constant 64 : i32
        %mul3A_171 = arith.muli %add3A_169, %mul3A_170 : i32
        %dma_start3A_172 = tpu.memref_slice %arg7[%mul3A_171] : memref<10240xi32, #tpu.memory_space<vmem>> -> memref<64xi32, #tpu.memory_space<vmem>>
        %dma_start3A_173 = arith.constant 0 : i32
        %dma_start3A_174 = arith.constant 0 : i32
        %dma_start3A_175 = tpu.memref_slice %arg2[%dma_start3A_173, %dma_start3A_174] : memref<10240x128xf32, #tpu.memory_space<hbm>> -> memref<10240x128xf32, #tpu.memory_space<hbm>>
        tpu.enqueue_indirect_dma source(%dma_start3A_175 : memref<10240x128xf32, #tpu.memory_space<hbm>>) target(%arg13 : memref<64x128xf32, #tpu.memory_space<vmem>>) offsets(%dma_start3A_172 : memref<64xi32, #tpu.memory_space<vmem>>) semaphore(%arg18 : memref<!tpu.dma_semaphore, #tpu.memory_space<semaphore_mem>>)
      } else {
      }
      %add3A_108 = arith.constant 2 : i32
      %add3A_109 = arith.addi %mul3A_66, %add3A_108 : i32
      %mul3A_110 = arith.constant 64 : i32
      %mul3A_111 = arith.muli %add3A_109, %mul3A_110 : i32
      %dma_wait3A_112 = tpu.memref_slice %arg7[%mul3A_111] : memref<10240xi32, #tpu.memory_space<vmem>> -> memref<64xi32, #tpu.memory_space<vmem>>
      %dma_wait3A_113 = arith.constant 0 : i32
      %dma_wait3A_114 = arith.constant 0 : i32
      %dma_wait3A_115 = tpu.memref_slice %arg2[%dma_wait3A_113, %dma_wait3A_114] : memref<10240x128xf32, #tpu.memory_space<hbm>> -> memref<10240x128xf32, #tpu.memory_space<hbm>>
      tpu.wait_indirect_dma semaphore(%arg19 : memref<!tpu.dma_semaphore, #tpu.memory_space<semaphore_mem>>) src(%dma_wait3A_115 : memref<10240x128xf32, #tpu.memory_space<hbm>>) dst(%arg14 : memref<64x128xf32, #tpu.memory_space<vmem>>)
      %dma_wait3A_116 = arith.constant 0 : i32
      %dma_wait3A_117 = arith.constant 0 : i32
      %dma_wait3A_118 = arith.constant 0 : i32
      %dma_wait3A_119 = tpu.memref_slice %arg4[%add3A, %dma_wait3A_116, %dma_wait3A_117, %dma_wait3A_118] : memref<32x160x1x64xi32, #tpu.memory_space<hbm>> -> memref<1x1x1x64xi32, #tpu.memory_space<hbm>>
      %dma_wait3A_120 = tpu.memref_squeeze %dma_wait3A_119 : memref<1x1x1x64xi32, #tpu.memory_space<hbm>> -> memref<1x64xi32, #tpu.memory_space<hbm>>
      %dma_wait3A_121 = arith.constant 0 : i32
      %dma_wait3A_122 = arith.constant 0 : i32
      %dma_wait3A_123 = tpu.memref_slice %arg4[%add3A, %dma_wait3A_116, %dma_wait3A_121, %dma_wait3A_122] : memref<32x160x1x64xi32, #tpu.memory_space<hbm>> -> memref<1x1x1x64xi32, #tpu.memory_space<hbm>>
      %dma_wait3A_124 = tpu.memref_squeeze %dma_wait3A_123 : memref<1x1x1x64xi32, #tpu.memory_space<hbm>> -> memref<1x64xi32, #tpu.memory_space<hbm>>
      tpu.wait_dma2 semaphore(%arg23 : memref<!tpu.dma_semaphore, #tpu.memory_space<semaphore_mem>>) src(%dma_wait3A_124 : memref<1x64xi32, #tpu.memory_space<hbm>>) dst(%arg10 : memref<1x64xi32, #tpu.memory_space<vmem>>)
      %run_scoped3A_125 = arith.constant 0 : i32
      "tpu.region"() ({
        %run_scoped3A_154 = tpu.sem_alloc : memref<!tpu.dma_semaphore, #tpu.memory_space<semaphore_mem>>
        %dma_start3A_155 = arith.constant 0 : i32
        %dma_start3A_156 = tpu.memref_slice %arg10[%run_scoped3A_125, %dma_start3A_155] : memref<1x64xi32, #tpu.memory_space<vmem>> -> memref<1x64xi32, #tpu.memory_space<vmem>>
        %dma_start3A_157 = tpu.memref_squeeze %dma_start3A_156 : memref<1x64xi32, #tpu.memory_space<vmem>> -> memref<64xi32, #tpu.memory_space<vmem>>
        %dma_start3A_158 = arith.constant 0 : i32
        %dma_start3A_159 = arith.constant 0 : i32
        %dma_start3A_160 = tpu.memref_slice %arg16[%dma_start3A_158, %dma_start3A_159] : memref<10240x128xf32, #tpu.memory_space<vmem_shared>> -> memref<10240x128xf32, #tpu.memory_space<vmem_shared>>
        tpu.enqueue_indirect_dma source(%arg14 : memref<64x128xf32, #tpu.memory_space<vmem>>) target(%dma_start3A_160 : memref<10240x128xf32, #tpu.memory_space<vmem_shared>>) offsets(%dma_start3A_157 : memref<64xi32, #tpu.memory_space<vmem>>) semaphore(%run_scoped3A_154 : memref<!tpu.dma_semaphore, #tpu.memory_space<semaphore_mem>>) {add = true}
        %dma_wait3A_161 = arith.constant 0 : i32
        %dma_wait3A_162 = tpu.memref_slice %arg10[%run_scoped3A_125, %dma_wait3A_161] : memref<1x64xi32, #tpu.memory_space<vmem>> -> memref<1x64xi32, #tpu.memory_space<vmem>>
        %dma_wait3A_163 = tpu.memref_squeeze %dma_wait3A_162 : memref<1x64xi32, #tpu.memory_space<vmem>> -> memref<64xi32, #tpu.memory_space<vmem>>
        %dma_wait3A_164 = arith.constant 0 : i32
        %dma_wait3A_165 = arith.constant 0 : i32
        %dma_wait3A_166 = tpu.memref_slice %arg16[%dma_wait3A_164, %dma_wait3A_165] : memref<10240x128xf32, #tpu.memory_space<vmem_shared>> -> memref<10240x128xf32, #tpu.memory_space<vmem_shared>>
        tpu.wait_indirect_dma semaphore(%run_scoped3A_154 : memref<!tpu.dma_semaphore, #tpu.memory_space<semaphore_mem>>) src(%arg14 : memref<64x128xf32, #tpu.memory_space<vmem>>) dst(%dma_wait3A_166 : memref<10240x128xf32, #tpu.memory_space<vmem_shared>>)
        tpu.yield
      }) : () -> ()
      %lt3A_126 = arith.constant 39 : i32
      %lt3A_127 = arith.cmpi slt, %scan3A_64, %lt3A_126 : i32
      %convert_element_type3A_128 = arith.extui %lt3A_127 : i1 to i32
      %cond3A_129 = arith.constant 0 : i32
      %cond3A_130 = arith.cmpi ne, %convert_element_type3A_128, %cond3A_129 : i32
      scf.if %cond3A_130 {
        %add3A_154 = arith.constant 2 : i32
        %add3A_155 = arith.addi %mul3A_66, %add3A_154 : i32
        %add3A_156 = arith.constant 4 : i32
        %add3A_157 = arith.addi %add3A_155, %add3A_156 : i32
        %dma_start3A_158 = arith.constant 0 : i32
        %dma_start3A_159 = arith.constant 0 : i32
        %dma_start3A_160 = tpu.memref_slice %arg4[%add3A, %add3A_157, %dma_start3A_158, %dma_start3A_159] : memref<32x160x1x64xi32, #tpu.memory_space<hbm>> -> memref<1x1x1x64xi32, #tpu.memory_space<hbm>>
        %dma_start3A_161 = tpu.memref_squeeze %dma_start3A_160 : memref<1x1x1x64xi32, #tpu.memory_space<hbm>> -> memref<1x64xi32, #tpu.memory_space<hbm>>
        %dma_start3A_162 = arith.constant 0 : i32
        %dma_start3A_163 = arith.constant 0 : i32
        %dma_start3A_164 = tpu.memref_slice %arg4[%add3A, %add3A_157, %dma_start3A_162, %dma_start3A_163] : memref<32x160x1x64xi32, #tpu.memory_space<hbm>> -> memref<1x1x1x64xi32, #tpu.memory_space<hbm>>
        %dma_start3A_165 = tpu.memref_squeeze %dma_start3A_164 : memref<1x1x1x64xi32, #tpu.memory_space<hbm>> -> memref<1x64xi32, #tpu.memory_space<hbm>>
        tpu.enqueue_dma source(%dma_start3A_165 : memref<1x64xi32, #tpu.memory_space<hbm>>) target(%arg10 : memref<1x64xi32, #tpu.memory_space<vmem>>) target_semaphore(%arg23 : memref<!tpu.dma_semaphore, #tpu.memory_space<semaphore_mem>>)
        %add3A_166 = arith.constant 2 : i32
        %add3A_167 = arith.addi %mul3A_66, %add3A_166 : i32
        %add3A_168 = arith.constant 4 : i32
        %add3A_169 = arith.addi %add3A_167, %add3A_168 : i32
        %mul3A_170 = arith.constant 64 : i32
        %mul3A_171 = arith.muli %add3A_169, %mul3A_170 : i32
        %dma_start3A_172 = tpu.memref_slice %arg7[%mul3A_171] : memref<10240xi32, #tpu.memory_space<vmem>> -> memref<64xi32, #tpu.memory_space<vmem>>
        %dma_start3A_173 = arith.constant 0 : i32
        %dma_start3A_174 = arith.constant 0 : i32
        %dma_start3A_175 = tpu.memref_slice %arg2[%dma_start3A_173, %dma_start3A_174] : memref<10240x128xf32, #tpu.memory_space<hbm>> -> memref<10240x128xf32, #tpu.memory_space<hbm>>
        tpu.enqueue_indirect_dma source(%dma_start3A_175 : memref<10240x128xf32, #tpu.memory_space<hbm>>) target(%arg14 : memref<64x128xf32, #tpu.memory_space<vmem>>) offsets(%dma_start3A_172 : memref<64xi32, #tpu.memory_space<vmem>>) semaphore(%arg19 : memref<!tpu.dma_semaphore, #tpu.memory_space<semaphore_mem>>)
      } else {
      }
      %add3A_131 = arith.constant 3 : i32
      %add3A_132 = arith.addi %mul3A_66, %add3A_131 : i32
      %mul3A_133 = arith.constant 64 : i32
      %mul3A_134 = arith.muli %add3A_132, %mul3A_133 : i32
      %dma_wait3A_135 = tpu.memref_slice %arg7[%mul3A_134] : memref<10240xi32, #tpu.memory_space<vmem>> -> memref<64xi32, #tpu.memory_space<vmem>>
      %dma_wait3A_136 = arith.constant 0 : i32
      %dma_wait3A_137 = arith.constant 0 : i32
      %dma_wait3A_138 = tpu.memref_slice %arg2[%dma_wait3A_136, %dma_wait3A_137] : memref<10240x128xf32, #tpu.memory_space<hbm>> -> memref<10240x128xf32, #tpu.memory_space<hbm>>
      tpu.wait_indirect_dma semaphore(%arg20 : memref<!tpu.dma_semaphore, #tpu.memory_space<semaphore_mem>>) src(%dma_wait3A_138 : memref<10240x128xf32, #tpu.memory_space<hbm>>) dst(%arg15 : memref<64x128xf32, #tpu.memory_space<vmem>>)
      %dma_wait3A_139 = arith.constant 0 : i32
      %dma_wait3A_140 = arith.constant 0 : i32
      %dma_wait3A_141 = arith.constant 0 : i32
      %dma_wait3A_142 = tpu.memref_slice %arg4[%add3A, %dma_wait3A_139, %dma_wait3A_140, %dma_wait3A_141] : memref<32x160x1x64xi32, #tpu.memory_space<hbm>> -> memref<1x1x1x64xi32, #tpu.memory_space<hbm>>
      %dma_wait3A_143 = tpu.memref_squeeze %dma_wait3A_142 : memref<1x1x1x64xi32, #tpu.memory_space<hbm>> -> memref<1x64xi32, #tpu.memory_space<hbm>>
      %dma_wait3A_144 = arith.constant 0 : i32
      %dma_wait3A_145 = arith.constant 0 : i32
      %dma_wait3A_146 = tpu.memref_slice %arg4[%add3A, %dma_wait3A_139, %dma_wait3A_144, %dma_wait3A_145] : memref<32x160x1x64xi32, #tpu.memory_space<hbm>> -> memref<1x1x1x64xi32, #tpu.memory_space<hbm>>
      %dma_wait3A_147 = tpu.memref_squeeze %dma_wait3A_146 : memref<1x1x1x64xi32, #tpu.memory_space<hbm>> -> memref<1x64xi32, #tpu.memory_space<hbm>>
      tpu.wait_dma2 semaphore(%arg24 : memref<!tpu.dma_semaphore, #tpu.memory_space<semaphore_mem>>) src(%dma_wait3A_147 : memref<1x64xi32, #tpu.memory_space<hbm>>) dst(%arg11 : memref<1x64xi32, #tpu.memory_space<vmem>>)
      %run_scoped3A_148 = arith.constant 0 : i32
      "tpu.region"() ({
        %run_scoped3A_154 = tpu.sem_alloc : memref<!tpu.dma_semaphore, #tpu.memory_space<semaphore_mem>>
        %dma_start3A_155 = arith.constant 0 : i32
        %dma_start3A_156 = tpu.memref_slice %arg11[%run_scoped3A_148, %dma_start3A_155] : memref<1x64xi32, #tpu.memory_space<vmem>> -> memref<1x64xi32, #tpu.memory_space<vmem>>
        %dma_start3A_157 = tpu.memref_squeeze %dma_start3A_156 : memref<1x64xi32, #tpu.memory_space<vmem>> -> memref<64xi32, #tpu.memory_space<vmem>>
        %dma_start3A_158 = arith.constant 0 : i32
        %dma_start3A_159 = arith.constant 0 : i32
        %dma_start3A_160 = tpu.memref_slice %arg16[%dma_start3A_158, %dma_start3A_159] : memref<10240x128xf32, #tpu.memory_space<vmem_shared>> -> memref<10240x128xf32, #tpu.memory_space<vmem_shared>>
        tpu.enqueue_indirect_dma source(%arg15 : memref<64x128xf32, #tpu.memory_space<vmem>>) target(%dma_start3A_160 : memref<10240x128xf32, #tpu.memory_space<vmem_shared>>) offsets(%dma_start3A_157 : memref<64xi32, #tpu.memory_space<vmem>>) semaphore(%run_scoped3A_154 : memref<!tpu.dma_semaphore, #tpu.memory_space<semaphore_mem>>) {add = true}
        %dma_wait3A_161 = arith.constant 0 : i32
        %dma_wait3A_162 = tpu.memref_slice %arg11[%run_scoped3A_148, %dma_wait3A_161] : memref<1x64xi32, #tpu.memory_space<vmem>> -> memref<1x64xi32, #tpu.memory_space<vmem>>
        %dma_wait3A_163 = tpu.memref_squeeze %dma_wait3A_162 : memref<1x64xi32, #tpu.memory_space<vmem>> -> memref<64xi32, #tpu.memory_space<vmem>>
        %dma_wait3A_164 = arith.constant 0 : i32
        %dma_wait3A_165 = arith.constant 0 : i32
        %dma_wait3A_166 = tpu.memref_slice %arg16[%dma_wait3A_164, %dma_wait3A_165] : memref<10240x128xf32, #tpu.memory_space<vmem_shared>> -> memref<10240x128xf32, #tpu.memory_space<vmem_shared>>
        tpu.wait_indirect_dma semaphore(%run_scoped3A_154 : memref<!tpu.dma_semaphore, #tpu.memory_space<semaphore_mem>>) src(%arg15 : memref<64x128xf32, #tpu.memory_space<vmem>>) dst(%dma_wait3A_166 : memref<10240x128xf32, #tpu.memory_space<vmem_shared>>)
        tpu.yield
      }) : () -> ()
      %lt3A_149 = arith.constant 39 : i32
      %lt3A_150 = arith.cmpi slt, %scan3A_64, %lt3A_149 : i32
      %convert_element_type3A_151 = arith.extui %lt3A_150 : i1 to i32
      %cond3A_152 = arith.constant 0 : i32
      %cond3A_153 = arith.cmpi ne, %convert_element_type3A_151, %cond3A_152 : i32
      scf.if %cond3A_153 {
        %add3A_154 = arith.constant 3 : i32
        %add3A_155 = arith.addi %mul3A_66, %add3A_154 : i32
        %add3A_156 = arith.constant 4 : i32
        %add3A_157 = arith.addi %add3A_155, %add3A_156 : i32
        %dma_start3A_158 = arith.constant 0 : i32
        %dma_start3A_159 = arith.constant 0 : i32
        %dma_start3A_160 = tpu.memref_slice %arg4[%add3A, %add3A_157, %dma_start3A_158, %dma_start3A_159] : memref<32x160x1x64xi32, #tpu.memory_space<hbm>> -> memref<1x1x1x64xi32, #tpu.memory_space<hbm>>
        %dma_start3A_161 = tpu.memref_squeeze %dma_start3A_160 : memref<1x1x1x64xi32, #tpu.memory_space<hbm>> -> memref<1x64xi32, #tpu.memory_space<hbm>>
        %dma_start3A_162 = arith.constant 0 : i32
        %dma_start3A_163 = arith.constant 0 : i32
        %dma_start3A_164 = tpu.memref_slice %arg4[%add3A, %add3A_157, %dma_start3A_162, %dma_start3A_163] : memref<32x160x1x64xi32, #tpu.memory_space<hbm>> -> memref<1x1x1x64xi32, #tpu.memory_space<hbm>>
        %dma_start3A_165 = tpu.memref_squeeze %dma_start3A_164 : memref<1x1x1x64xi32, #tpu.memory_space<hbm>> -> memref<1x64xi32, #tpu.memory_space<hbm>>
        tpu.enqueue_dma source(%dma_start3A_165 : memref<1x64xi32, #tpu.memory_space<hbm>>) target(%arg11 : memref<1x64xi32, #tpu.memory_space<vmem>>) target_semaphore(%arg24 : memref<!tpu.dma_semaphore, #tpu.memory_space<semaphore_mem>>)
        %add3A_166 = arith.constant 3 : i32
        %add3A_167 = arith.addi %mul3A_66, %add3A_166 : i32
        %add3A_168 = arith.constant 4 : i32
        %add3A_169 = arith.addi %add3A_167, %add3A_168 : i32
        %mul3A_170 = arith.constant 64 : i32
        %mul3A_171 = arith.muli %add3A_169, %mul3A_170 : i32
        %dma_start3A_172 = tpu.memref_slice %arg7[%mul3A_171] : memref<10240xi32, #tpu.memory_space<vmem>> -> memref<64xi32, #tpu.memory_space<vmem>>
        %dma_start3A_173 = arith.constant 0 : i32
        %dma_start3A_174 = arith.constant 0 : i32
        %dma_start3A_175 = tpu.memref_slice %arg2[%dma_start3A_173, %dma_start3A_174] : memref<10240x128xf32, #tpu.memory_space<hbm>> -> memref<10240x128xf32, #tpu.memory_space<hbm>>
        tpu.enqueue_indirect_dma source(%dma_start3A_175 : memref<10240x128xf32, #tpu.memory_space<hbm>>) target(%arg15 : memref<64x128xf32, #tpu.memory_space<vmem>>) offsets(%dma_start3A_172 : memref<64xi32, #tpu.memory_space<vmem>>) semaphore(%arg20 : memref<!tpu.dma_semaphore, #tpu.memory_space<semaphore_mem>>)
      } else {
      }
    }
    %scan3A_62 = arith.constant 40 : i32
    %barrier3A_63 = arith.constant 0 : index
    tpu.barrier barrier_id(%barrier3A_63)
    "tpu.region"() ({
      %run_scoped3A = tpu.sem_alloc : memref<!tpu.dma_semaphore, #tpu.memory_space<semaphore_mem>>
      %dma_start3A_64 = arith.constant 0 : i32
      %dma_start3A_65 = tpu.memref_slice %arg6[%arg0, %mul3A_2, %dma_start3A_64] : memref<2x10240x128xf32, #tpu.memory_space<hbm>> -> memref<1x640x128xf32, #tpu.memory_space<hbm>>
      %dma_start3A_66 = tpu.memref_squeeze %dma_start3A_65 : memref<1x640x128xf32, #tpu.memory_space<hbm>> -> memref<640x128xf32, #tpu.memory_space<hbm>>
      %dma_start3A_67 = arith.constant 0 : i32
      %dma_start3A_68 = tpu.memref_slice %arg16[%mul3A_2, %dma_start3A_67] : memref<10240x128xf32, #tpu.memory_space<vmem_shared>> -> memref<640x128xf32, #tpu.memory_space<vmem_shared>>
      tpu.enqueue_dma source(%dma_start3A_68 : memref<640x128xf32, #tpu.memory_space<vmem_shared>>) target(%dma_start3A_66 : memref<640x128xf32, #tpu.memory_space<hbm>>) target_semaphore(%run_scoped3A : memref<!tpu.dma_semaphore, #tpu.memory_space<semaphore_mem>>)
      %dma_wait3A = arith.constant 0 : i32
      %dma_wait3A_69 = tpu.memref_slice %arg6[%arg0, %mul3A_2, %dma_wait3A] : memref<2x10240x128xf32, #tpu.memory_space<hbm>> -> memref<1x640x128xf32, #tpu.memory_space<hbm>>
      %dma_wait3A_70 = tpu.memref_squeeze %dma_wait3A_69 : memref<1x640x128xf32, #tpu.memory_space<hbm>> -> memref<640x128xf32, #tpu.memory_space<hbm>>
      %dma_wait3A_71 = arith.constant 0 : i32
      %dma_wait3A_72 = tpu.memref_slice %arg16[%mul3A_2, %dma_wait3A_71] : memref<10240x128xf32, #tpu.memory_space<vmem_shared>> -> memref<640x128xf32, #tpu.memory_space<vmem_shared>>
      tpu.wait_dma2 semaphore(%run_scoped3A : memref<!tpu.dma_semaphore, #tpu.memory_space<semaphore_mem>>) src(%dma_wait3A_72 : memref<640x128xf32, #tpu.memory_space<vmem_shared>>) dst(%dma_wait3A_70 : memref<640x128xf32, #tpu.memory_space<hbm>>)
      tpu.yield
    }) : () -> ()
    return
  }
}

module attributes {stable_mosaic.version = 14 : i64} {
  func.func @_prep1_body(%arg0: i32, %arg1: memref<2560x128xf32, #tpu.memory_space<vmem>>, %arg2: memref<32x2560xf32, #tpu.memory_space<vmem>>, %arg3: memref<128x128xf32, #tpu.memory_space<vmem>>, %arg4: memref<2560x128xf32, #tpu.memory_space<vmem>>, %arg5: memref<2560x1xf32, #tpu.memory_space<vmem>>) attributes {dimension_semantics = [#tpu.dimension_semantics<arbitrary>], iteration_bounds = array<i64: 4>, scalar_prefetch = 0 : i64, scratch_operands = 0 : i64, tpu.core_type = #tpu.core_type<tc>, window_params = [{transform_indices = @transform_0, window_bounds = array<i64: 2560, 128>}, {transform_indices = @transform_1, window_bounds = array<i64: 32, 2560>}, {pipeline_mode = #tpu.pipeline_mode<synchronous>, transform_indices = @transform_2, window_bounds = array<i64: 128, 128>}, {transform_indices = @transform_3, window_bounds = array<i64: 2560, 128>}, {transform_indices = @transform_4, window_bounds = array<i64: 2560, 1>}]} {
    %get3A = arith.constant 0 : index
    %get3A_0 = arith.constant 0 : index
    %get3A_1 = vector.load %arg2[%get3A, %get3A_0] : memref<32x2560xf32, #tpu.memory_space<vmem>>, vector<32x2560xf32>
    %broadcast_in_dim3A = arith.constant 1.000000e+00 : f32
    %broadcast_in_dim3A_2 = vector.broadcast %broadcast_in_dim3A : f32 to vector<32x1xf32>
    %dot_general3A = arith.constant dense<0.000000e+00> : vector<2560x1xf32>
    %dot_general3A_3 = tpu.matmul %get3A_1, %broadcast_in_dim3A_2, %dot_general3A {dimension_numbers = #tpu.dot_dimension_numbers<[0], [0], [1], [1], [0, 1, 1, 1], [], []>, transpose_lhs_hint = false} : vector<32x2560xf32>, vector<32x1xf32>, vector<2560x1xf32> -> vector<2560x1xf32>
    %mul3A = arith.constant 2560 : i32
    %mul3A_4 = arith.muli %arg0, %mul3A : i32
    %iota3A = tpu.iota {dimensions = array<i32: 0>} : vector<2560x1xi32>
    %add3A = vector.broadcast %mul3A_4 : i32 to vector<2560x1xi32>
    %add3A_5 = arith.addi %add3A, %iota3A : vector<2560x1xi32>
    %lt3A = arith.constant 10000 : i32
    %lt3A_6 = vector.broadcast %lt3A : i32 to vector<2560x1xi32>
    %lt3A_7 = arith.cmpi slt, %add3A_5, %lt3A_6 : vector<2560x1xi32>
    %add3A_8 = arith.constant 1.000000e+00 : f32
    %add3A_9 = vector.broadcast %add3A_8 : f32 to vector<2560x1xf32>
    %add3A_10 = arith.addf %dot_general3A_3, %add3A_9 : vector<2560x1xf32>
    %rsqrt3A = math.rsqrt %add3A_10 : vector<2560x1xf32>
    %jit3A = arith.constant 0.000000e+00 : f32
    %broadcast_in_dim3A_11 = vector.broadcast %jit3A : f32 to vector<2560x1xf32>
    %select_n3A = arith.select %lt3A_7, %rsqrt3A, %broadcast_in_dim3A_11 : vector<2560x1xi1>, vector<2560x1xf32>
    %lt3A_12 = arith.constant 10000 : i32
    %lt3A_13 = vector.broadcast %lt3A_12 : i32 to vector<2560x1xi32>
    %lt3A_14 = arith.cmpi slt, %add3A_5, %lt3A_13 : vector<2560x1xi32>
    %get3A_15 = arith.constant 0 : index
    %get3A_16 = arith.constant 0 : index
    %get3A_17 = vector.load %arg1[%get3A_15, %get3A_16] : memref<2560x128xf32, #tpu.memory_space<vmem>>, vector<2560x128xf32>
    %get3A_18 = arith.constant 0 : index
    %get3A_19 = arith.constant 0 : index
    %get3A_20 = vector.load %arg3[%get3A_18, %get3A_19] : memref<128x128xf32, #tpu.memory_space<vmem>>, vector<128x128xf32>
    %dot_general3A_21 = arith.constant dense<0.000000e+00> : vector<2560x128xf32>
    %dot_general3A_22 = tpu.matmul %get3A_17, %get3A_20, %dot_general3A_21 {dimension_numbers = #tpu.dot_dimension_numbers<[1], [0], [0], [1], [0, 0, 1, 1], [], []>, transpose_lhs_hint = false} : vector<2560x128xf32>, vector<128x128xf32>, vector<2560x128xf32> -> vector<2560x128xf32>
    %mul3A_23 = vector.broadcast %select_n3A : vector<2560x1xf32> to vector<2560x128xf32>
    %mul3A_24 = arith.mulf %dot_general3A_22, %mul3A_23 : vector<2560x128xf32>
    %jit3A_25 = arith.constant 0.000000e+00 : f32
    %broadcast_in_dim3A_26 = vector.shape_cast %lt3A_14 : vector<2560x1xi1> to vector<2560x1xi1>
    %broadcast_in_dim3A_27 = vector.broadcast %broadcast_in_dim3A_26 : vector<2560x1xi1> to vector<2560x128xi1>
    %broadcast_in_dim3A_28 = vector.broadcast %jit3A_25 : f32 to vector<2560x128xf32>
    %select_n3A_29 = arith.select %broadcast_in_dim3A_27, %mul3A_24, %broadcast_in_dim3A_28 : vector<2560x128xi1>, vector<2560x128xf32>
    %swap3A = arith.constant 0 : index
    %swap3A_30 = arith.constant 0 : index
    %swap3A_31 = vector.load %arg4[%swap3A, %swap3A_30] : memref<2560x128xf32, #tpu.memory_space<vmem>>, vector<2560x128xf32>
    tpu.vector_store %arg4[%swap3A, %swap3A_30], %select_n3A_29 {strides = array<i32>} : memref<2560x128xf32, #tpu.memory_space<vmem>>, vector<2560x128xf32>,
    %swap3A_32 = arith.constant 0 : index
    %swap3A_33 = arith.constant 0 : index
    %swap3A_34 = vector.load %arg5[%swap3A_32, %swap3A_33] : memref<2560x1xf32, #tpu.memory_space<vmem>>, vector<2560x1xf32>
    tpu.vector_store %arg5[%swap3A_32, %swap3A_33], %select_n3A {strides = array<i32>} : memref<2560x1xf32, #tpu.memory_space<vmem>>, vector<2560x1xf32>,
    return
  }
  func.func @transform_0(%arg0: i32) -> (i32, i32) {
    %c0_i32 = arith.constant 0 : i32
    %c0_i32_0 = arith.constant 0 : i32
    return %arg0, %c0_i32 : i32, i32
  }
  func.func @transform_1(%arg0: i32) -> (i32, i32) {
    %c0_i32 = arith.constant 0 : i32
    %c0_i32_0 = arith.constant 0 : i32
    return %c0_i32, %arg0 : i32, i32
  }
  func.func @transform_2(%arg0: i32) -> (i32, i32) {
    %c0_i32 = arith.constant 0 : i32
    %c0_i32_0 = arith.constant 0 : i32
    %c0_i32_1 = arith.constant 0 : i32
    return %c0_i32, %c0_i32_0 : i32, i32
  }
  func.func @transform_3(%arg0: i32) -> (i32, i32) {
    %c0_i32 = arith.constant 0 : i32
    %c0_i32_0 = arith.constant 0 : i32
    return %arg0, %c0_i32 : i32, i32
  }
  func.func @transform_4(%arg0: i32) -> (i32, i32) {
    %c0_i32 = arith.constant 0 : i32
    %c0_i32_0 = arith.constant 0 : i32
    return %arg0, %c0_i32 : i32, i32
  }
}

module attributes {stable_mosaic.version = 14 : i64} {
  func.func @_mid_body(%arg0: i32, %arg1: memref<2x2560x128xf32, #tpu.memory_space<vmem>>, %arg2: memref<2560x128xf32, #tpu.memory_space<vmem>>, %arg3: memref<2560x1xf32, #tpu.memory_space<vmem>>, %arg4: memref<1x128xf32, #tpu.memory_space<vmem>>, %arg5: memref<128x128xf32, #tpu.memory_space<vmem>>, %arg6: memref<2560x128xf32, #tpu.memory_space<vmem>>) attributes {dimension_semantics = [#tpu.dimension_semantics<arbitrary>], iteration_bounds = array<i64: 4>, scalar_prefetch = 0 : i64, scratch_operands = 0 : i64, tpu.core_type = #tpu.core_type<tc>, window_params = [{transform_indices = @transform_0, window_bounds = array<i64: 2, 2560, 128>}, {transform_indices = @transform_1, window_bounds = array<i64: 2560, 128>}, {transform_indices = @transform_2, window_bounds = array<i64: 2560, 1>}, {pipeline_mode = #tpu.pipeline_mode<synchronous>, transform_indices = @transform_3, window_bounds = array<i64: 1, 128>}, {pipeline_mode = #tpu.pipeline_mode<synchronous>, transform_indices = @transform_4, window_bounds = array<i64: 128, 128>}, {transform_indices = @transform_5, window_bounds = array<i64: 2560, 128>}]} {
    %get3A = arith.constant 0 : index
    %get3A_0 = arith.constant 0 : index
    %get3A_1 = arith.constant 0 : index
    %get3A_2 = vector.load %arg1[%get3A, %get3A_0, %get3A_1] : memref<2x2560x128xf32, #tpu.memory_space<vmem>>, vector<2x2560x128xf32>
    %reduce_sum3A = arith.constant dense<0.000000e+00> : vector<2560x128xf32>
    %reduce_sum3A_3 = vector.multi_reduction <add>, %get3A_2, %reduce_sum3A [0] : vector<2x2560x128xf32> to vector<2560x128xf32>
    %get3A_4 = arith.constant 0 : index
    %get3A_5 = arith.constant 0 : index
    %get3A_6 = vector.load %arg3[%get3A_4, %get3A_5] : memref<2560x1xf32, #tpu.memory_space<vmem>>, vector<2560x1xf32>
    %get3A_7 = arith.constant 0 : index
    %get3A_8 = arith.constant 0 : index
    %get3A_9 = vector.load %arg2[%get3A_7, %get3A_8] : memref<2560x128xf32, #tpu.memory_space<vmem>>, vector<2560x128xf32>
    %add3A = arith.addf %reduce_sum3A_3, %get3A_9 : vector<2560x128xf32>
    %mul3A = vector.broadcast %get3A_6 : vector<2560x1xf32> to vector<2560x128xf32>
    %mul3A_10 = arith.mulf %add3A, %mul3A : vector<2560x128xf32>
    %get3A_11 = arith.constant 0 : index
    %get3A_12 = arith.constant 0 : index
    %get3A_13 = vector.load %arg4[%get3A_11, %get3A_12] : memref<1x128xf32, #tpu.memory_space<vmem>>, vector<1x128xf32>
    %add3A_14 = vector.broadcast %get3A_13 : vector<1x128xf32> to vector<2560x128xf32>
    %add3A_15 = arith.addf %mul3A_10, %add3A_14 : vector<2560x128xf32>
    %max3A = arith.constant 0.000000e+00 : f32
    %max3A_16 = vector.broadcast %max3A : f32 to vector<2560x128xf32>
    %max3A_17 = arith.maximumf %add3A_15, %max3A_16 : vector<2560x128xf32>
    %get3A_18 = arith.constant 0 : index
    %get3A_19 = arith.constant 0 : index
    %get3A_20 = vector.load %arg5[%get3A_18, %get3A_19] : memref<128x128xf32, #tpu.memory_space<vmem>>, vector<128x128xf32>
    %dot_general3A = arith.constant dense<0.000000e+00> : vector<2560x128xf32>
    %dot_general3A_21 = tpu.matmul %max3A_17, %get3A_20, %dot_general3A {dimension_numbers = #tpu.dot_dimension_numbers<[1], [0], [0], [1], [0, 0, 1, 1], [], []>, transpose_lhs_hint = false} : vector<2560x128xf32>, vector<128x128xf32>, vector<2560x128xf32> -> vector<2560x128xf32>
    %mul3A_22 = vector.broadcast %get3A_6 : vector<2560x1xf32> to vector<2560x128xf32>
    %mul3A_23 = arith.mulf %dot_general3A_21, %mul3A_22 : vector<2560x128xf32>
    %swap3A = arith.constant 0 : index
    %swap3A_24 = arith.constant 0 : index
    %swap3A_25 = vector.load %arg6[%swap3A, %swap3A_24] : memref<2560x128xf32, #tpu.memory_space<vmem>>, vector<2560x128xf32>
    tpu.vector_store %arg6[%swap3A, %swap3A_24], %mul3A_23 {strides = array<i32>} : memref<2560x128xf32, #tpu.memory_space<vmem>>, vector<2560x128xf32>,
    return
  }
  func.func @transform_0(%arg0: i32) -> (i32, i32, i32) {
    %c0_i32 = arith.constant 0 : i32
    %c0_i32_0 = arith.constant 0 : i32
    %c0_i32_1 = arith.constant 0 : i32
    return %c0_i32, %arg0, %c0_i32_0 : i32, i32, i32
  }
  func.func @transform_1(%arg0: i32) -> (i32, i32) {
    %c0_i32 = arith.constant 0 : i32
    %c0_i32_0 = arith.constant 0 : i32
    return %arg0, %c0_i32 : i32, i32
  }
  func.func @transform_2(%arg0: i32) -> (i32, i32) {
    %c0_i32 = arith.constant 0 : i32
    %c0_i32_0 = arith.constant 0 : i32
    return %arg0, %c0_i32 : i32, i32
  }
  func.func @transform_3(%arg0: i32) -> (i32, i32) {
    %c0_i32 = arith.constant 0 : i32
    %c0_i32_0 = arith.constant 0 : i32
    %c0_i32_1 = arith.constant 0 : i32
    return %c0_i32, %c0_i32_0 : i32, i32
  }
  func.func @transform_4(%arg0: i32) -> (i32, i32) {
    %c0_i32 = arith.constant 0 : i32
    %c0_i32_0 = arith.constant 0 : i32
    %c0_i32_1 = arith.constant 0 : i32
    return %c0_i32, %c0_i32_0 : i32, i32
  }
  func.func @transform_5(%arg0: i32) -> (i32, i32) {
    %c0_i32 = arith.constant 0 : i32
    %c0_i32_0 = arith.constant 0 : i32
    return %arg0, %c0_i32 : i32, i32
  }
}

module attributes {stable_mosaic.version = 14 : i64} {
  func.func @_tail_body(%arg0: i32, %arg1: memref<2x2560x128xf32, #tpu.memory_space<vmem>>, %arg2: memref<2560x128xf32, #tpu.memory_space<vmem>>, %arg3: memref<2560x1xf32, #tpu.memory_space<vmem>>, %arg4: memref<1x128xf32, #tpu.memory_space<vmem>>, %arg5: memref<2560x1xi32, #tpu.memory_space<vmem>>, %arg6: memref<128x3xf32, #tpu.memory_space<vmem>>, %arg7: memref<1x3xf32, #tpu.memory_space<vmem>>, %arg8: memref<64x3xf32, #tpu.memory_space<vmem>>, %arg9: memref<64x128xf32, #tpu.memory_space<vmem>>, %arg10: memref<64x1xf32, #tpu.memory_space<vmem>>) attributes {dimension_semantics = [#tpu.dimension_semantics<arbitrary>], iteration_bounds = array<i64: 4>, scalar_prefetch = 0 : i64, scratch_operands = 2 : i64, tpu.core_type = #tpu.core_type<tc>, window_params = [{transform_indices = @transform_0, window_bounds = array<i64: 2, 2560, 128>}, {transform_indices = @transform_1, window_bounds = array<i64: 2560, 128>}, {transform_indices = @transform_2, window_bounds = array<i64: 2560, 1>}, {pipeline_mode = #tpu.pipeline_mode<synchronous>, transform_indices = @transform_3, window_bounds = array<i64: 1, 128>}, {transform_indices = @transform_4, window_bounds = array<i64: 2560, 1>}, {pipeline_mode = #tpu.pipeline_mode<synchronous>, transform_indices = @transform_5, window_bounds = array<i64: 128, 3>}, {pipeline_mode = #tpu.pipeline_mode<synchronous>, transform_indices = @transform_6, window_bounds = array<i64: 1, 3>}, {pipeline_mode = #tpu.pipeline_mode<synchronous>, transform_indices = @transform_7, window_bounds = array<i64: 64, 3>}]} {
    %get3A = arith.constant 0 : index
    %get3A_0 = arith.constant 0 : index
    %get3A_1 = arith.constant 0 : index
    %get3A_2 = vector.load %arg1[%get3A, %get3A_0, %get3A_1] : memref<2x2560x128xf32, #tpu.memory_space<vmem>>, vector<2x2560x128xf32>
    %reduce_sum3A = arith.constant dense<0.000000e+00> : vector<2560x128xf32>
    %reduce_sum3A_3 = vector.multi_reduction <add>, %get3A_2, %reduce_sum3A [0] : vector<2x2560x128xf32> to vector<2560x128xf32>
    %get3A_4 = arith.constant 0 : index
    %get3A_5 = arith.constant 0 : index
    %get3A_6 = vector.load %arg2[%get3A_4, %get3A_5] : memref<2560x128xf32, #tpu.memory_space<vmem>>, vector<2560x128xf32>
    %add3A = arith.addf %reduce_sum3A_3, %get3A_6 : vector<2560x128xf32>
    %get3A_7 = arith.constant 0 : index
    %get3A_8 = arith.constant 0 : index
    %get3A_9 = vector.load %arg3[%get3A_7, %get3A_8] : memref<2560x1xf32, #tpu.memory_space<vmem>>, vector<2560x1xf32>
    %mul3A = vector.broadcast %get3A_9 : vector<2560x1xf32> to vector<2560x128xf32>
    %mul3A_10 = arith.mulf %add3A, %mul3A : vector<2560x128xf32>
    %get3A_11 = arith.constant 0 : index
    %get3A_12 = arith.constant 0 : index
    %get3A_13 = vector.load %arg4[%get3A_11, %get3A_12] : memref<1x128xf32, #tpu.memory_space<vmem>>, vector<1x128xf32>
    %add3A_14 = vector.broadcast %get3A_13 : vector<1x128xf32> to vector<2560x128xf32>
    %add3A_15 = arith.addf %mul3A_10, %add3A_14 : vector<2560x128xf32>
    %max3A = arith.constant 0.000000e+00 : f32
    %max3A_16 = vector.broadcast %max3A : f32 to vector<2560x128xf32>
    %max3A_17 = arith.maximumf %add3A_15, %max3A_16 : vector<2560x128xf32>
    %iota3A = tpu.iota {dimensions = array<i32: 1>} : vector<2560x64xi32>
    %mul3A_18 = arith.constant 2560 : i32
    %mul3A_19 = arith.muli %arg0, %mul3A_18 : i32
    %iota3A_20 = tpu.iota {dimensions = array<i32: 0>} : vector<2560x1xi32>
    %add3A_21 = vector.broadcast %mul3A_19 : i32 to vector<2560x1xi32>
    %add3A_22 = arith.addi %add3A_21, %iota3A_20 : vector<2560x1xi32>
    %get3A_23 = arith.constant 0 : index
    %get3A_24 = arith.constant 0 : index
    %get3A_25 = vector.load %arg5[%get3A_23, %get3A_24] : memref<2560x1xi32, #tpu.memory_space<vmem>>, vector<2560x1xi32>
    %eq3A = vector.broadcast %get3A_25 : vector<2560x1xi32> to vector<2560x64xi32>
    %eq3A_26 = arith.cmpi eq, %eq3A, %iota3A : vector<2560x64xi32>
    %lt3A = arith.constant 10000 : i32
    %lt3A_27 = vector.broadcast %lt3A : i32 to vector<2560x1xi32>
    %lt3A_28 = arith.cmpi slt, %add3A_22, %lt3A_27 : vector<2560x1xi32>
    %and3A = vector.broadcast %lt3A_28 : vector<2560x1xi1> to vector<2560x64xi1>
    %and3A_29 = arith.andi %eq3A_26, %and3A : vector<2560x64xi1>
    %convert_element_type3A = arith.extui %and3A_29 : vector<2560x64xi1> to vector<2560x64xi32>
    %convert_element_type3A_30 = arith.sitofp %convert_element_type3A : vector<2560x64xi32> to vector<2560x64xf32>
    %eq3A_31 = arith.constant 0 : i32
    %eq3A_32 = arith.cmpi eq, %arg0, %eq3A_31 : i32
    %convert_element_type3A_33 = arith.extui %eq3A_32 : i1 to i32
    %cond3A = arith.constant 0 : i32
    %cond3A_34 = arith.cmpi ne, %convert_element_type3A_33, %cond3A : i32
    scf.if %cond3A_34 {
      %broadcast_in_dim3A_57 = arith.constant 0.000000e+00 : f32
      %broadcast_in_dim3A_58 = vector.broadcast %broadcast_in_dim3A_57 : f32 to vector<64x128xf32>
      %swap3A_59 = arith.constant 0 : index
      %swap3A_60 = arith.constant 0 : index
      %swap3A_61 = vector.load %arg9[%swap3A_59, %swap3A_60] : memref<64x128xf32, #tpu.memory_space<vmem>>, vector<64x128xf32>
      tpu.vector_store %arg9[%swap3A_59, %swap3A_60], %broadcast_in_dim3A_58 {strides = array<i32>} : memref<64x128xf32, #tpu.memory_space<vmem>>, vector<64x128xf32>,
      %broadcast_in_dim3A_62 = arith.constant 0.000000e+00 : f32
      %broadcast_in_dim3A_63 = vector.broadcast %broadcast_in_dim3A_62 : f32 to vector<64x1xf32>
      %swap3A_64 = arith.constant 0 : index
      %swap3A_65 = arith.constant 0 : index
      %swap3A_66 = vector.load %arg10[%swap3A_64, %swap3A_65] : memref<64x1xf32, #tpu.memory_space<vmem>>, vector<64x1xf32>
      tpu.vector_store %arg10[%swap3A_64, %swap3A_65], %broadcast_in_dim3A_63 {strides = array<i32>} : memref<64x1xf32, #tpu.memory_space<vmem>>, vector<64x1xf32>,
    } else {
    }
    %get3A_35 = arith.constant 0 : index
    %get3A_36 = arith.constant 0 : index
    %get3A_37 = vector.load %arg9[%get3A_35, %get3A_36] : memref<64x128xf32, #tpu.memory_space<vmem>>, vector<64x128xf32>
    %dot_general3A = arith.constant dense<0.000000e+00> : vector<64x128xf32>
    %dot_general3A_38 = tpu.matmul %convert_element_type3A_30, %max3A_17, %dot_general3A {dimension_numbers = #tpu.dot_dimension_numbers<[0], [0], [1], [1], [0, 1, 1, 1], [], []>, transpose_lhs_hint = false} : vector<2560x64xf32>, vector<2560x128xf32>, vector<64x128xf32> -> vector<64x128xf32>
    %add3A_39 = arith.addf %get3A_37, %dot_general3A_38 : vector<64x128xf32>
    %swap3A = arith.constant 0 : index
    %swap3A_40 = arith.constant 0 : index
    %swap3A_41 = vector.load %arg9[%swap3A, %swap3A_40] : memref<64x128xf32, #tpu.memory_space<vmem>>, vector<64x128xf32>
    tpu.vector_store %arg9[%swap3A, %swap3A_40], %add3A_39 {strides = array<i32>} : memref<64x128xf32, #tpu.memory_space<vmem>>, vector<64x128xf32>,
    %get3A_42 = arith.constant 0 : index
    %get3A_43 = arith.constant 0 : index
    %get3A_44 = vector.load %arg10[%get3A_42, %get3A_43] : memref<64x1xf32, #tpu.memory_space<vmem>>, vector<64x1xf32>
    %broadcast_in_dim3A = arith.constant 1.000000e+00 : f32
    %broadcast_in_dim3A_45 = vector.broadcast %broadcast_in_dim3A : f32 to vector<2560x1xf32>
    %dot_general3A_46 = arith.constant dense<0.000000e+00> : vector<64x1xf32>
    %dot_general3A_47 = tpu.matmul %convert_element_type3A_30, %broadcast_in_dim3A_45, %dot_general3A_46 {dimension_numbers = #tpu.dot_dimension_numbers<[0], [0], [1], [1], [0, 1, 1, 1], [], []>, transpose_lhs_hint = false} : vector<2560x64xf32>, vector<2560x1xf32>, vector<64x1xf32> -> vector<64x1xf32>
    %add3A_48 = arith.addf %get3A_44, %dot_general3A_47 : vector<64x1xf32>
    %swap3A_49 = arith.constant 0 : index
    %swap3A_50 = arith.constant 0 : index
    %swap3A_51 = vector.load %arg10[%swap3A_49, %swap3A_50] : memref<64x1xf32, #tpu.memory_space<vmem>>, vector<64x1xf32>
    tpu.vector_store %arg10[%swap3A_49, %swap3A_50], %add3A_48 {strides = array<i32>} : memref<64x1xf32, #tpu.memory_space<vmem>>, vector<64x1xf32>,
    %eq3A_52 = arith.constant 3 : i32
    %eq3A_53 = arith.cmpi eq, %arg0, %eq3A_52 : i32
    %convert_element_type3A_54 = arith.extui %eq3A_53 : i1 to i32
    %cond3A_55 = arith.constant 0 : i32
    %cond3A_56 = arith.cmpi ne, %convert_element_type3A_54, %cond3A_55 : i32
    scf.if %cond3A_56 {
      %get3A_57 = arith.constant 0 : index
      %get3A_58 = arith.constant 0 : index
      %get3A_59 = vector.load %arg9[%get3A_57, %get3A_58] : memref<64x128xf32, #tpu.memory_space<vmem>>, vector<64x128xf32>
      %get3A_60 = arith.constant 0 : index
      %get3A_61 = arith.constant 0 : index
      %get3A_62 = vector.load %arg10[%get3A_60, %get3A_61] : memref<64x1xf32, #tpu.memory_space<vmem>>, vector<64x1xf32>
      %max3A_63 = arith.constant 1.000000e+00 : f32
      %max3A_64 = vector.broadcast %max3A_63 : f32 to vector<64x1xf32>
      %max3A_65 = arith.maximumf %get3A_62, %max3A_64 : vector<64x1xf32>
      %div3A = vector.broadcast %max3A_65 : vector<64x1xf32> to vector<64x128xf32>
      %div3A_66 = arith.divf %get3A_59, %div3A : vector<64x128xf32>
      %get3A_67 = arith.constant 0 : index
      %get3A_68 = arith.constant 0 : index
      %get3A_69 = vector.load %arg6[%get3A_67, %get3A_68] : memref<128x3xf32, #tpu.memory_space<vmem>>, vector<128x3xf32>
      %dot_general3A_70 = arith.constant dense<0.000000e+00> : vector<64x3xf32>
      %dot_general3A_71 = tpu.matmul %div3A_66, %get3A_69, %dot_general3A_70 {dimension_numbers = #tpu.dot_dimension_numbers<[1], [0], [0], [1], [0, 0, 1, 1], [], []>, transpose_lhs_hint = false} : vector<64x128xf32>, vector<128x3xf32>, vector<64x3xf32> -> vector<64x3xf32>
      %get3A_72 = arith.constant 0 : index
      %get3A_73 = arith.constant 0 : index
      %get3A_74 = vector.load %arg7[%get3A_72, %get3A_73] : memref<1x3xf32, #tpu.memory_space<vmem>>, vector<1x3xf32>
      %add3A_75 = vector.broadcast %get3A_74 : vector<1x3xf32> to vector<64x3xf32>
      %add3A_76 = arith.addf %dot_general3A_71, %add3A_75 : vector<64x3xf32>
      %swap3A_77 = arith.constant 0 : index
      %swap3A_78 = arith.constant 0 : index
      %swap3A_79 = vector.load %arg8[%swap3A_77, %swap3A_78] : memref<64x3xf32, #tpu.memory_space<vmem>>, vector<64x3xf32>
      tpu.vector_store %arg8[%swap3A_77, %swap3A_78], %add3A_76 {strides = array<i32>} : memref<64x3xf32, #tpu.memory_space<vmem>>, vector<64x3xf32>,
    } else {
    }
    return
  }
  func.func @transform_0(%arg0: i32) -> (i32, i32, i32) {
    %c0_i32 = arith.constant 0 : i32
    %c0_i32_0 = arith.constant 0 : i32
    %c0_i32_1 = arith.constant 0 : i32
    return %c0_i32, %arg0, %c0_i32_0 : i32, i32, i32
  }
  func.func @transform_1(%arg0: i32) -> (i32, i32) {
    %c0_i32 = arith.constant 0 : i32
    %c0_i32_0 = arith.constant 0 : i32
    return %arg0, %c0_i32 : i32, i32
  }
  func.func @transform_2(%arg0: i32) -> (i32, i32) {
    %c0_i32 = arith.constant 0 : i32
    %c0_i32_0 = arith.constant 0 : i32
    return %arg0, %c0_i32 : i32, i32
  }
  func.func @transform_3(%arg0: i32) -> (i32, i32) {
    %c0_i32 = arith.constant 0 : i32
    %c0_i32_0 = arith.constant 0 : i32
    %c0_i32_1 = arith.constant 0 : i32
    return %c0_i32, %c0_i32_0 : i32, i32
  }
  func.func @transform_4(%arg0: i32) -> (i32, i32) {
    %c0_i32 = arith.constant 0 : i32
    %c0_i32_0 = arith.constant 0 : i32
    return %arg0, %c0_i32 : i32, i32
  }
  func.func @transform_5(%arg0: i32) -> (i32, i32) {
    %c0_i32 = arith.constant 0 : i32
    %c0_i32_0 = arith.constant 0 : i32
    %c0_i32_1 = arith.constant 0 : i32
    return %c0_i32, %c0_i32_0 : i32, i32
  }
  func.func @transform_6(%arg0: i32) -> (i32, i32) {
    %c0_i32 = arith.constant 0 : i32
    %c0_i32_0 = arith.constant 0 : i32
    %c0_i32_1 = arith.constant 0 : i32
    return %c0_i32, %c0_i32_0 : i32, i32
  }
  func.func @transform_7(%arg0: i32) -> (i32, i32) {
    %c0_i32 = arith.constant 0 : i32
    %c0_i32_0 = arith.constant 0 : i32
    %c0_i32_1 = arith.constant 0 : i32
    return %c0_i32, %c0_i32_0 : i32, i32
  }
}

</mosaic_0001>

<sc_bundles>
// kernel: kernel.10.cloned.1.call-start
scs
__scs_entry_jumppad:
0x0: {  	(pc) =	sbr.rel $0x88, $3  }
0x1: {  	(tag) =	ssettag $0x0;
	lr =	simm.s32 $0x1  }
0x2: {  	[smem:$0x3F96] =	sst lr;
	_ =	strace $0xD0000000  }
0x3: {  	_ = 	snop  }
0x4: {  	_ = 	snop  }
0x5: {  	_ = 	snop  }
0x6: {  	_ = 	snop  }
0x7: {  	_ = 	snop  }
__scs_overlays_trampoline_lowered:
0x8: {  	[smem:$0x3FA5] =	sst s0  }
0x9: {  	[smem:$0x3FA6] =	sst s1  }
0xa: {  	[smem:$0x3FA7] =	sst s2  }
0xb: {  	[smem:$0x3FA8] =	sst s3  }
0xc: {  	[smem:$0x3FA9] =	sst s4  }
0xd: {  	[smem:$0x3FAA] =	sst s5  }
0xe: {  	[smem:$0x3FAB] =	sst s6  }
0xf: {  	[smem:$0x3FAC] =	sst s7  }
0x10: {  	[smem:$0x3FAD] =	sst s8  }
0x11: {  	[smem:$0x3FAE] =	sst s9;
	s0 =	simm.s32 @!p0 $0x0  }
0x12: {  	s1 =	sld [smem:$0x3F94];
	s0 =	simm.s32 @p0 $0x1  }
0x13: {  	[smem:$0x3FAF] =	sst s0;
	s0 =	simm.s32 @!p1 $0x0  }
0x14: {  	s2 =	sld [smem:$0x3F93];
	s0 =	simm.s32 @p1 $0x1  }
0x15: {  	[smem:$0x3FB0] =	sst s0;
	s0 =	simm.s32 @!p2 $0x0  }
0x16: {  	s3 =	sld [smem:$0x3FDB];
	s0 =	simm.s32 @p2 $0x1  }
0x17: {  	s4 =	simm.s32 $0x1BF5;
	[smem:$0x3FB2] =	sst s0  }
0x18: {  	s0 =	sld [smem:$0x3F95];
	_ =	swait.ge [sflag:s4], $0x0  }
0x19: {  	s7 =	sld [smem:$0x3F96]  }
0x1a: {  	s8 =	sadd.s32 $0xFFFFE003, lr  }
0x1b: {  	s9 =	sadd.s32 $0xFFFFFEF7, lr;
	s5 =	simm.s32 $0xFFFFFFFF;
	p2 =	slt.u32 s8, $0xFFFFF086  }
0x1c: {  	p1 =	slt.u32 s9, $0xF7A;
	s5 =	simm.s32 @!p2 $0x0  }
0x1d: {  	s5 =	simm.s32 @p1 $0x1;
	p0 =	seq.s32 s7, s2  }
0x1e: {  	s7 =	smul.u32 @!p0 $0xF7A, s2;
	p2 =	seq.s32 @!p0 s5, $0x0  }
0x1f: {  	s9 =	smul.u32 $0xF7A, s1;
	s8 =	simm.s32 @!p0 $0x1BF5;
	p2 =	por !p2, p0  }
0x20: {  	[sflag:s8] =	ssyncset.s32 @!p0 $0xFFFFF086;
	s6 =	sadd.s32 @!p0 s3, s7;
	s7 =	simm.s32 @!p0 $0x108  }
0x21: {  	s3 =	sadd.s32 s3, s9;
	s6 =	sadd.s32 @!p0 $0x88, s6;
	s7 =	simm.s32 @p2 $0x1082  }
0x22: {  	[simem:s7], [sflag:s8] =	dma.local @!p0 [hbm:s6], $0xF7A  }
0x23: {  	s9 =	sor.u32 $0xD0000000, s2;
	s6 =	simm.s32 $0x108;
	_ =	swait.ge @!p0 [sflag:s8], $0x0  }
0x24: {  	s3 =	sadd.s32 $0x88, s3;
	s6 =	simm.s32 @!p1 $0x1082;
	[sflag:s4] =	ssyncset.s32 $0xFFFFF086  }
0x25: {  	[simem:s6], [sflag:s4] =	dma.local [hbm:s3], $0xF7A  }
0x26: {  	[smem:$0x3F96] =	sst s1;
	(tag) =	ssettag s2;
	_ =	strace s9  }
0x27: {  	s1 =	sld [smem:$0x3FA6]  }
0x28: {  	s2 =	sld [smem:$0x3FA7]  }
0x29: {  	s4 =	sld [smem:$0x3FA9]  }
0x2a: {  	p0 =	seq.s32 s5, $0x0;
	s5 =	sld [smem:$0x3FAA]  }
0x2b: {  	s6 =	sld [smem:$0x3FAB]  }
0x2c: {  	s7 =	sld [smem:$0x3FAC]  }
0x2d: {  	s3 =	simm.s32 $0x108;
	s8 =	sld [smem:$0x3FAD]  }
0x2e: {  	s3 =	simm.s32 @!p0 $0x1082;
	s9 =	sld [smem:$0x3FAE]  }
0x2f: {  	lr =	sadd.s32 s0, s3;
	s0 =	sld [smem:$0x3FA5]  }
0x30: {  	s3 =	sld [smem:$0x3FA8]  }
0x31: {  	[smem:$0x3FB1] =	sst s10  }
0x32: {  	s10 =	sld [smem:$0x3FAF];
	_ =	sdelay $0x3  }
0x33: {  	p0 =	seq.s32 s10, $0x1;
	s10 =	sld [smem:$0x3FB1];
	_ =	sdelay $0x3  }
0x34: {  	[smem:$0x3FB1] =	sst s10  }
0x35: {  	s10 =	sld [smem:$0x3FB0];
	_ =	sdelay $0x3  }
0x36: {  	p1 =	seq.s32 s10, $0x1;
	s10 =	sld [smem:$0x3FB1];
	_ =	sdelay $0x3  }
0x37: {  	[smem:$0x3FB1] =	sst s10  }
0x38: {  	s10 =	sld [smem:$0x3FB2]  }
0x39: {  	_ = 	snop;
	(pc) =	sbr.ind lr, $3  }
0x3a: {  	_ = 	snop  }
0x3b: {  	_ = 	snop  }
0x3c: {  	p2 =	seq.s32 s10, $0x1;
	s10 =	sld [smem:$0x3FB1]  }
0x3d: {  	_ =	shalt  }
0x3e: {  	_ =	shalt  }
0x3f: {  	_ =	shalt  }
0x40: {  	_ =	shalt  }
0x41: {  	_ =	shalt  }
0x42: {  	_ =	shalt  }
0x43: {  	_ =	shalt  }
0x44: {  	_ =	shalt  }
0x45: {  	_ =	shalt  }
0x46: {  	_ =	shalt  }
0x47: {  	_ =	shalt  }
0x48: {  	_ =	shalt  }
0x49: {  	_ =	shalt  }
0x4a: {  	_ =	shalt  }
0x4b: {  	_ =	shalt  }
0x4c: {  	_ =	shalt  }
0x4d: {  	_ =	shalt  }
0x4e: {  	_ =	shalt  }
0x4f: {  	_ =	shalt  }
0x50: {  	_ =	shalt  }
0x51: {  	_ =	shalt  }
0x52: {  	_ =	shalt  }
0x53: {  	_ =	shalt  }
0x54: {  	_ =	shalt  }
0x55: {  	_ =	shalt  }
0x56: {  	_ =	shalt  }
0x57: {  	_ =	shalt  }
0x58: {  	_ =	shalt  }
0x59: {  	_ =	shalt  }
0x5a: {  	_ =	shalt  }
0x5b: {  	_ =	shalt  }
0x5c: {  	_ =	shalt  }
0x5d: {  	_ =	shalt  }
0x5e: {  	_ =	shalt  }
0x5f: {  	_ =	shalt  }
0x60: {  	_ =	shalt  }
0x61: {  	_ =	shalt  }
0x62: {  	_ =	shalt  }
0x63: {  	_ =	shalt  }
0x64: {  	_ =	shalt  }
0x65: {  	_ =	shalt  }
0x66: {  	_ =	shalt  }
0x67: {  	_ =	shalt  }
0x68: {  	_ =	shalt  }
0x69: {  	_ =	shalt  }
0x6a: {  	_ =	shalt  }
0x6b: {  	_ =	shalt  }
0x6c: {  	_ =	shalt  }
0x6d: {  	_ =	shalt  }
0x6e: {  	_ =	shalt  }
0x6f: {  	_ =	shalt  }
0x70: {  	_ =	shalt  }
0x71: {  	_ =	shalt  }
0x72: {  	_ =	shalt  }
0x73: {  	_ =	shalt  }
0x74: {  	_ =	shalt  }
0x75: {  	_ =	shalt  }
0x76: {  	_ =	shalt  }
0x77: {  	_ =	shalt  }
0x78: {  	_ =	shalt  }
0x79: {  	_ =	shalt  }
0x7a: {  	_ =	shalt  }
0x7b: {  	_ =	shalt  }
0x7c: {  	_ =	shalt  }
0x7d: {  	_ =	shalt  }
0x7e: {  	_ =	shalt  }
0x7f: {  	_ =	shalt  }
0x80: {  	_ =	shalt  }
0x81: {  	_ =	shalt  }
0x82: {  	_ =	shalt  }
0x83: {  	_ =	shalt  }
0x84: {  	_ =	shalt  }
0x85: {  	_ =	shalt  }
0x86: {  	_ =	shalt  }
0x87: {  	_ =	shalt  }
.Lfunc_end0:
.L_simem_size_0:
called_computation_lowered:
.L_overlay_start_0:
0x88: {  	s2 =	sld [smem:$0x3FD9]  }
0x89: {  	s3 =	sld [smem:$0x3FFE];
	_ =	sdelay $0x1  }
0x8a: {  	s1 =	srdreg.scid  }
0x8b: {  	s0 =	sand.u32 $0x1, s1  }
0x8c: {  	s16 =	sshll.u32 s0, $0xA;
	s2 =	sadd.s32 s3, s2  }
0x8d: {  	s2 =	sadd.s32 s2, s16  }
0x8e: {  	[smem:$0x3FBD] =	sst s2  }
0x8f: {  	_ = 	snop  }
0x90: {  	(tm) =	ssettm $0x1  }
0x91: {  	s17 =	sld [smem:$0x3FFB];
	_ =	sdelay $0x3  }
0x92: {  	_ =	strace s17  }
0x93: {  	s2 =	sld [smem:$0x3FFC];
	_ =	sdelay $0x3  }
0x94: {  	_ =	strace s2  }
0x95: {  	s2 =	sld [smem:$0x3FFD];
	_ =	sdelay $0x3  }
0x96: {  	_ =	strace s2  }
0x97: {  	_ =	strace $0x8FFFFFFF  }
0x98: {  	s18 =	sld [smem:$0x3FDB];
	_ =	sdelay $0x1  }
0x99: {  	s19 =	simm.s32 $_scs_section_size  }
0x9a: {  	s4 =	simm.s32 $_size__tile_overlayer_lowered;
	s5 =	simm.s32 $_tile_overlayer_lowered  }
0x9b: {  	s22 =	simm.s32 $0x1BFF;
	s21 =	sshll.u32 s5, $0x1;
	s2 =	sadd.s32 s19, s18  }
0x9c: {  	s6 =	simm.s32 $0x0;
	s20 =	sshll.u32 s4, $0x1;
	s4 =	sadd.s32 s21, s2  }
0x9d: {  	[timem:s6], [sflag:s22] =	dma.local [hbm:s4], s20  }
0x9e: {  	_ =	swait.ge [sflag:s22], s20  }
0x9f: {  	s3 =	ssub.s32 $0x0, s20;
	[sflag:s22] =	ssyncset.done $0x0  }
0xa0: {  	[sflag:s22] =	ssyncadd.s32 s3;
	_ =	sdelay $0x1  }
0xa1: {  	s23 =	simm.s32 $0x1B8B  }
0xa2: {  	_ =	swait.ge [sflag:s23], $0x1  }
0xa3: {  	[sflag:s23] =	ssyncset.done $0x0  }
0xa4: {  	s25 =	simm.s32 $0x1B8E;
	s24 =	sld [smem:$0x3FFE];
	[sflag:s23] =	ssyncadd.s32 $0xFFFFFFFF  }
0xa5: {  	s26 =	simm.s32 $execute0_lowered;
	[smem:$0x3FD2] =	sst s25  }
0xa6: {  	s4 =	sshll.u32 s26, $0x1;
	_ =	strace $0x80000046;
	[dreg:$0x1] =	wrdreg $0xFFFFFFFF  }
0xa7: {  	s28 =	simm.s32 $_size_execute0_lowered;
	s2 =	sadd.s32 s2, s4;
	[dreg:$0x0] =	wrdreg $0x0  }
0xa8: {  	s4 =	sshll.u32 s28, $0x1;
	[dreg:$0x2] =	wrdreg s2  }
0xa9: {  	[dreg:$0x3] =	wrdreg s4  }
0xaa: {  	[dreg:$0x4] =	wrdreg $0xC0  }
0xab: {  	_ =	task [dreg:s6], $0x5FFFF  }
0xac: {  	[dreg:$0x1] =	wrdreg $0xFFFFFFFF  }
0xad: {  	[dreg:$0x0] =	wrdreg $0x60  }
0xae: {  	[dreg:$0x2] =	wrdreg s24  }
0xaf: {  	[dreg:$0x3] =	wrdreg $0x9  }
0xb0: {  	_ =	task.clear_ibuf [dreg:s6], $0x4FFFF;
	_ =	strace $0x90000046  }
0xb1: {  	s29 =	simm.s32 $0x9;
	_ =	strace $0x80000048  }
0xb2: {  	_ =	swait.ge [sflag:s29], $0x1  }
0xb3: {  	[sflag:s29] =	ssyncadd.s32 $0xFFFFFFFF  }
0xb4: {  	_ =	strace $0x90000048  }
0xb5: {  	_ =	sfence  }
0xb6: {  	s30 =	sld [smem:$0x0];
	_ =	sdelay $0x2  }
0xb7: {  	s31 =	sshll.u32 s1, $0xD;
	s1 =	sshrl.u32 s1, $0x2  }
0xb8: {  	s3 =	sand.u32 $0x4000, s31;
	s1 =	sadd.s32 s1, s30  }
0xb9: {  	s0 =	sor.u32 s3, s0;
	s1 =	sshll.u32 s1, $0x11  }
0xba: {  	s0 =	sor.u32 s1, s0  }
0xbb: {  	s0 =	sadd.s32 $0x8F2B, s0  }
0xbc: {  	[sflag:s0] =	ssyncadd.remote.s32 $0x1  }
0xbd: {  	_ =	sfence.sel $0xFFFF  }
0xbe: {  	[dreg:$0x0] =	wrdreg $0xFFFFFFFF;
	(pc) =	sbr.abs _section_cstart, $3  }
0xbf: {  	[dreg:$0x1] =	wrdreg $0xFFFFFFFF  }
0xc0: {  	_ =	task.clear_ibuf [dreg:s6], $0x2FFFF;
	_ =	strace $0x9FFFFFFF  }
0xc1: {  	(tm) =	ssettm $0x7FFFFFFF  }
tec
execute0_lowered:
.L_overlay_start_1:
0x0: {  	(tag) =	ssettag $0x1  }
0x1: {  	s4 =	rddreg [dreg:$0x0];
	s1 =	srdreg.scid  }
0x2: {  	s0 =	stileid.u32;
	s8 =	simm.s32 $0x80;
	s9 =	simm.s32 $0x400  }
0x3: {  	s10 =	simm.s32 $0x2800;
	s11 =	simm.s32 $0x0;
	s3 =	sand.u32 $0x1, s1  }
0x4: {  	s29 =	sshrl.u32 s0, $0x2;
	s2 =	sshll.u32 s0, $0x8;
	s1 =	rddreg [dreg:$0x1]  }
0x5: {  	s5 =	smul.u32 $0x14000, s29;
	s6 =	sshll.u32 s3, $0x7;
	s7 =	sand.u32 $0x300, s2  }
0x6: {  	s2 =	simm.s32 $0x0;
	s30 =	ssub.s32 $0x2, s3;
	s6 =	sor.u32 s6, s7  }
0x7: {  	s3 =	sadd.s32 $0xD400, s4;
	[smem:$0x7FF] =	sst s2;
	s5 =	sor.u32 s5, s6  }
0x8: {  	s31 =	sshrl.u32 s30, $0x1;
	s7 =	simm.s32 $0x1;
	s5 =	sshrl.u32 s5, $0x3  }
0x9: {  	_ =	strace $0x80000047;
	s6 =	ssub.s32 s30, s31;
	s5 =	sadd.s32 s5, s4  }
0xa: {  	v0 =	vimm.f32 $1.000000000e+00;
	s6 =	smax.u32 s6, $0x1;
	s4 =	sadd.s32 $0x3400, s5;
	s5 =	sadd.s32 $0xDA00, s5  }
.LBB2_1:
0xb: {  	[tilespmem:s2], [sflag:$0x1] =	stream.linear.gather [hbm4b:s3+s2], $0x2800, $0x38;
	[tilespmem:$0x5000] =	vst v63  }
0xc: {  	_ =	swait.ge [sflag:s7], $0x2800  }
0xd: {  	[sflag:s7] =	ssyncset.done $0x0  }
0xe: {  	[sflag:s7] =	ssyncadd.s32 $0xFFFFD800  }
0xf: {  	[tilespmem:s10], [sflag:$0x1] =	stream.strided.gather [hbm4b:s4+s8], $0x2800, s9, s8, $0x38;
	[tilespmem:$0x5000] =	vst v63  }
0x10: {  	_ =	swait.ge [sflag:s7], $0x2800  }
0x11: {  	[sflag:s7] =	ssyncset.done $0x0  }
0x12: {  	s12 =	simm.s32 $0x0;
	[sflag:s7] =	ssyncadd.s32 $0xFFFFD800  }
.LBB2_2:
0x13: {  	s13 =	sshra.s32 s12, $0x2  }
0x14: {  	v1 =	vld [tilespmem:s13+$0x2800];
	_ =	sdelay $0x7  }
0x15: {  	[tilespmem:v1+s2+$0x0] =	vst.idx.add.f32.msk $0xffff, v0  }
0x16: {  	v1 =	vld [tilespmem:s13+$0x2810];
	_ =	sdelay $0x7  }
0x17: {  	[tilespmem:v1+s2+$0x0] =	vst.idx.add.f32.msk $0xffff, v0  }
0x18: {  	v1 =	vld [tilespmem:s13+$0x2820];
	_ =	sdelay $0x7  }
0x19: {  	[tilespmem:v1+s2+$0x0] =	vst.idx.add.f32.msk $0xffff, v0  }
0x1a: {  	v1 =	vld [tilespmem:s13+$0x2830];
	_ =	sdelay $0x7  }
0x1b: {  	[tilespmem:v1+s2+$0x0] =	vst.idx.add.f32.msk $0xffff, v0  }
0x1c: {  	v1 =	vld [tilespmem:s13+$0x2840];
	_ =	sdelay $0x7  }
0x1d: {  	[tilespmem:v1+s2+$0x0] =	vst.idx.add.f32.msk $0xffff, v0  }
0x1e: {  	v1 =	vld [tilespmem:s13+$0x2850];
	_ =	sdelay $0x7  }
0x1f: {  	[tilespmem:v1+s2+$0x0] =	vst.idx.add.f32.msk $0xffff, v0  }
0x20: {  	v1 =	vld [tilespmem:s13+$0x2860];
	_ =	sdelay $0x7  }
0x21: {  	[tilespmem:v1+s2+$0x0] =	vst.idx.add.f32.msk $0xffff, v0  }
0x22: {  	v1 =	vld [tilespmem:s13+$0x2870];
	_ =	sdelay $0x2  }
0x23: {  	p0 =	sne.s32 s12, $0x9E00  }
.Ltmp0:
0x24: {  	_ = 	snop;
	(pc) =	sbr.rel @p0 .LBB2_2-.Ltmp0, $2  }
0x25: {  	_ =	sdelay $0x2  }
0x26: {  	s12 =	sadd.s32 $0x200, s12;
	[tilespmem:v1+s2+$0x0] =	vst.idx.add.f32.msk $0xffff, v0  }
0x27: {  	s11 =	sadd.s32 $0x1, s11  }
0x28: {  	p0 =	sne.s32 s11, s6  }
.Ltmp1:
0x29: {  	_ = 	snop;
	(pc) =	sbr.rel @p0 .LBB2_1-.Ltmp1, $4  }
0x2a: {  	[hbm4b:s5+s8] =	stream.strided.scatter [tilespmem:s2], [sflag:$0x1], $0x2800, s9, s8, $0x38;
	[tilespmem:$0x5000] =	vst v63  }
0x2b: {  	_ =	swait.ge [sflag:s7], $0x2800  }
0x2c: {  	[sflag:s7] =	ssyncset.done $0x0  }
0x2d: {  	[sflag:s7] =	ssyncadd.s32 $0xFFFFD800  }
0x2e: {  	_ =	sfence.sel $0x180000  }
0x2f: {  	[bflag:$0x0] =	sbarrier.arrive $0xFFFF  }
0x30: {  	p0 =	sne.s32 s0, $0x0;
	_ =	strace $0x90000047  }
0x31: {  	s0 =	sadd.s32 @!p0 $0x100000, s1;
	[bflag:$0x2] =	sbarrier.arrive $0xFFFF  }
0x32: {  	[sflag:s0] =	ssyncadd.tile.s32 @!p0 $0x1;
	_ =	shalt  }
.Lfunc_end2:
_tile_overlayer_lowered:
.L_overlay_start_2:
0x33: {  	(tag) =	ssettag $0x2  }
0x34: {  	s0 =	rddreg [dreg:$0x0];
	s2 =	stileid.u32  }
0x35: {  	s1 =	rddreg [dreg:$0x1];
	p0 =	sne.s32 s2, $0x0  }
0x36: {  	s3 =	rddreg [dreg:$0x2];
	[bflag:$0x3] =	sbarrier.arrive $0xFFFF;
	s2 =	simm.s32 @!p0 $0x1C01  }
0x37: {  	[timem:s3], [sflag:s2] =	dma.local @!p0 [hbm:s0], s1  }
0x38: {  	s0 =	simm.s32 @!p0 $0x1  }
0x39: {  	_ =	swait.ge @!p0 [sflag:s0], s1  }
0x3a: {  	s1 =	ssub.s32 @!p0 $0x0, s1;
	[sflag:s0] =	ssyncset.done @!p0 $0x0  }
0x3b: {  	[sflag:s0] =	ssyncadd.s32 @!p0 s1  }
0x3c: {  	[bflag:$0x3] =	sbarrier.arrive $0xFFFF  }
0x3d: {  	_ =	shalt  }

// kernel: kernel.13.cloned.1.call-start
scs
__scs_entry_jumppad:
0x0: {  	(pc) =	sbr.rel $0x88, $3  }
0x1: {  	(tag) =	ssettag $0x0;
	lr =	simm.s32 $0x1  }
0x2: {  	[smem:$0x3F96] =	sst lr;
	_ =	strace $0xD0000000  }
0x3: {  	_ = 	snop  }
0x4: {  	_ = 	snop  }
0x5: {  	_ = 	snop  }
0x6: {  	_ = 	snop  }
0x7: {  	_ = 	snop  }
__scs_overlays_trampoline_lowered:
0x8: {  	[smem:$0x3FA5] =	sst s0  }
0x9: {  	[smem:$0x3FA6] =	sst s1  }
0xa: {  	[smem:$0x3FA7] =	sst s2  }
0xb: {  	[smem:$0x3FA8] =	sst s3  }
0xc: {  	[smem:$0x3FA9] =	sst s4  }
0xd: {  	[smem:$0x3FAA] =	sst s5  }
0xe: {  	[smem:$0x3FAB] =	sst s6  }
0xf: {  	[smem:$0x3FAC] =	sst s7  }
0x10: {  	[smem:$0x3FAD] =	sst s8  }
0x11: {  	[smem:$0x3FAE] =	sst s9;
	s0 =	simm.s32 @!p0 $0x0  }
0x12: {  	s1 =	sld [smem:$0x3F94];
	s0 =	simm.s32 @p0 $0x1  }
0x13: {  	[smem:$0x3FAF] =	sst s0;
	s0 =	simm.s32 @!p1 $0x0  }
0x14: {  	s2 =	sld [smem:$0x3F93];
	s0 =	simm.s32 @p1 $0x1  }
0x15: {  	[smem:$0x3FB0] =	sst s0;
	s0 =	simm.s32 @!p2 $0x0  }
0x16: {  	s3 =	sld [smem:$0x3FDB];
	s0 =	simm.s32 @p2 $0x1  }
0x17: {  	s4 =	simm.s32 $0x1BF5;
	[smem:$0x3FB2] =	sst s0  }
0x18: {  	s0 =	sld [smem:$0x3F95];
	_ =	swait.ge [sflag:s4], $0x0  }
0x19: {  	s7 =	sld [smem:$0x3F96]  }
0x1a: {  	s8 =	sadd.s32 $0xFFFFE003, lr  }
0x1b: {  	s9 =	sadd.s32 $0xFFFFFEF7, lr;
	s5 =	simm.s32 $0xFFFFFFFF;
	p2 =	slt.u32 s8, $0xFFFFF086  }
0x1c: {  	p1 =	slt.u32 s9, $0xF7A;
	s5 =	simm.s32 @!p2 $0x0  }
0x1d: {  	s5 =	simm.s32 @p1 $0x1;
	p0 =	seq.s32 s7, s2  }
0x1e: {  	s7 =	smul.u32 @!p0 $0xF7A, s2;
	p2 =	seq.s32 @!p0 s5, $0x0  }
0x1f: {  	s9 =	smul.u32 $0xF7A, s1;
	s8 =	simm.s32 @!p0 $0x1BF5;
	p2 =	por !p2, p0  }
0x20: {  	[sflag:s8] =	ssyncset.s32 @!p0 $0xFFFFF086;
	s6 =	sadd.s32 @!p0 s3, s7;
	s7 =	simm.s32 @!p0 $0x108  }
0x21: {  	s3 =	sadd.s32 s3, s9;
	s6 =	sadd.s32 @!p0 $0x88, s6;
	s7 =	simm.s32 @p2 $0x1082  }
0x22: {  	[simem:s7], [sflag:s8] =	dma.local @!p0 [hbm:s6], $0xF7A  }
0x23: {  	s9 =	sor.u32 $0xD0000000, s2;
	s6 =	simm.s32 $0x108;
	_ =	swait.ge @!p0 [sflag:s8], $0x0  }
0x24: {  	s3 =	sadd.s32 $0x88, s3;
	s6 =	simm.s32 @!p1 $0x1082;
	[sflag:s4] =	ssyncset.s32 $0xFFFFF086  }
0x25: {  	[simem:s6], [sflag:s4] =	dma.local [hbm:s3], $0xF7A  }
0x26: {  	[smem:$0x3F96] =	sst s1;
	(tag) =	ssettag s2;
	_ =	strace s9  }
0x27: {  	s1 =	sld [smem:$0x3FA6]  }
0x28: {  	s2 =	sld [smem:$0x3FA7]  }
0x29: {  	s4 =	sld [smem:$0x3FA9]  }
0x2a: {  	p0 =	seq.s32 s5, $0x0;
	s5 =	sld [smem:$0x3FAA]  }
0x2b: {  	s6 =	sld [smem:$0x3FAB]  }
0x2c: {  	s7 =	sld [smem:$0x3FAC]  }
0x2d: {  	s3 =	simm.s32 $0x108;
	s8 =	sld [smem:$0x3FAD]  }
0x2e: {  	s3 =	simm.s32 @!p0 $0x1082;
	s9 =	sld [smem:$0x3FAE]  }
0x2f: {  	lr =	sadd.s32 s0, s3;
	s0 =	sld [smem:$0x3FA5]  }
0x30: {  	s3 =	sld [smem:$0x3FA8]  }
0x31: {  	[smem:$0x3FB1] =	sst s10  }
0x32: {  	s10 =	sld [smem:$0x3FAF];
	_ =	sdelay $0x3  }
0x33: {  	p0 =	seq.s32 s10, $0x1;
	s10 =	sld [smem:$0x3FB1];
	_ =	sdelay $0x3  }
0x34: {  	[smem:$0x3FB1] =	sst s10  }
0x35: {  	s10 =	sld [smem:$0x3FB0];
	_ =	sdelay $0x3  }
0x36: {  	p1 =	seq.s32 s10, $0x1;
	s10 =	sld [smem:$0x3FB1];
	_ =	sdelay $0x3  }
0x37: {  	[smem:$0x3FB1] =	sst s10  }
0x38: {  	s10 =	sld [smem:$0x3FB2]  }
0x39: {  	_ = 	snop;
	(pc) =	sbr.ind lr, $3  }
0x3a: {  	_ = 	snop  }
0x3b: {  	_ = 	snop  }
0x3c: {  	p2 =	seq.s32 s10, $0x1;
	s10 =	sld [smem:$0x3FB1]  }
0x3d: {  	_ =	shalt  }
0x3e: {  	_ =	shalt  }
0x3f: {  	_ =	shalt  }
0x40: {  	_ =	shalt  }
0x41: {  	_ =	shalt  }
0x42: {  	_ =	shalt  }
0x43: {  	_ =	shalt  }
0x44: {  	_ =	shalt  }
0x45: {  	_ =	shalt  }
0x46: {  	_ =	shalt  }
0x47: {  	_ =	shalt  }
0x48: {  	_ =	shalt  }
0x49: {  	_ =	shalt  }
0x4a: {  	_ =	shalt  }
0x4b: {  	_ =	shalt  }
0x4c: {  	_ =	shalt  }
0x4d: {  	_ =	shalt  }
0x4e: {  	_ =	shalt  }
0x4f: {  	_ =	shalt  }
0x50: {  	_ =	shalt  }
0x51: {  	_ =	shalt  }
0x52: {  	_ =	shalt  }
0x53: {  	_ =	shalt  }
0x54: {  	_ =	shalt  }
0x55: {  	_ =	shalt  }
0x56: {  	_ =	shalt  }
0x57: {  	_ =	shalt  }
0x58: {  	_ =	shalt  }
0x59: {  	_ =	shalt  }
0x5a: {  	_ =	shalt  }
0x5b: {  	_ =	shalt  }
0x5c: {  	_ =	shalt  }
0x5d: {  	_ =	shalt  }
0x5e: {  	_ =	shalt  }
0x5f: {  	_ =	shalt  }
0x60: {  	_ =	shalt  }
0x61: {  	_ =	shalt  }
0x62: {  	_ =	shalt  }
0x63: {  	_ =	shalt  }
0x64: {  	_ =	shalt  }
0x65: {  	_ =	shalt  }
0x66: {  	_ =	shalt  }
0x67: {  	_ =	shalt  }
0x68: {  	_ =	shalt  }
0x69: {  	_ =	shalt  }
0x6a: {  	_ =	shalt  }
0x6b: {  	_ =	shalt  }
0x6c: {  	_ =	shalt  }
0x6d: {  	_ =	shalt  }
0x6e: {  	_ =	shalt  }
0x6f: {  	_ =	shalt  }
0x70: {  	_ =	shalt  }
0x71: {  	_ =	shalt  }
0x72: {  	_ =	shalt  }
0x73: {  	_ =	shalt  }
0x74: {  	_ =	shalt  }
0x75: {  	_ =	shalt  }
0x76: {  	_ =	shalt  }
0x77: {  	_ =	shalt  }
0x78: {  	_ =	shalt  }
0x79: {  	_ =	shalt  }
0x7a: {  	_ =	shalt  }
0x7b: {  	_ =	shalt  }
0x7c: {  	_ =	shalt  }
0x7d: {  	_ =	shalt  }
0x7e: {  	_ =	shalt  }
0x7f: {  	_ =	shalt  }
0x80: {  	_ =	shalt  }
0x81: {  	_ =	shalt  }
0x82: {  	_ =	shalt  }
0x83: {  	_ =	shalt  }
0x84: {  	_ =	shalt  }
0x85: {  	_ =	shalt  }
0x86: {  	_ =	shalt  }
0x87: {  	_ =	shalt  }
.Lfunc_end0:
.L_simem_size_0:
called_computation.1_lowered:
.L_overlay_start_0:
0x88: {  	s2 =	sld [smem:$0x3FD9]  }
0x89: {  	s3 =	sld [smem:$0x3FFE];
	_ =	sdelay $0x1  }
0x8a: {  	s1 =	srdreg.scid  }
0x8b: {  	s0 =	sand.u32 $0x1, s1  }
0x8c: {  	s16 =	sshll.u32 s0, $0xA;
	s2 =	sadd.s32 s3, s2  }
0x8d: {  	s2 =	sadd.s32 s2, s16  }
0x8e: {  	[smem:$0x3FBD] =	sst s2  }
0x8f: {  	_ = 	snop  }
0x90: {  	(tm) =	ssettm $0x1  }
0x91: {  	s17 =	sld [smem:$0x3FFB];
	_ =	sdelay $0x3  }
0x92: {  	_ =	strace s17  }
0x93: {  	s2 =	sld [smem:$0x3FFC];
	_ =	sdelay $0x3  }
0x94: {  	_ =	strace s2  }
0x95: {  	s2 =	sld [smem:$0x3FFD];
	_ =	sdelay $0x3  }
0x96: {  	_ =	strace s2  }
0x97: {  	_ =	strace $0x8FFFFFFF  }
0x98: {  	s18 =	sld [smem:$0x3FDB];
	_ =	sdelay $0x1  }
0x99: {  	s19 =	simm.s32 $_scs_section_size  }
0x9a: {  	s4 =	simm.s32 $_size__tile_overlayer_lowered;
	s5 =	simm.s32 $_tile_overlayer_lowered  }
0x9b: {  	s22 =	simm.s32 $0x1BFF;
	s21 =	sshll.u32 s5, $0x1;
	s2 =	sadd.s32 s19, s18  }
0x9c: {  	s6 =	simm.s32 $0x0;
	s20 =	sshll.u32 s4, $0x1;
	s4 =	sadd.s32 s21, s2  }
0x9d: {  	[timem:s6], [sflag:s22] =	dma.local [hbm:s4], s20  }
0x9e: {  	_ =	swait.ge [sflag:s22], s20  }
0x9f: {  	s3 =	ssub.s32 $0x0, s20;
	[sflag:s22] =	ssyncset.done $0x0  }
0xa0: {  	[sflag:s22] =	ssyncadd.s32 s3;
	_ =	sdelay $0x1  }
0xa1: {  	s23 =	simm.s32 $0x1B8B  }
0xa2: {  	_ =	swait.ge [sflag:s23], $0x1  }
0xa3: {  	[sflag:s23] =	ssyncset.done $0x0  }
0xa4: {  	s25 =	simm.s32 $0x1B8E;
	s24 =	sld [smem:$0x3FFE];
	[sflag:s23] =	ssyncadd.s32 $0xFFFFFFFF  }
0xa5: {  	s26 =	simm.s32 $execute0_lowered;
	[smem:$0x3FD2] =	sst s25  }
0xa6: {  	s4 =	sshll.u32 s26, $0x1;
	_ =	strace $0x80000049;
	[dreg:$0x1] =	wrdreg $0xFFFFFFFF  }
0xa7: {  	s28 =	simm.s32 $_size_execute0_lowered;
	s2 =	sadd.s32 s2, s4;
	[dreg:$0x0] =	wrdreg $0x0  }
0xa8: {  	s4 =	sshll.u32 s28, $0x1;
	[dreg:$0x2] =	wrdreg s2  }
0xa9: {  	[dreg:$0x3] =	wrdreg s4  }
0xaa: {  	[dreg:$0x4] =	wrdreg $0xC0  }
0xab: {  	_ =	task [dreg:s6], $0x5FFFF  }
0xac: {  	[dreg:$0x1] =	wrdreg $0xFFFFFFFF  }
0xad: {  	[dreg:$0x0] =	wrdreg $0x60  }
0xae: {  	[dreg:$0x2] =	wrdreg s24  }
0xaf: {  	[dreg:$0x3] =	wrdreg $0xAA000  }
0xb0: {  	[dreg:$0x4] =	wrdreg $0x9  }
0xb1: {  	_ =	task.clear_ibuf [dreg:s6], $0x5FFFF;
	_ =	strace $0x90000049  }
0xb2: {  	s29 =	simm.s32 $0x9;
	_ =	strace $0x8000004B  }
0xb3: {  	_ =	swait.ge [sflag:s29], $0x1  }
0xb4: {  	[sflag:s29] =	ssyncadd.s32 $0xFFFFFFFF  }
0xb5: {  	_ =	strace $0x9000004B  }
0xb6: {  	_ =	sfence  }
0xb7: {  	s30 =	sld [smem:$0x0];
	_ =	sdelay $0x2  }
0xb8: {  	s31 =	sshll.u32 s1, $0xD;
	s1 =	sshrl.u32 s1, $0x2  }
0xb9: {  	s3 =	sand.u32 $0x4000, s31;
	s1 =	sadd.s32 s1, s30  }
0xba: {  	s0 =	sor.u32 s3, s0;
	s1 =	sshll.u32 s1, $0x11  }
0xbb: {  	s0 =	sor.u32 s1, s0  }
0xbc: {  	s0 =	sadd.s32 $0x8F2B, s0  }
0xbd: {  	[sflag:s0] =	ssyncadd.remote.s32 $0x1  }
0xbe: {  	_ =	sfence.sel $0xFFFF  }
0xbf: {  	[dreg:$0x0] =	wrdreg $0xFFFFFFFF;
	(pc) =	sbr.abs _section_cstart, $3  }
0xc0: {  	[dreg:$0x1] =	wrdreg $0xFFFFFFFF  }
0xc1: {  	_ =	task.clear_ibuf [dreg:s6], $0x2FFFF;
	_ =	strace $0x9FFFFFFF  }
0xc2: {  	(tm) =	ssettm $0x7FFFFFFF  }
0xc3: {  	_ =	shalt  }
tec
execute0_lowered:
.L_overlay_start_1:
0x0: {  	(tag) =	ssettag $0x1  }
0x1: {  	s0 =	rddreg [dreg:$0x0]  }
0x2: {  	s1 =	srdreg.scid;
	s12 =	stileid.u32  }
0x3: {  	s2 =	rddreg [dreg:$0x1];
	s28 =	simm.s32 $0x2900;
	s29 =	simm.s32 $0x6A00  }
0x4: {  	s30 =	simm.s32 $0x2980;
	s31 =	simm.s32 $0x4;
	s8 =	smul.u32 $0x14000, s12  }
0x5: {  	s1 =	sand.u32 $0x1, s1;
	s3 =	sshll.u32 s12, $0x1;
	s10 =	smul.u32 $0x50000, s12  }
0x6: {  	s4 =	sshrl.u32 s12, $0x2;
	s16 =	sadd.s32 $0x17A00, s0;
	s14 =	smul.u32 $0xA000, s12  }
0x7: {  	s5 =	sor.u32 s1, s3;
	s3 =	simm.s32 $0x0;
	s6 =	smul.u32 $0x14000, s4  }
0x8: {  	s4 =	sadd.s32 $0x35A00, s0;
	s9 =	smul.u32 $0x140000, s1;
	s26 =	ssub.s32 $0x2, s1  }
0x9: {  	s1 =	smul.u32 $0x5000, s1;
	s24 =	sshll.u32 s5, $0x7;
	[smem:$0x7FF] =	sst s3  }
0xa: {  	s25 =	sshrl.u32 s8, $0x3;
	s11 =	sshrl.u32 s26, $0x1;
	s5 =	smul.u32 $0x5000, s5  }
0xb: {  	s10 =	sshrl.u32 s10, $0x2;
	s7 =	sand.u32 $0x380, s24;
	_ =	strace $0x8000004A  }
0xc: {  	s8 =	sadd.s32 s8, s9;
	s13 =	ssub.s32 s26, s11;
	s18 =	sadd.s32 s10, s2  }
0xd: {  	s1 =	sadd.s32 s1, s14;
	s26 =	sshll.u32 s12, $0x6;
	s6 =	sor.u32 s6, s7  }
0xe: {  	s7 =	sadd.s32 s25, s0;
	s8 =	sshrl.u32 s8, $0x3;
	s5 =	sshrl.u32 s5, $0x3  }
0xf: {  	s20 =	sor.u32 $0x200, s1;
	s21 =	smax.u32 s13, $0x1;
	s23 =	sor.u32 $0x280, s1  }
0x10: {  	s24 =	sor.u32 $0x300, s1;
	s1 =	sor.u32 $0x380, s1;
	s6 =	sshrl.u32 s6, $0x3  }
0x11: {  	s5 =	sadd.s32 s16, s5;
	s15 =	sadd.s32 $0x5DA00, s7;
	[dreg:$0xa] =	wrdreg s21  }
0x12: {  	s22 =	sshrl.u32 s20, $0x3;
	s25 =	sshrl.u32 s1, $0x3;
	s20 =	sor.u32 $0x1C09, s26  }
0x13: {  	s21 =	sshrl.u32 s18, $0x3;
	s1 =	simm.s32 $0x8A00;
	s18 =	simm.s32 $0x5  }
0x14: {  	s26 =	simm.s32 $0x7;
	s7 =	simm.s32 $0x0;
	[dreg:$0x5] =	wrdreg s15  }
0x15: {  	s6 =	sadd.s32 s6, s0;
	s17 =	sadd.s32 $0x10, s5;
	[dreg:$0x4] =	wrdreg s5  }
0x16: {  	s0 =	sadd.s32 s8, s0;
	s19 =	sadd.s32 $0x20, s5;
	[dreg:$0x6] =	wrdreg s17  }
0x17: {  	s5 =	sadd.s32 $0x30, s5;
	s13 =	sadd.s32 s22, s16;
	[dreg:$0x7] =	wrdreg s19  }
0x18: {  	s22 =	simm.s32 $0x2800;
	s6 =	sadd.s32 $0x2BA00, s6;
	[dreg:$0x8] =	wrdreg s5  }
.Ltmp0:
0x19: {  	s0 =	sadd.s32 $0x85A00, s0;
	s5 =	sshrl.u32 s24, $0x3;
	(pc) =	sbr.rel .LBB2_1-.Ltmp0, $4  }
0x1a: {  	s19 =	simm.s32 $0x9;
	s24 =	simm.s32 $0x2A00;
	[dreg:$0x3] =	wrdreg s6  }
0x1b: {  	[dreg:$0x9] =	wrdreg s0;
	s0 =	sshrl.u32 s23, $0x3;
	s15 =	sadd.s32 s5, s16  }
0x1c: {  	s23 =	simm.s32 $0x40;
	s5 =	simm.s32 $0x8;
	s14 =	sadd.s32 s0, s16  }
0x1d: {  	s16 =	sadd.s32 s25, s16;
	s0 =	simm.s32 $0x1;
	s25 =	simm.s32 $0x3  }
.LBB2_4:
0x1e: {  	_ =	swait.ge [sflag:s31], $0x2000  }
0x1f: {  	[sflag:s31] =	ssyncset.done $0x0  }
0x20: {  	[sflag:s31] =	ssyncadd.s32 $0xFFFFE000  }
0x21: {  	_ =	swait.ge [sflag:s5], $0x80  }
0x22: {  	[sflag:s5] =	ssyncset.done $0x0  }
0x23: {  	[sflag:s5] =	ssyncadd.s32 $0xFFFFFF80  }
0x24: {  	[spmem:s2] =	stream.indirect.scatter.add.f32 [tilespmem:s1], [sflag:$0x9], $0x80, s30, s23, $0xb8;
	[tilespmem:$0x1EA00] =	vst v63  }
0x25: {  	_ =	swait.ge [sflag:s19], $0x2000  }
0x26: {  	[sflag:s19] =	ssyncset.done $0x0  }
0x27: {  	[sflag:s19] =	ssyncadd.s32 $0xFFFFE000  }
0x28: {  	[bflag:$0x0] =	sbarrier.arrive $0xFFFF  }
0x29: {  	s6 =	rddreg [dreg:$0x9]  }
0x2a: {  	[hbm:s6], [sflag:s20] =	dma.local [spmem:s21], $0x2800  }
0x2b: {  	_ =	swait.ge [sflag:s19], $0x2800  }
0x2c: {  	s7 =	sadd.s32 $0x1, s7;
	s17 =	rddreg [dreg:$0xa]  }
0x2d: {  	p0 =	sne.s32 s7, s17  }
.Ltmp1:
0x2e: {  	_ = 	snop;
	(pc) =	sbr.rel @!p0 .LBB2_5-.Ltmp1, $3  }
0x2f: {  	_ =	sdelay $0x1  }
0x30: {  	[sflag:s19] =	ssyncset.done $0x0  }
0x31: {  	[sflag:s19] =	ssyncadd.s32 $0xFFFFD800  }
.LBB2_1:
0x32: {  	s6 =	rddreg [dreg:$0x3];
	s8 =	simm.s32 $0x80;
	s9 =	simm.s32 $0x400  }
0x33: {  	[tilespmem:s3], [sflag:$0x9] =	stream.strided.gather [hbm4b:s6+s8], $0x2800, s9, s8, $0x38;
	[tilespmem:$0x1EA00] =	vst v63  }
0x34: {  	_ =	swait.ge [sflag:s19], $0x2800  }
0x35: {  	[sflag:s19] =	ssyncset.done $0x0  }
0x36: {  	s10 =	rddreg [dreg:$0x5];
	[sflag:s19] =	ssyncadd.s32 $0xFFFFD800  }
0x37: {  	[spmem:s21], [sflag:s20] =	dma.local [hbm:s10], $0x2800  }
0x38: {  	_ =	swait.ge [sflag:s19], $0x2800  }
0x39: {  	[sflag:s19] =	ssyncset.done $0x0  }
0x3a: {  	[sflag:s19] =	ssyncadd.s32 $0xFFFFD800  }
0x3b: {  	[bflag:$0x0] =	sbarrier.arrive $0xFFFF  }
0x3c: {  	s11 =	rddreg [dreg:$0x4]  }
0x3d: {  	[tilespmem:s22], [sflag:$0x5] =	stream.linear.gather [hbm4b:s11+s3], $0x80, $0x38;
	[tilespmem:$0x1EA00] =	vst v63  }
0x3e: {  	_ = 	snop  }
0x3f: {  	[tilespmem:s24], [sflag:$0x1] =	stream.indirect.gather [hbm4b:s4+s23], $0x80, s3, s23, $0xb8;
	[tilespmem:$0x1EA00] =	vst v63  }
0x40: {  	s17 =	simm.s32 $0x2880;
	s12 =	rddreg [dreg:$0x6]  }
0x41: {  	[tilespmem:s17], [sflag:$0x6] =	stream.linear.gather [hbm4b:s12+s3], $0x80, $0x38;
	[tilespmem:$0x1EA00] =	vst v63  }
0x42: {  	s10 =	simm.s32 $0x4A00  }
0x43: {  	[tilespmem:s10], [sflag:$0x2] =	stream.indirect.gather [hbm4b:s4+s23], $0x80, s23, s23, $0xb8;
	[tilespmem:$0x1EA00] =	vst v63  }
0x44: {  	s11 =	rddreg [dreg:$0x7]  }
0x45: {  	[tilespmem:s28], [sflag:$0x7] =	stream.linear.gather [hbm4b:s11+s3], $0x80, $0x38;
	[tilespmem:$0x1EA00] =	vst v63  }
0x46: {  	_ = 	snop  }
0x47: {  	[tilespmem:s29], [sflag:$0x3] =	stream.indirect.gather [hbm4b:s4+s23], $0x80, s8, s23, $0xb8;
	[tilespmem:$0x1EA00] =	vst v63  }
0x48: {  	s12 =	rddreg [dreg:$0x8]  }
0x49: {  	[tilespmem:s30], [sflag:$0x8] =	stream.linear.gather [hbm4b:s12+s3], $0x80, $0x38;
	[tilespmem:$0x1EA00] =	vst v63  }
0x4a: {  	s9 =	simm.s32 $0x0;
	s17 =	simm.s32 $0xC0;
	s8 =	simm.s32 $0x100  }
0x4b: {  	[tilespmem:s1], [sflag:$0x4] =	stream.indirect.gather [hbm4b:s4+s23], $0x80, s17, s23, $0xb8;
	[tilespmem:$0x1EA00] =	vst v63  }
.LBB2_2:
0x4c: {  	_ =	swait.ge [sflag:s0], $0x2000  }
0x4d: {  	[sflag:s0] =	ssyncset.done $0x0  }
0x4e: {  	[sflag:s0] =	ssyncadd.s32 $0xFFFFE000  }
0x4f: {  	_ =	swait.ge [sflag:s18], $0x80  }
0x50: {  	[sflag:s18] =	ssyncset.done $0x0  }
0x51: {  	[sflag:s18] =	ssyncadd.s32 $0xFFFFFF80  }
0x52: {  	[spmem:s2] =	stream.indirect.scatter.add.f32 [tilespmem:s24], [sflag:$0x9], $0x80, s22, s23, $0xb8;
	[tilespmem:$0x1EA00] =	vst v63  }
0x53: {  	_ =	swait.ge [sflag:s19], $0x2000  }
0x54: {  	p0 =	seq.s32 s9, $0x9C0;
	[sflag:s19] =	ssyncset.done $0x0  }
0x55: {  	s10 =	simm.s32 @p0 $0x2;
	[sflag:s19] =	ssyncadd.s32 $0xFFFFE000  }
0x56: {  	_ =	swait.ge @p0 [sflag:s10], $0x2000  }
0x57: {  	[sflag:s10] =	ssyncset.done @p0 $0x0  }
0x58: {  	[sflag:s10] =	ssyncadd.s32 @p0 $0xFFFFE000;
	s10 =	simm.s32 @p0 $0x6  }
0x59: {  	_ =	swait.ge @p0 [sflag:s10], $0x80  }
0x5a: {  	s11 =	simm.s32 @p0 $0x2880;
	[sflag:s10] =	ssyncset.done @p0 $0x0  }
0x5b: {  	s12 =	simm.s32 @p0 $0x4A00;
	[sflag:s10] =	ssyncadd.s32 @p0 $0xFFFFFF80;
	s10 =	simm.s32 @p0 $0x40  }
0x5c: {  	[spmem:s2] =	stream.indirect.scatter.add.f32 @p0 [tilespmem:s12], [sflag:$0x9], $0x80, s11, s10, $0xb8;
	[tilespmem:$0x1EA00] =	vst v63  }
0x5d: {  	s10 =	simm.s32 @p0 $0x9  }
0x5e: {  	_ =	swait.ge @p0 [sflag:s10], $0x2000  }
0x5f: {  	s11 =	simm.s32 @!p0 $0x0;
	[sflag:s10] =	ssyncset.done @p0 $0x0  }
0x60: {  	s12 =	simm.s32 @!p0 $0x2800;
	[sflag:s10] =	ssyncadd.s32 @p0 $0xFFFFE000;
	s10 =	sadd.s32 @!p0 s9, s13  }
0x61: {  	[tilespmem:s12], [sflag:$0x5] =	stream.linear.gather @!p0 [hbm4b:s10+s11], $0x80, $0x38;
	[tilespmem:$0x1EA00] =	vst v63  }
0x62: {  	s10 =	simm.s32 @!p0 $0x40;
	s12 =	simm.s32 @!p0 $0x2A00  }
0x63: {  	[tilespmem:s12], [sflag:$0x1] =	stream.indirect.gather @!p0 [hbm4b:s4+s10], $0x80, s8, s10, $0xb8;
	[tilespmem:$0x1EA00] =	vst v63  }
0x64: {  	s12 =	simm.s32 @!p0 $0x2  }
0x65: {  	_ =	swait.ge @!p0 [sflag:s12], $0x2000  }
0x66: {  	[sflag:s12] =	ssyncset.done @!p0 $0x0  }
0x67: {  	[sflag:s12] =	ssyncadd.s32 @!p0 $0xFFFFE000;
	s12 =	simm.s32 @!p0 $0x6  }
0x68: {  	_ =	swait.ge @!p0 [sflag:s12], $0x80  }
0x69: {  	s6 =	simm.s32 @!p0 $0x4A00;
	[sflag:s12] =	ssyncset.done @!p0 $0x0  }
0x6a: {  	s17 =	simm.s32 @!p0 $0x9;
	[sflag:s12] =	ssyncadd.s32 @!p0 $0xFFFFFF80;
	s12 =	simm.s32 @!p0 $0x2880  }
0x6b: {  	[spmem:s2] =	stream.indirect.scatter.add.f32 @!p0 [tilespmem:s6], [sflag:$0x9], $0x80, s12, s10, $0xb8;
	[tilespmem:$0x1EA00] =	vst v63  }
0x6c: {  	_ =	swait.ge @!p0 [sflag:s17], $0x2000  }
0x6d: {  	[sflag:s17] =	ssyncset.done @!p0 $0x0  }
0x6e: {  	[sflag:s17] =	ssyncadd.s32 @!p0 $0xFFFFE000;
	s17 =	sadd.s32 @!p0 s9, s14  }
0x6f: {  	[tilespmem:s12], [sflag:$0x6] =	stream.linear.gather @!p0 [hbm4b:s17+s11], $0x80, $0x38;
	[tilespmem:$0x1EA00] =	vst v63  }
0x70: {  	s11 =	sadd.s32 @!p0 $0x40, s8  }
0x71: {  	[tilespmem:s6], [sflag:$0x2] =	stream.indirect.gather @!p0 [hbm4b:s4+s10], $0x80, s11, s10, $0xb8;
	[tilespmem:$0x1EA00] =	vst v63  }
0x72: {  	_ =	swait.ge [sflag:s25], $0x2000  }
0x73: {  	[sflag:s25] =	ssyncset.done $0x0  }
0x74: {  	[sflag:s25] =	ssyncadd.s32 $0xFFFFE000  }
0x75: {  	_ =	swait.ge [sflag:s26], $0x80  }
0x76: {  	[sflag:s26] =	ssyncset.done $0x0  }
.Ltmp2:
0x77: {  	[sflag:s26] =	ssyncadd.s32 $0xFFFFFF80;
	(pc) =	sbr.rel @p0 .LBB2_4-.Ltmp2, $4  }
0x78: {  	[spmem:s2] =	stream.indirect.scatter.add.f32 [tilespmem:s29], [sflag:$0x9], $0x80, s28, s23, $0xb8;
	[tilespmem:$0x1EA00] =	vst v63  }
0x79: {  	_ =	swait.ge [sflag:s19], $0x2000  }
0x7a: {  	[sflag:s19] =	ssyncset.done $0x0  }
0x7b: {  	[sflag:s19] =	ssyncadd.s32 $0xFFFFE000  }
0x7c: {  	s6 =	sadd.s32 s9, s15  }
0x7d: {  	[tilespmem:s28], [sflag:$0x7] =	stream.linear.gather [hbm4b:s6+s3], $0x80, $0x38;
	[tilespmem:$0x1EA00] =	vst v63  }
0x7e: {  	s11 =	sadd.s32 $0x80, s8  }
0x7f: {  	[tilespmem:s29], [sflag:$0x3] =	stream.indirect.gather [hbm4b:s4+s23], $0x80, s11, s23, $0xb8;
	[tilespmem:$0x1EA00] =	vst v63  }
0x80: {  	_ =	swait.ge [sflag:s31], $0x2000  }
0x81: {  	[sflag:s31] =	ssyncset.done $0x0  }
0x82: {  	[sflag:s31] =	ssyncadd.s32 $0xFFFFE000  }
0x83: {  	_ =	swait.ge [sflag:s5], $0x80  }
0x84: {  	[sflag:s5] =	ssyncset.done $0x0  }
0x85: {  	[sflag:s5] =	ssyncadd.s32 $0xFFFFFF80  }
0x86: {  	[spmem:s2] =	stream.indirect.scatter.add.f32 [tilespmem:s1], [sflag:$0x9], $0x80, s30, s23, $0xb8;
	[tilespmem:$0x1EA00] =	vst v63  }
0x87: {  	_ =	swait.ge [sflag:s19], $0x2000  }
.Ltmp3:
0x88: {  	[sflag:s19] =	ssyncset.done $0x0;
	(pc) =	sbr.rel .LBB2_2-.Ltmp3, $4  }
0x89: {  	s12 =	sadd.s32 s9, s16;
	[sflag:s19] =	ssyncadd.s32 $0xFFFFE000  }
0x8a: {  	[tilespmem:s30], [sflag:$0x8] =	stream.linear.gather [hbm4b:s12+s3], $0x80, $0x38;
	[tilespmem:$0x1EA00] =	vst v63  }
0x8b: {  	s17 =	sadd.s32 $0xC0, s8;
	s9 =	sadd.s32 $0x40, s9;
	s8 =	sadd.s32 $0x100, s8  }
0x8c: {  	[tilespmem:s1], [sflag:$0x4] =	stream.indirect.gather [hbm4b:s4+s23], $0x80, s17, s23, $0xb8;
	[tilespmem:$0x1EA00] =	vst v63  }
.LBB2_5:
0x8d: {  	_ =	sfence.sel $0x180000  }
0x8e: {  	[bflag:$0x0] =	sbarrier.arrive $0xFFFF  }
0x8f: {  	_ =	strace $0x9000004A  }
0x90: {  	s0 =	stileid.u32;
	[bflag:$0x2] =	sbarrier.arrive $0xFFFF  }
0x91: {  	p0 =	sne.s32 s0, $0x0;
	s0 =	rddreg [dreg:$0x2]  }
0x92: {  	s0 =	sadd.s32 @!p0 $0x100000, s0  }
0x93: {  	[sflag:s0] =	ssyncadd.tile.s32 @!p0 $0x1;
	_ =	shalt  }
.Lfunc_end2:
_tile_overlayer_lowered:
.L_overlay_start_2:
0x94: {  	(tag) =	ssettag $0x2  }
0x95: {  	s0 =	rddreg [dreg:$0x0];
	s2 =	stileid.u32  }
0x96: {  	s1 =	rddreg [dreg:$0x1];
	p0 =	sne.s32 s2, $0x0  }
0x97: {  	s3 =	rddreg [dreg:$0x2];
	[bflag:$0x3] =	sbarrier.arrive $0xFFFF;
	s2 =	simm.s32 @!p0 $0x1C09  }
0x98: {  	[timem:s3], [sflag:s2] =	dma.local @!p0 [hbm:s0], s1  }
0x99: {  	s0 =	simm.s32 @!p0 $0x9  }
0x9a: {  	_ =	swait.ge @!p0 [sflag:s0], s1  }
0x9b: {  	s1 =	ssub.s32 @!p0 $0x0, s1;
	[sflag:s0] =	ssyncset.done @!p0 $0x0  }
0x9c: {  	[sflag:s0] =	ssyncadd.s32 @!p0 s1  }
0x9d: {  	[bflag:$0x3] =	sbarrier.arrive $0xFFFF  }
0x9e: {  	_ =	shalt  }

// kernel: kernel.16.cloned.1.call-start
scs
__scs_entry_jumppad:
0x0: {  	(pc) =	sbr.rel $0x88, $3  }
0x1: {  	(tag) =	ssettag $0x0;
	lr =	simm.s32 $0x1  }
0x2: {  	[smem:$0x3F96] =	sst lr;
	_ =	strace $0xD0000000  }
0x3: {  	_ = 	snop  }
0x4: {  	_ = 	snop  }
0x5: {  	_ = 	snop  }
0x6: {  	_ = 	snop  }
0x7: {  	_ = 	snop  }
__scs_overlays_trampoline_lowered:
0x8: {  	[smem:$0x3FA5] =	sst s0  }
0x9: {  	[smem:$0x3FA6] =	sst s1  }
0xa: {  	[smem:$0x3FA7] =	sst s2  }
0xb: {  	[smem:$0x3FA8] =	sst s3  }
0xc: {  	[smem:$0x3FA9] =	sst s4  }
0xd: {  	[smem:$0x3FAA] =	sst s5  }
0xe: {  	[smem:$0x3FAB] =	sst s6  }
0xf: {  	[smem:$0x3FAC] =	sst s7  }
0x10: {  	[smem:$0x3FAD] =	sst s8  }
0x11: {  	[smem:$0x3FAE] =	sst s9;
	s0 =	simm.s32 @!p0 $0x0  }
0x12: {  	s1 =	sld [smem:$0x3F94];
	s0 =	simm.s32 @p0 $0x1  }
0x13: {  	[smem:$0x3FAF] =	sst s0;
	s0 =	simm.s32 @!p1 $0x0  }
0x14: {  	s2 =	sld [smem:$0x3F93];
	s0 =	simm.s32 @p1 $0x1  }
0x15: {  	[smem:$0x3FB0] =	sst s0;
	s0 =	simm.s32 @!p2 $0x0  }
0x16: {  	s3 =	sld [smem:$0x3FDB];
	s0 =	simm.s32 @p2 $0x1  }
0x17: {  	s4 =	simm.s32 $0x1BF5;
	[smem:$0x3FB2] =	sst s0  }
0x18: {  	s0 =	sld [smem:$0x3F95];
	_ =	swait.ge [sflag:s4], $0x0  }
0x19: {  	s7 =	sld [smem:$0x3F96]  }
0x1a: {  	s8 =	sadd.s32 $0xFFFFE003, lr  }
0x1b: {  	s9 =	sadd.s32 $0xFFFFFEF7, lr;
	s5 =	simm.s32 $0xFFFFFFFF;
	p2 =	slt.u32 s8, $0xFFFFF086  }
0x1c: {  	p1 =	slt.u32 s9, $0xF7A;
	s5 =	simm.s32 @!p2 $0x0  }
0x1d: {  	s5 =	simm.s32 @p1 $0x1;
	p0 =	seq.s32 s7, s2  }
0x1e: {  	s7 =	smul.u32 @!p0 $0xF7A, s2;
	p2 =	seq.s32 @!p0 s5, $0x0  }
0x1f: {  	s9 =	smul.u32 $0xF7A, s1;
	s8 =	simm.s32 @!p0 $0x1BF5;
	p2 =	por !p2, p0  }
0x20: {  	[sflag:s8] =	ssyncset.s32 @!p0 $0xFFFFF086;
	s6 =	sadd.s32 @!p0 s3, s7;
	s7 =	simm.s32 @!p0 $0x108  }
0x21: {  	s3 =	sadd.s32 s3, s9;
	s6 =	sadd.s32 @!p0 $0x88, s6;
	s7 =	simm.s32 @p2 $0x1082  }
0x22: {  	[simem:s7], [sflag:s8] =	dma.local @!p0 [hbm:s6], $0xF7A  }
0x23: {  	s9 =	sor.u32 $0xD0000000, s2;
	s6 =	simm.s32 $0x108;
	_ =	swait.ge @!p0 [sflag:s8], $0x0  }
0x24: {  	s3 =	sadd.s32 $0x88, s3;
	s6 =	simm.s32 @!p1 $0x1082;
	[sflag:s4] =	ssyncset.s32 $0xFFFFF086  }
0x25: {  	[simem:s6], [sflag:s4] =	dma.local [hbm:s3], $0xF7A  }
0x26: {  	[smem:$0x3F96] =	sst s1;
	(tag) =	ssettag s2;
	_ =	strace s9  }
0x27: {  	s1 =	sld [smem:$0x3FA6]  }
0x28: {  	s2 =	sld [smem:$0x3FA7]  }
0x29: {  	s4 =	sld [smem:$0x3FA9]  }
0x2a: {  	p0 =	seq.s32 s5, $0x0;
	s5 =	sld [smem:$0x3FAA]  }
0x2b: {  	s6 =	sld [smem:$0x3FAB]  }
0x2c: {  	s7 =	sld [smem:$0x3FAC]  }
0x2d: {  	s3 =	simm.s32 $0x108;
	s8 =	sld [smem:$0x3FAD]  }
0x2e: {  	s3 =	simm.s32 @!p0 $0x1082;
	s9 =	sld [smem:$0x3FAE]  }
0x2f: {  	lr =	sadd.s32 s0, s3;
	s0 =	sld [smem:$0x3FA5]  }
0x30: {  	s3 =	sld [smem:$0x3FA8]  }
0x31: {  	[smem:$0x3FB1] =	sst s10  }
0x32: {  	s10 =	sld [smem:$0x3FAF];
	_ =	sdelay $0x3  }
0x33: {  	p0 =	seq.s32 s10, $0x1;
	s10 =	sld [smem:$0x3FB1];
	_ =	sdelay $0x3  }
0x34: {  	[smem:$0x3FB1] =	sst s10  }
0x35: {  	s10 =	sld [smem:$0x3FB0];
	_ =	sdelay $0x3  }
0x36: {  	p1 =	seq.s32 s10, $0x1;
	s10 =	sld [smem:$0x3FB1];
	_ =	sdelay $0x3  }
0x37: {  	[smem:$0x3FB1] =	sst s10  }
0x38: {  	s10 =	sld [smem:$0x3FB2]  }
0x39: {  	_ = 	snop;
	(pc) =	sbr.ind lr, $3  }
0x3a: {  	_ = 	snop  }
0x3b: {  	_ = 	snop  }
0x3c: {  	p2 =	seq.s32 s10, $0x1;
	s10 =	sld [smem:$0x3FB1]  }
0x3d: {  	_ =	shalt  }
0x3e: {  	_ =	shalt  }
0x3f: {  	_ =	shalt  }
0x40: {  	_ =	shalt  }
0x41: {  	_ =	shalt  }
0x42: {  	_ =	shalt  }
0x43: {  	_ =	shalt  }
0x44: {  	_ =	shalt  }
0x45: {  	_ =	shalt  }
0x46: {  	_ =	shalt  }
0x47: {  	_ =	shalt  }
0x48: {  	_ =	shalt  }
0x49: {  	_ =	shalt  }
0x4a: {  	_ =	shalt  }
0x4b: {  	_ =	shalt  }
0x4c: {  	_ =	shalt  }
0x4d: {  	_ =	shalt  }
0x4e: {  	_ =	shalt  }
0x4f: {  	_ =	shalt  }
0x50: {  	_ =	shalt  }
0x51: {  	_ =	shalt  }
0x52: {  	_ =	shalt  }
0x53: {  	_ =	shalt  }
0x54: {  	_ =	shalt  }
0x55: {  	_ =	shalt  }
0x56: {  	_ =	shalt  }
0x57: {  	_ =	shalt  }
0x58: {  	_ =	shalt  }
0x59: {  	_ =	shalt  }
0x5a: {  	_ =	shalt  }
0x5b: {  	_ =	shalt  }
0x5c: {  	_ =	shalt  }
0x5d: {  	_ =	shalt  }
0x5e: {  	_ =	shalt  }
0x5f: {  	_ =	shalt  }
0x60: {  	_ =	shalt  }
0x61: {  	_ =	shalt  }
0x62: {  	_ =	shalt  }
0x63: {  	_ =	shalt  }
0x64: {  	_ =	shalt  }
0x65: {  	_ =	shalt  }
0x66: {  	_ =	shalt  }
0x67: {  	_ =	shalt  }
0x68: {  	_ =	shalt  }
0x69: {  	_ =	shalt  }
0x6a: {  	_ =	shalt  }
0x6b: {  	_ =	shalt  }
0x6c: {  	_ =	shalt  }
0x6d: {  	_ =	shalt  }
0x6e: {  	_ =	shalt  }
0x6f: {  	_ =	shalt  }
0x70: {  	_ =	shalt  }
0x71: {  	_ =	shalt  }
0x72: {  	_ =	shalt  }
0x73: {  	_ =	shalt  }
0x74: {  	_ =	shalt  }
0x75: {  	_ =	shalt  }
0x76: {  	_ =	shalt  }
0x77: {  	_ =	shalt  }
0x78: {  	_ =	shalt  }
0x79: {  	_ =	shalt  }
0x7a: {  	_ =	shalt  }
0x7b: {  	_ =	shalt  }
0x7c: {  	_ =	shalt  }
0x7d: {  	_ =	shalt  }
0x7e: {  	_ =	shalt  }
0x7f: {  	_ =	shalt  }
0x80: {  	_ =	shalt  }
0x81: {  	_ =	shalt  }
0x82: {  	_ =	shalt  }
0x83: {  	_ =	shalt  }
0x84: {  	_ =	shalt  }
0x85: {  	_ =	shalt  }
0x86: {  	_ =	shalt  }
0x87: {  	_ =	shalt  }
.Lfunc_end0:
.L_simem_size_0:
called_computation.2_lowered:
.L_overlay_start_0:
0x88: {  	s2 =	sld [smem:$0x3FD9]  }
0x89: {  	s3 =	sld [smem:$0x3FFE];
	_ =	sdelay $0x1  }
0x8a: {  	s1 =	srdreg.scid  }
0x8b: {  	s0 =	sand.u32 $0x1, s1  }
0x8c: {  	s16 =	sshll.u32 s0, $0xA;
	s2 =	sadd.s32 s3, s2  }
0x8d: {  	s2 =	sadd.s32 s2, s16  }
0x8e: {  	[smem:$0x3FBD] =	sst s2  }
0x8f: {  	_ = 	snop  }
0x90: {  	(tm) =	ssettm $0x1  }
0x91: {  	s17 =	sld [smem:$0x3FFB];
	_ =	sdelay $0x3  }
0x92: {  	_ =	strace s17  }
0x93: {  	s2 =	sld [smem:$0x3FFC];
	_ =	sdelay $0x3  }
0x94: {  	_ =	strace s2  }
0x95: {  	s2 =	sld [smem:$0x3FFD];
	_ =	sdelay $0x3  }
0x96: {  	_ =	strace s2  }
0x97: {  	_ =	strace $0x8FFFFFFF  }
0x98: {  	s18 =	sld [smem:$0x3FDB];
	_ =	sdelay $0x1  }
0x99: {  	s19 =	simm.s32 $_scs_section_size  }
0x9a: {  	s4 =	simm.s32 $_size__tile_overlayer_lowered;
	s5 =	simm.s32 $_tile_overlayer_lowered  }
0x9b: {  	s22 =	simm.s32 $0x1BFF;
	s21 =	sshll.u32 s5, $0x1;
	s2 =	sadd.s32 s19, s18  }
0x9c: {  	s6 =	simm.s32 $0x0;
	s20 =	sshll.u32 s4, $0x1;
	s4 =	sadd.s32 s21, s2  }
0x9d: {  	[timem:s6], [sflag:s22] =	dma.local [hbm:s4], s20  }
0x9e: {  	_ =	swait.ge [sflag:s22], s20  }
0x9f: {  	s3 =	ssub.s32 $0x0, s20;
	[sflag:s22] =	ssyncset.done $0x0  }
0xa0: {  	[sflag:s22] =	ssyncadd.s32 s3;
	_ =	sdelay $0x1  }
0xa1: {  	s23 =	simm.s32 $0x1B8B  }
0xa2: {  	_ =	swait.ge [sflag:s23], $0x1  }
0xa3: {  	[sflag:s23] =	ssyncset.done $0x0  }
0xa4: {  	s25 =	simm.s32 $0x1B8E;
	s24 =	sld [smem:$0x3FFE];
	[sflag:s23] =	ssyncadd.s32 $0xFFFFFFFF  }
0xa5: {  	s26 =	simm.s32 $execute0_lowered;
	[smem:$0x3FD2] =	sst s25  }
0xa6: {  	s4 =	sshll.u32 s26, $0x1;
	_ =	strace $0x8000004C;
	[dreg:$0x1] =	wrdreg $0xFFFFFFFF  }
0xa7: {  	s28 =	simm.s32 $_size_execute0_lowered;
	s2 =	sadd.s32 s2, s4;
	[dreg:$0x0] =	wrdreg $0x0  }
0xa8: {  	s4 =	sshll.u32 s28, $0x1;
	[dreg:$0x2] =	wrdreg s2  }
0xa9: {  	[dreg:$0x3] =	wrdreg s4  }
0xaa: {  	[dreg:$0x4] =	wrdreg $0xC0  }
0xab: {  	_ =	task [dreg:s6], $0x5FFFF  }
0xac: {  	[dreg:$0x1] =	wrdreg $0xFFFFFFFF  }
0xad: {  	[dreg:$0x0] =	wrdreg $0x60  }
0xae: {  	[dreg:$0x2] =	wrdreg s24  }
0xaf: {  	[dreg:$0x3] =	wrdreg $0xAA000  }
0xb0: {  	[dreg:$0x4] =	wrdreg $0x9  }
0xb1: {  	_ =	task.clear_ibuf [dreg:s6], $0x5FFFF;
	_ =	strace $0x9000004C  }
0xb2: {  	s29 =	simm.s32 $0x9;
	_ =	strace $0x8000004E  }
0xb3: {  	_ =	swait.ge [sflag:s29], $0x1  }
0xb4: {  	[sflag:s29] =	ssyncadd.s32 $0xFFFFFFFF  }
0xb5: {  	_ =	strace $0x9000004E  }
0xb6: {  	_ =	sfence  }
0xb7: {  	s30 =	sld [smem:$0x0];
	_ =	sdelay $0x2  }
0xb8: {  	s31 =	sshll.u32 s1, $0xD;
	s1 =	sshrl.u32 s1, $0x2  }
0xb9: {  	s3 =	sand.u32 $0x4000, s31;
	s1 =	sadd.s32 s1, s30  }
0xba: {  	s0 =	sor.u32 s3, s0;
	s1 =	sshll.u32 s1, $0x11  }
0xbb: {  	s0 =	sor.u32 s1, s0  }
0xbc: {  	s0 =	sadd.s32 $0x8F2B, s0  }
0xbd: {  	[sflag:s0] =	ssyncadd.remote.s32 $0x1  }
0xbe: {  	_ =	sfence.sel $0xFFFF  }
0xbf: {  	[dreg:$0x0] =	wrdreg $0xFFFFFFFF;
	(pc) =	sbr.abs _section_cstart, $3  }
0xc0: {  	[dreg:$0x1] =	wrdreg $0xFFFFFFFF  }
0xc1: {  	_ =	task.clear_ibuf [dreg:s6], $0x2FFFF;
	_ =	strace $0x9FFFFFFF  }
0xc2: {  	(tm) =	ssettm $0x7FFFFFFF  }
0xc3: {  	_ =	shalt  }
tec
execute0_lowered:
.L_overlay_start_1:
0x0: {  	(tag) =	ssettag $0x1  }
0x1: {  	s0 =	rddreg [dreg:$0x0]  }
0x2: {  	s1 =	srdreg.scid;
	s12 =	stileid.u32  }
0x3: {  	s2 =	rddreg [dreg:$0x1];
	s28 =	simm.s32 $0x2900;
	s29 =	simm.s32 $0x6A00  }
0x4: {  	s30 =	simm.s32 $0x2980;
	s31 =	simm.s32 $0x4;
	s8 =	smul.u32 $0x14000, s12  }
0x5: {  	s1 =	sand.u32 $0x1, s1;
	s3 =	sshll.u32 s12, $0x1;
	s10 =	smul.u32 $0x50000, s12  }
0x6: {  	s4 =	sshrl.u32 s12, $0x2;
	s16 =	sadd.s32 $0x17A00, s0;
	s14 =	smul.u32 $0xA000, s12  }
0x7: {  	s5 =	sor.u32 s1, s3;
	s3 =	simm.s32 $0x0;
	s6 =	smul.u32 $0x14000, s4  }
0x8: {  	s4 =	sadd.s32 $0x35A00, s0;
	s9 =	smul.u32 $0x140000, s1;
	s26 =	ssub.s32 $0x2, s1  }
0x9: {  	s1 =	smul.u32 $0x5000, s1;
	s24 =	sshll.u32 s5, $0x7;
	[smem:$0x7FF] =	sst s3  }
0xa: {  	s25 =	sshrl.u32 s8, $0x3;
	s11 =	sshrl.u32 s26, $0x1;
	s5 =	smul.u32 $0x5000, s5  }
0xb: {  	s10 =	sshrl.u32 s10, $0x2;
	s7 =	sand.u32 $0x380, s24;
	_ =	strace $0x8000004D  }
0xc: {  	s8 =	sadd.s32 s8, s9;
	s13 =	ssub.s32 s26, s11;
	s18 =	sadd.s32 s10, s2  }
0xd: {  	s1 =	sadd.s32 s1, s14;
	s26 =	sshll.u32 s12, $0x6;
	s6 =	sor.u32 s6, s7  }
0xe: {  	s7 =	sadd.s32 s25, s0;
	s8 =	sshrl.u32 s8, $0x3;
	s5 =	sshrl.u32 s5, $0x3  }
0xf: {  	s20 =	sor.u32 $0x200, s1;
	s21 =	smax.u32 s13, $0x1;
	s23 =	sor.u32 $0x280, s1  }
0x10: {  	s24 =	sor.u32 $0x300, s1;
	s1 =	sor.u32 $0x380, s1;
	s6 =	sshrl.u32 s6, $0x3  }
0x11: {  	s5 =	sadd.s32 s16, s5;
	s15 =	sadd.s32 $0x5DA00, s7;
	[dreg:$0xa] =	wrdreg s21  }
0x12: {  	s22 =	sshrl.u32 s20, $0x3;
	s25 =	sshrl.u32 s1, $0x3;
	s20 =	sor.u32 $0x1C09, s26  }
0x13: {  	s21 =	sshrl.u32 s18, $0x3;
	s1 =	simm.s32 $0x8A00;
	s18 =	simm.s32 $0x5  }
0x14: {  	s26 =	simm.s32 $0x7;
	s7 =	simm.s32 $0x0;
	[dreg:$0x5] =	wrdreg s15  }
0x15: {  	s6 =	sadd.s32 s6, s0;
	s17 =	sadd.s32 $0x10, s5;
	[dreg:$0x4] =	wrdreg s5  }
0x16: {  	s0 =	sadd.s32 s8, s0;
	s19 =	sadd.s32 $0x20, s5;
	[dreg:$0x6] =	wrdreg s17  }
0x17: {  	s5 =	sadd.s32 $0x30, s5;
	s13 =	sadd.s32 s22, s16;
	[dreg:$0x7] =	wrdreg s19  }
0x18: {  	s22 =	simm.s32 $0x2800;
	s6 =	sadd.s32 $0x2BA00, s6;
	[dreg:$0x8] =	wrdreg s5  }
.Ltmp0:
0x19: {  	s0 =	sadd.s32 $0x85A00, s0;
	s5 =	sshrl.u32 s24, $0x3;
	(pc) =	sbr.rel .LBB2_1-.Ltmp0, $4  }
0x1a: {  	s19 =	simm.s32 $0x9;
	s24 =	simm.s32 $0x2A00;
	[dreg:$0x3] =	wrdreg s6  }
0x1b: {  	[dreg:$0x9] =	wrdreg s0;
	s0 =	sshrl.u32 s23, $0x3;
	s15 =	sadd.s32 s5, s16  }
0x1c: {  	s23 =	simm.s32 $0x40;
	s5 =	simm.s32 $0x8;
	s14 =	sadd.s32 s0, s16  }
0x1d: {  	s16 =	sadd.s32 s25, s16;
	s0 =	simm.s32 $0x1;
	s25 =	simm.s32 $0x3  }
.LBB2_4:
0x1e: {  	_ =	swait.ge [sflag:s31], $0x2000  }
0x1f: {  	[sflag:s31] =	ssyncset.done $0x0  }
0x20: {  	[sflag:s31] =	ssyncadd.s32 $0xFFFFE000  }
0x21: {  	_ =	swait.ge [sflag:s5], $0x80  }
0x22: {  	[sflag:s5] =	ssyncset.done $0x0  }
0x23: {  	[sflag:s5] =	ssyncadd.s32 $0xFFFFFF80  }
0x24: {  	[spmem:s2] =	stream.indirect.scatter.add.f32 [tilespmem:s1], [sflag:$0x9], $0x80, s30, s23, $0xb8;
	[tilespmem:$0x1EA00] =	vst v63  }
0x25: {  	_ =	swait.ge [sflag:s19], $0x2000  }
0x26: {  	[sflag:s19] =	ssyncset.done $0x0  }
0x27: {  	[sflag:s19] =	ssyncadd.s32 $0xFFFFE000  }
0x28: {  	[bflag:$0x0] =	sbarrier.arrive $0xFFFF  }
0x29: {  	s6 =	rddreg [dreg:$0x9]  }
0x2a: {  	[hbm:s6], [sflag:s20] =	dma.local [spmem:s21], $0x2800  }
0x2b: {  	_ =	swait.ge [sflag:s19], $0x2800  }
0x2c: {  	s7 =	sadd.s32 $0x1, s7;
	s17 =	rddreg [dreg:$0xa]  }
0x2d: {  	p0 =	sne.s32 s7, s17  }
.Ltmp1:
0x2e: {  	_ = 	snop;
	(pc) =	sbr.rel @!p0 .LBB2_5-.Ltmp1, $3  }
0x2f: {  	_ =	sdelay $0x1  }
0x30: {  	[sflag:s19] =	ssyncset.done $0x0  }
0x31: {  	[sflag:s19] =	ssyncadd.s32 $0xFFFFD800  }
.LBB2_1:
0x32: {  	s6 =	rddreg [dreg:$0x3];
	s8 =	simm.s32 $0x80;
	s9 =	simm.s32 $0x400  }
0x33: {  	[tilespmem:s3], [sflag:$0x9] =	stream.strided.gather [hbm4b:s6+s8], $0x2800, s9, s8, $0x38;
	[tilespmem:$0x1EA00] =	vst v63  }
0x34: {  	_ =	swait.ge [sflag:s19], $0x2800  }
0x35: {  	[sflag:s19] =	ssyncset.done $0x0  }
0x36: {  	s10 =	rddreg [dreg:$0x5];
	[sflag:s19] =	ssyncadd.s32 $0xFFFFD800  }
0x37: {  	[spmem:s21], [sflag:s20] =	dma.local [hbm:s10], $0x2800  }
0x38: {  	_ =	swait.ge [sflag:s19], $0x2800  }
0x39: {  	[sflag:s19] =	ssyncset.done $0x0  }
0x3a: {  	[sflag:s19] =	ssyncadd.s32 $0xFFFFD800  }
0x3b: {  	[bflag:$0x0] =	sbarrier.arrive $0xFFFF  }
0x3c: {  	s11 =	rddreg [dreg:$0x4]  }
0x3d: {  	[tilespmem:s22], [sflag:$0x5] =	stream.linear.gather [hbm4b:s11+s3], $0x80, $0x38;
	[tilespmem:$0x1EA00] =	vst v63  }
0x3e: {  	_ = 	snop  }
0x3f: {  	[tilespmem:s24], [sflag:$0x1] =	stream.indirect.gather [hbm4b:s4+s23], $0x80, s3, s23, $0xb8;
	[tilespmem:$0x1EA00] =	vst v63  }
0x40: {  	s17 =	simm.s32 $0x2880;
	s12 =	rddreg [dreg:$0x6]  }
0x41: {  	[tilespmem:s17], [sflag:$0x6] =	stream.linear.gather [hbm4b:s12+s3], $0x80, $0x38;
	[tilespmem:$0x1EA00] =	vst v63  }
0x42: {  	s10 =	simm.s32 $0x4A00  }
0x43: {  	[tilespmem:s10], [sflag:$0x2] =	stream.indirect.gather [hbm4b:s4+s23], $0x80, s23, s23, $0xb8;
	[tilespmem:$0x1EA00] =	vst v63  }
0x44: {  	s11 =	rddreg [dreg:$0x7]  }
0x45: {  	[tilespmem:s28], [sflag:$0x7] =	stream.linear.gather [hbm4b:s11+s3], $0x80, $0x38;
	[tilespmem:$0x1EA00] =	vst v63  }
0x46: {  	_ = 	snop  }
0x47: {  	[tilespmem:s29], [sflag:$0x3] =	stream.indirect.gather [hbm4b:s4+s23], $0x80, s8, s23, $0xb8;
	[tilespmem:$0x1EA00] =	vst v63  }
0x48: {  	s12 =	rddreg [dreg:$0x8]  }
0x49: {  	[tilespmem:s30], [sflag:$0x8] =	stream.linear.gather [hbm4b:s12+s3], $0x80, $0x38;
	[tilespmem:$0x1EA00] =	vst v63  }
0x4a: {  	s9 =	simm.s32 $0x0;
	s17 =	simm.s32 $0xC0;
	s8 =	simm.s32 $0x100  }
0x4b: {  	[tilespmem:s1], [sflag:$0x4] =	stream.indirect.gather [hbm4b:s4+s23], $0x80, s17, s23, $0xb8;
	[tilespmem:$0x1EA00] =	vst v63  }
.LBB2_2:
0x4c: {  	_ =	swait.ge [sflag:s0], $0x2000  }
0x4d: {  	[sflag:s0] =	ssyncset.done $0x0  }
0x4e: {  	[sflag:s0] =	ssyncadd.s32 $0xFFFFE000  }
0x4f: {  	_ =	swait.ge [sflag:s18], $0x80  }
0x50: {  	[sflag:s18] =	ssyncset.done $0x0  }
0x51: {  	[sflag:s18] =	ssyncadd.s32 $0xFFFFFF80  }
0x52: {  	[spmem:s2] =	stream.indirect.scatter.add.f32 [tilespmem:s24], [sflag:$0x9], $0x80, s22, s23, $0xb8;
	[tilespmem:$0x1EA00] =	vst v63  }
0x53: {  	_ =	swait.ge [sflag:s19], $0x2000  }
0x54: {  	p0 =	seq.s32 s9, $0x9C0;
	[sflag:s19] =	ssyncset.done $0x0  }
0x55: {  	s10 =	simm.s32 @p0 $0x2;
	[sflag:s19] =	ssyncadd.s32 $0xFFFFE000  }
0x56: {  	_ =	swait.ge @p0 [sflag:s10], $0x2000  }
0x57: {  	[sflag:s10] =	ssyncset.done @p0 $0x0  }
0x58: {  	[sflag:s10] =	ssyncadd.s32 @p0 $0xFFFFE000;
	s10 =	simm.s32 @p0 $0x6  }
0x59: {  	_ =	swait.ge @p0 [sflag:s10], $0x80  }
0x5a: {  	s11 =	simm.s32 @p0 $0x2880;
	[sflag:s10] =	ssyncset.done @p0 $0x0  }
0x5b: {  	s12 =	simm.s32 @p0 $0x4A00;
	[sflag:s10] =	ssyncadd.s32 @p0 $0xFFFFFF80;
	s10 =	simm.s32 @p0 $0x40  }
0x5c: {  	[spmem:s2] =	stream.indirect.scatter.add.f32 @p0 [tilespmem:s12], [sflag:$0x9], $0x80, s11, s10, $0xb8;
	[tilespmem:$0x1EA00] =	vst v63  }
0x5d: {  	s10 =	simm.s32 @p0 $0x9  }
0x5e: {  	_ =	swait.ge @p0 [sflag:s10], $0x2000  }
0x5f: {  	s11 =	simm.s32 @!p0 $0x0;
	[sflag:s10] =	ssyncset.done @p0 $0x0  }
0x60: {  	s12 =	simm.s32 @!p0 $0x2800;
	[sflag:s10] =	ssyncadd.s32 @p0 $0xFFFFE000;
	s10 =	sadd.s32 @!p0 s9, s13  }
0x61: {  	[tilespmem:s12], [sflag:$0x5] =	stream.linear.gather @!p0 [hbm4b:s10+s11], $0x80, $0x38;
	[tilespmem:$0x1EA00] =	vst v63  }
0x62: {  	s10 =	simm.s32 @!p0 $0x40;
	s12 =	simm.s32 @!p0 $0x2A00  }
0x63: {  	[tilespmem:s12], [sflag:$0x1] =	stream.indirect.gather @!p0 [hbm4b:s4+s10], $0x80, s8, s10, $0xb8;
	[tilespmem:$0x1EA00] =	vst v63  }
0x64: {  	s12 =	simm.s32 @!p0 $0x2  }
0x65: {  	_ =	swait.ge @!p0 [sflag:s12], $0x2000  }
0x66: {  	[sflag:s12] =	ssyncset.done @!p0 $0x0  }
0x67: {  	[sflag:s12] =	ssyncadd.s32 @!p0 $0xFFFFE000;
	s12 =	simm.s32 @!p0 $0x6  }
0x68: {  	_ =	swait.ge @!p0 [sflag:s12], $0x80  }
0x69: {  	s6 =	simm.s32 @!p0 $0x4A00;
	[sflag:s12] =	ssyncset.done @!p0 $0x0  }
0x6a: {  	s17 =	simm.s32 @!p0 $0x9;
	[sflag:s12] =	ssyncadd.s32 @!p0 $0xFFFFFF80;
	s12 =	simm.s32 @!p0 $0x2880  }
0x6b: {  	[spmem:s2] =	stream.indirect.scatter.add.f32 @!p0 [tilespmem:s6], [sflag:$0x9], $0x80, s12, s10, $0xb8;
	[tilespmem:$0x1EA00] =	vst v63  }
0x6c: {  	_ =	swait.ge @!p0 [sflag:s17], $0x2000  }
0x6d: {  	[sflag:s17] =	ssyncset.done @!p0 $0x0  }
0x6e: {  	[sflag:s17] =	ssyncadd.s32 @!p0 $0xFFFFE000;
	s17 =	sadd.s32 @!p0 s9, s14  }
0x6f: {  	[tilespmem:s12], [sflag:$0x6] =	stream.linear.gather @!p0 [hbm4b:s17+s11], $0x80, $0x38;
	[tilespmem:$0x1EA00] =	vst v63  }
0x70: {  	s11 =	sadd.s32 @!p0 $0x40, s8  }
0x71: {  	[tilespmem:s6], [sflag:$0x2] =	stream.indirect.gather @!p0 [hbm4b:s4+s10], $0x80, s11, s10, $0xb8;
	[tilespmem:$0x1EA00] =	vst v63  }
0x72: {  	_ =	swait.ge [sflag:s25], $0x2000  }
0x73: {  	[sflag:s25] =	ssyncset.done $0x0  }
0x74: {  	[sflag:s25] =	ssyncadd.s32 $0xFFFFE000  }
0x75: {  	_ =	swait.ge [sflag:s26], $0x80  }
0x76: {  	[sflag:s26] =	ssyncset.done $0x0  }
.Ltmp2:
0x77: {  	[sflag:s26] =	ssyncadd.s32 $0xFFFFFF80;
	(pc) =	sbr.rel @p0 .LBB2_4-.Ltmp2, $4  }
0x78: {  	[spmem:s2] =	stream.indirect.scatter.add.f32 [tilespmem:s29], [sflag:$0x9], $0x80, s28, s23, $0xb8;
	[tilespmem:$0x1EA00] =	vst v63  }
0x79: {  	_ =	swait.ge [sflag:s19], $0x2000  }
0x7a: {  	[sflag:s19] =	ssyncset.done $0x0  }
0x7b: {  	[sflag:s19] =	ssyncadd.s32 $0xFFFFE000  }
0x7c: {  	s6 =	sadd.s32 s9, s15  }
0x7d: {  	[tilespmem:s28], [sflag:$0x7] =	stream.linear.gather [hbm4b:s6+s3], $0x80, $0x38;
	[tilespmem:$0x1EA00] =	vst v63  }
0x7e: {  	s11 =	sadd.s32 $0x80, s8  }
0x7f: {  	[tilespmem:s29], [sflag:$0x3] =	stream.indirect.gather [hbm4b:s4+s23], $0x80, s11, s23, $0xb8;
	[tilespmem:$0x1EA00] =	vst v63  }
0x80: {  	_ =	swait.ge [sflag:s31], $0x2000  }
0x81: {  	[sflag:s31] =	ssyncset.done $0x0  }
0x82: {  	[sflag:s31] =	ssyncadd.s32 $0xFFFFE000  }
0x83: {  	_ =	swait.ge [sflag:s5], $0x80  }
0x84: {  	[sflag:s5] =	ssyncset.done $0x0  }
0x85: {  	[sflag:s5] =	ssyncadd.s32 $0xFFFFFF80  }
0x86: {  	[spmem:s2] =	stream.indirect.scatter.add.f32 [tilespmem:s1], [sflag:$0x9], $0x80, s30, s23, $0xb8;
	[tilespmem:$0x1EA00] =	vst v63  }
0x87: {  	_ =	swait.ge [sflag:s19], $0x2000  }
.Ltmp3:
0x88: {  	[sflag:s19] =	ssyncset.done $0x0;
	(pc) =	sbr.rel .LBB2_2-.Ltmp3, $4  }
0x89: {  	s12 =	sadd.s32 s9, s16;
	[sflag:s19] =	ssyncadd.s32 $0xFFFFE000  }
0x8a: {  	[tilespmem:s30], [sflag:$0x8] =	stream.linear.gather [hbm4b:s12+s3], $0x80, $0x38;
	[tilespmem:$0x1EA00] =	vst v63  }
0x8b: {  	s17 =	sadd.s32 $0xC0, s8;
	s9 =	sadd.s32 $0x40, s9;
	s8 =	sadd.s32 $0x100, s8  }
0x8c: {  	[tilespmem:s1], [sflag:$0x4] =	stream.indirect.gather [hbm4b:s4+s23], $0x80, s17, s23, $0xb8;
	[tilespmem:$0x1EA00] =	vst v63  }
.LBB2_5:
0x8d: {  	_ =	sfence.sel $0x180000  }
0x8e: {  	[bflag:$0x0] =	sbarrier.arrive $0xFFFF  }
0x8f: {  	_ =	strace $0x9000004D  }
0x90: {  	s0 =	stileid.u32;
	[bflag:$0x2] =	sbarrier.arrive $0xFFFF  }
0x91: {  	p0 =	sne.s32 s0, $0x0;
	s0 =	rddreg [dreg:$0x2]  }
0x92: {  	s0 =	sadd.s32 @!p0 $0x100000, s0  }
0x93: {  	[sflag:s0] =	ssyncadd.tile.s32 @!p0 $0x1;
	_ =	shalt  }
.Lfunc_end2:
_tile_overlayer_lowered:
.L_overlay_start_2:
0x94: {  	(tag) =	ssettag $0x2  }
0x95: {  	s0 =	rddreg [dreg:$0x0];
	s2 =	stileid.u32  }
0x96: {  	s1 =	rddreg [dreg:$0x1];
	p0 =	sne.s32 s2, $0x0  }
0x97: {  	s3 =	rddreg [dreg:$0x2];
	[bflag:$0x3] =	sbarrier.arrive $0xFFFF;
	s2 =	simm.s32 @!p0 $0x1C09  }
0x98: {  	[timem:s3], [sflag:s2] =	dma.local @!p0 [hbm:s0], s1  }
0x99: {  	s0 =	simm.s32 @!p0 $0x9  }
0x9a: {  	_ =	swait.ge @!p0 [sflag:s0], s1  }
0x9b: {  	s1 =	ssub.s32 @!p0 $0x0, s1;
	[sflag:s0] =	ssyncset.done @!p0 $0x0  }
0x9c: {  	[sflag:s0] =	ssyncadd.s32 @!p0 s1  }
0x9d: {  	[bflag:$0x3] =	sbarrier.arrive $0xFFFF  }
0x9e: {  	_ =	shalt  }

// kernel: kernel.19.cloned.1.call-start
scs
__scs_entry_jumppad:
0x0: {  	(pc) =	sbr.rel $0x88, $3  }
0x1: {  	(tag) =	ssettag $0x0;
	lr =	simm.s32 $0x1  }
0x2: {  	[smem:$0x3F96] =	sst lr;
	_ =	strace $0xD0000000  }
0x3: {  	_ = 	snop  }
0x4: {  	_ = 	snop  }
0x5: {  	_ = 	snop  }
0x6: {  	_ = 	snop  }
0x7: {  	_ = 	snop  }
__scs_overlays_trampoline_lowered:
0x8: {  	[smem:$0x3FA5] =	sst s0  }
0x9: {  	[smem:$0x3FA6] =	sst s1  }
0xa: {  	[smem:$0x3FA7] =	sst s2  }
0xb: {  	[smem:$0x3FA8] =	sst s3  }
0xc: {  	[smem:$0x3FA9] =	sst s4  }
0xd: {  	[smem:$0x3FAA] =	sst s5  }
0xe: {  	[smem:$0x3FAB] =	sst s6  }
0xf: {  	[smem:$0x3FAC] =	sst s7  }
0x10: {  	[smem:$0x3FAD] =	sst s8  }
0x11: {  	[smem:$0x3FAE] =	sst s9;
	s0 =	simm.s32 @!p0 $0x0  }
0x12: {  	s1 =	sld [smem:$0x3F94];
	s0 =	simm.s32 @p0 $0x1  }
0x13: {  	[smem:$0x3FAF] =	sst s0;
	s0 =	simm.s32 @!p1 $0x0  }
0x14: {  	s2 =	sld [smem:$0x3F93];
	s0 =	simm.s32 @p1 $0x1  }
0x15: {  	[smem:$0x3FB0] =	sst s0;
	s0 =	simm.s32 @!p2 $0x0  }
0x16: {  	s3 =	sld [smem:$0x3FDB];
	s0 =	simm.s32 @p2 $0x1  }
0x17: {  	s4 =	simm.s32 $0x1BF5;
	[smem:$0x3FB2] =	sst s0  }
0x18: {  	s0 =	sld [smem:$0x3F95];
	_ =	swait.ge [sflag:s4], $0x0  }
0x19: {  	s7 =	sld [smem:$0x3F96]  }
0x1a: {  	s8 =	sadd.s32 $0xFFFFE003, lr  }
0x1b: {  	s9 =	sadd.s32 $0xFFFFFEF7, lr;
	s5 =	simm.s32 $0xFFFFFFFF;
	p2 =	slt.u32 s8, $0xFFFFF086  }
0x1c: {  	p1 =	slt.u32 s9, $0xF7A;
	s5 =	simm.s32 @!p2 $0x0  }
0x1d: {  	s5 =	simm.s32 @p1 $0x1;
	p0 =	seq.s32 s7, s2  }
0x1e: {  	s7 =	smul.u32 @!p0 $0xF7A, s2;
	p2 =	seq.s32 @!p0 s5, $0x0  }
0x1f: {  	s9 =	smul.u32 $0xF7A, s1;
	s8 =	simm.s32 @!p0 $0x1BF5;
	p2 =	por !p2, p0  }
0x20: {  	[sflag:s8] =	ssyncset.s32 @!p0 $0xFFFFF086;
	s6 =	sadd.s32 @!p0 s3, s7;
	s7 =	simm.s32 @!p0 $0x108  }
0x21: {  	s3 =	sadd.s32 s3, s9;
	s6 =	sadd.s32 @!p0 $0x88, s6;
	s7 =	simm.s32 @p2 $0x1082  }
0x22: {  	[simem:s7], [sflag:s8] =	dma.local @!p0 [hbm:s6], $0xF7A  }
0x23: {  	s9 =	sor.u32 $0xD0000000, s2;
	s6 =	simm.s32 $0x108;
	_ =	swait.ge @!p0 [sflag:s8], $0x0  }
0x24: {  	s3 =	sadd.s32 $0x88, s3;
	s6 =	simm.s32 @!p1 $0x1082;
	[sflag:s4] =	ssyncset.s32 $0xFFFFF086  }
0x25: {  	[simem:s6], [sflag:s4] =	dma.local [hbm:s3], $0xF7A  }
0x26: {  	[smem:$0x3F96] =	sst s1;
	(tag) =	ssettag s2;
	_ =	strace s9  }
0x27: {  	s1 =	sld [smem:$0x3FA6]  }
0x28: {  	s2 =	sld [smem:$0x3FA7]  }
0x29: {  	s4 =	sld [smem:$0x3FA9]  }
0x2a: {  	p0 =	seq.s32 s5, $0x0;
	s5 =	sld [smem:$0x3FAA]  }
0x2b: {  	s6 =	sld [smem:$0x3FAB]  }
0x2c: {  	s7 =	sld [smem:$0x3FAC]  }
0x2d: {  	s3 =	simm.s32 $0x108;
	s8 =	sld [smem:$0x3FAD]  }
0x2e: {  	s3 =	simm.s32 @!p0 $0x1082;
	s9 =	sld [smem:$0x3FAE]  }
0x2f: {  	lr =	sadd.s32 s0, s3;
	s0 =	sld [smem:$0x3FA5]  }
0x30: {  	s3 =	sld [smem:$0x3FA8]  }
0x31: {  	[smem:$0x3FB1] =	sst s10  }
0x32: {  	s10 =	sld [smem:$0x3FAF];
	_ =	sdelay $0x3  }
0x33: {  	p0 =	seq.s32 s10, $0x1;
	s10 =	sld [smem:$0x3FB1];
	_ =	sdelay $0x3  }
0x34: {  	[smem:$0x3FB1] =	sst s10  }
0x35: {  	s10 =	sld [smem:$0x3FB0];
	_ =	sdelay $0x3  }
0x36: {  	p1 =	seq.s32 s10, $0x1;
	s10 =	sld [smem:$0x3FB1];
	_ =	sdelay $0x3  }
0x37: {  	[smem:$0x3FB1] =	sst s10  }
0x38: {  	s10 =	sld [smem:$0x3FB2]  }
0x39: {  	_ = 	snop;
	(pc) =	sbr.ind lr, $3  }
0x3a: {  	_ = 	snop  }
0x3b: {  	_ = 	snop  }
0x3c: {  	p2 =	seq.s32 s10, $0x1;
	s10 =	sld [smem:$0x3FB1]  }
0x3d: {  	_ =	shalt  }
0x3e: {  	_ =	shalt  }
0x3f: {  	_ =	shalt  }
0x40: {  	_ =	shalt  }
0x41: {  	_ =	shalt  }
0x42: {  	_ =	shalt  }
0x43: {  	_ =	shalt  }
0x44: {  	_ =	shalt  }
0x45: {  	_ =	shalt  }
0x46: {  	_ =	shalt  }
0x47: {  	_ =	shalt  }
0x48: {  	_ =	shalt  }
0x49: {  	_ =	shalt  }
0x4a: {  	_ =	shalt  }
0x4b: {  	_ =	shalt  }
0x4c: {  	_ =	shalt  }
0x4d: {  	_ =	shalt  }
0x4e: {  	_ =	shalt  }
0x4f: {  	_ =	shalt  }
0x50: {  	_ =	shalt  }
0x51: {  	_ =	shalt  }
0x52: {  	_ =	shalt  }
0x53: {  	_ =	shalt  }
0x54: {  	_ =	shalt  }
0x55: {  	_ =	shalt  }
0x56: {  	_ =	shalt  }
0x57: {  	_ =	shalt  }
0x58: {  	_ =	shalt  }
0x59: {  	_ =	shalt  }
0x5a: {  	_ =	shalt  }
0x5b: {  	_ =	shalt  }
0x5c: {  	_ =	shalt  }
0x5d: {  	_ =	shalt  }
0x5e: {  	_ =	shalt  }
0x5f: {  	_ =	shalt  }
0x60: {  	_ =	shalt  }
0x61: {  	_ =	shalt  }
0x62: {  	_ =	shalt  }
0x63: {  	_ =	shalt  }
0x64: {  	_ =	shalt  }
0x65: {  	_ =	shalt  }
0x66: {  	_ =	shalt  }
0x67: {  	_ =	shalt  }
0x68: {  	_ =	shalt  }
0x69: {  	_ =	shalt  }
0x6a: {  	_ =	shalt  }
0x6b: {  	_ =	shalt  }
0x6c: {  	_ =	shalt  }
0x6d: {  	_ =	shalt  }
0x6e: {  	_ =	shalt  }
0x6f: {  	_ =	shalt  }
0x70: {  	_ =	shalt  }
0x71: {  	_ =	shalt  }
0x72: {  	_ =	shalt  }
0x73: {  	_ =	shalt  }
0x74: {  	_ =	shalt  }
0x75: {  	_ =	shalt  }
0x76: {  	_ =	shalt  }
0x77: {  	_ =	shalt  }
0x78: {  	_ =	shalt  }
0x79: {  	_ =	shalt  }
0x7a: {  	_ =	shalt  }
0x7b: {  	_ =	shalt  }
0x7c: {  	_ =	shalt  }
0x7d: {  	_ =	shalt  }
0x7e: {  	_ =	shalt  }
0x7f: {  	_ =	shalt  }
0x80: {  	_ =	shalt  }
0x81: {  	_ =	shalt  }
0x82: {  	_ =	shalt  }
0x83: {  	_ =	shalt  }
0x84: {  	_ =	shalt  }
0x85: {  	_ =	shalt  }
0x86: {  	_ =	shalt  }
0x87: {  	_ =	shalt  }
.Lfunc_end0:
.L_simem_size_0:
called_computation.3_lowered:
.L_overlay_start_0:
0x88: {  	s2 =	sld [smem:$0x3FD9]  }
0x89: {  	s3 =	sld [smem:$0x3FFE];
	_ =	sdelay $0x1  }
0x8a: {  	s1 =	srdreg.scid  }
0x8b: {  	s0 =	sand.u32 $0x1, s1  }
0x8c: {  	s16 =	sshll.u32 s0, $0xA;
	s2 =	sadd.s32 s3, s2  }
0x8d: {  	s2 =	sadd.s32 s2, s16  }
0x8e: {  	[smem:$0x3FBD] =	sst s2  }
0x8f: {  	_ = 	snop  }
0x90: {  	(tm) =	ssettm $0x1  }
0x91: {  	s17 =	sld [smem:$0x3FFB];
	_ =	sdelay $0x3  }
0x92: {  	_ =	strace s17  }
0x93: {  	s2 =	sld [smem:$0x3FFC];
	_ =	sdelay $0x3  }
0x94: {  	_ =	strace s2  }
0x95: {  	s2 =	sld [smem:$0x3FFD];
	_ =	sdelay $0x3  }
0x96: {  	_ =	strace s2  }
0x97: {  	_ =	strace $0x8FFFFFFF  }
0x98: {  	s18 =	sld [smem:$0x3FDB];
	_ =	sdelay $0x1  }
0x99: {  	s19 =	simm.s32 $_scs_section_size  }
0x9a: {  	s4 =	simm.s32 $_size__tile_overlayer_lowered;
	s5 =	simm.s32 $_tile_overlayer_lowered  }
0x9b: {  	s22 =	simm.s32 $0x1BFF;
	s21 =	sshll.u32 s5, $0x1;
	s2 =	sadd.s32 s19, s18  }
0x9c: {  	s6 =	simm.s32 $0x0;
	s20 =	sshll.u32 s4, $0x1;
	s4 =	sadd.s32 s21, s2  }
0x9d: {  	[timem:s6], [sflag:s22] =	dma.local [hbm:s4], s20  }
0x9e: {  	_ =	swait.ge [sflag:s22], s20  }
0x9f: {  	s3 =	ssub.s32 $0x0, s20;
	[sflag:s22] =	ssyncset.done $0x0  }
0xa0: {  	[sflag:s22] =	ssyncadd.s32 s3;
	_ =	sdelay $0x1  }
0xa1: {  	s23 =	simm.s32 $0x1B8B  }
0xa2: {  	_ =	swait.ge [sflag:s23], $0x1  }
0xa3: {  	[sflag:s23] =	ssyncset.done $0x0  }
0xa4: {  	s25 =	simm.s32 $0x1B8E;
	s24 =	sld [smem:$0x3FFE];
	[sflag:s23] =	ssyncadd.s32 $0xFFFFFFFF  }
0xa5: {  	s26 =	simm.s32 $execute0_lowered;
	[smem:$0x3FD2] =	sst s25  }
0xa6: {  	s4 =	sshll.u32 s26, $0x1;
	_ =	strace $0x8000004F;
	[dreg:$0x1] =	wrdreg $0xFFFFFFFF  }
0xa7: {  	s28 =	simm.s32 $_size_execute0_lowered;
	s2 =	sadd.s32 s2, s4;
	[dreg:$0x0] =	wrdreg $0x0  }
0xa8: {  	s4 =	sshll.u32 s28, $0x1;
	[dreg:$0x2] =	wrdreg s2  }
0xa9: {  	[dreg:$0x3] =	wrdreg s4  }
0xaa: {  	[dreg:$0x4] =	wrdreg $0xC0  }
0xab: {  	_ =	task [dreg:s6], $0x5FFFF  }
0xac: {  	[dreg:$0x1] =	wrdreg $0xFFFFFFFF  }
0xad: {  	[dreg:$0x0] =	wrdreg $0x60  }
0xae: {  	[dreg:$0x2] =	wrdreg s24  }
0xaf: {  	[dreg:$0x3] =	wrdreg $0xAA000  }
0xb0: {  	[dreg:$0x4] =	wrdreg $0x9  }
0xb1: {  	_ =	task.clear_ibuf [dreg:s6], $0x5FFFF;
	_ =	strace $0x9000004F  }
0xb2: {  	s29 =	simm.s32 $0x9;
	_ =	strace $0x80000051  }
0xb3: {  	_ =	swait.ge [sflag:s29], $0x1  }
0xb4: {  	[sflag:s29] =	ssyncadd.s32 $0xFFFFFFFF  }
0xb5: {  	_ =	strace $0x90000051  }
0xb6: {  	_ =	sfence  }
0xb7: {  	s30 =	sld [smem:$0x0];
	_ =	sdelay $0x2  }
0xb8: {  	s31 =	sshll.u32 s1, $0xD;
	s1 =	sshrl.u32 s1, $0x2  }
0xb9: {  	s3 =	sand.u32 $0x4000, s31;
	s1 =	sadd.s32 s1, s30  }
0xba: {  	s0 =	sor.u32 s3, s0;
	s1 =	sshll.u32 s1, $0x11  }
0xbb: {  	s0 =	sor.u32 s1, s0  }
0xbc: {  	s0 =	sadd.s32 $0x8F2B, s0  }
0xbd: {  	[sflag:s0] =	ssyncadd.remote.s32 $0x1  }
0xbe: {  	_ =	sfence.sel $0xFFFF  }
0xbf: {  	[dreg:$0x0] =	wrdreg $0xFFFFFFFF;
	(pc) =	sbr.abs _section_cstart, $3  }
0xc0: {  	[dreg:$0x1] =	wrdreg $0xFFFFFFFF  }
0xc1: {  	_ =	task.clear_ibuf [dreg:s6], $0x2FFFF;
	_ =	strace $0x9FFFFFFF  }
0xc2: {  	(tm) =	ssettm $0x7FFFFFFF  }
0xc3: {  	_ =	shalt  }
tec
execute0_lowered:
.L_overlay_start_1:
0x0: {  	(tag) =	ssettag $0x1  }
0x1: {  	s0 =	rddreg [dreg:$0x0]  }
0x2: {  	s1 =	srdreg.scid;
	s12 =	stileid.u32  }
0x3: {  	s2 =	rddreg [dreg:$0x1];
	s28 =	simm.s32 $0x2900;
	s29 =	simm.s32 $0x6A00  }
0x4: {  	s30 =	simm.s32 $0x2980;
	s31 =	simm.s32 $0x4;
	s8 =	smul.u32 $0x14000, s12  }
0x5: {  	s1 =	sand.u32 $0x1, s1;
	s3 =	sshll.u32 s12, $0x1;
	s10 =	smul.u32 $0x50000, s12  }
0x6: {  	s4 =	sshrl.u32 s12, $0x2;
	s16 =	sadd.s32 $0x17A00, s0;
	s14 =	smul.u32 $0xA000, s12  }
0x7: {  	s5 =	sor.u32 s1, s3;
	s3 =	simm.s32 $0x0;
	s6 =	smul.u32 $0x14000, s4  }
0x8: {  	s4 =	sadd.s32 $0x35A00, s0;
	s9 =	smul.u32 $0x140000, s1;
	s26 =	ssub.s32 $0x2, s1  }
0x9: {  	s1 =	smul.u32 $0x5000, s1;
	s24 =	sshll.u32 s5, $0x7;
	[smem:$0x7FF] =	sst s3  }
0xa: {  	s25 =	sshrl.u32 s8, $0x3;
	s11 =	sshrl.u32 s26, $0x1;
	s5 =	smul.u32 $0x5000, s5  }
0xb: {  	s10 =	sshrl.u32 s10, $0x2;
	s7 =	sand.u32 $0x380, s24;
	_ =	strace $0x80000050  }
0xc: {  	s8 =	sadd.s32 s8, s9;
	s13 =	ssub.s32 s26, s11;
	s18 =	sadd.s32 s10, s2  }
0xd: {  	s1 =	sadd.s32 s1, s14;
	s26 =	sshll.u32 s12, $0x6;
	s6 =	sor.u32 s6, s7  }
0xe: {  	s7 =	sadd.s32 s25, s0;
	s8 =	sshrl.u32 s8, $0x3;
	s5 =	sshrl.u32 s5, $0x3  }
0xf: {  	s20 =	sor.u32 $0x200, s1;
	s21 =	smax.u32 s13, $0x1;
	s23 =	sor.u32 $0x280, s1  }
0x10: {  	s24 =	sor.u32 $0x300, s1;
	s1 =	sor.u32 $0x380, s1;
	s6 =	sshrl.u32 s6, $0x3  }
0x11: {  	s5 =	sadd.s32 s16, s5;
	s15 =	sadd.s32 $0x5DA00, s7;
	[dreg:$0xa] =	wrdreg s21  }
0x12: {  	s22 =	sshrl.u32 s20, $0x3;
	s25 =	sshrl.u32 s1, $0x3;
	s20 =	sor.u32 $0x1C09, s26  }
0x13: {  	s21 =	sshrl.u32 s18, $0x3;
	s1 =	simm.s32 $0x8A00;
	s18 =	simm.s32 $0x5  }
0x14: {  	s26 =	simm.s32 $0x7;
	s7 =	simm.s32 $0x0;
	[dreg:$0x5] =	wrdreg s15  }
0x15: {  	s6 =	sadd.s32 s6, s0;
	s17 =	sadd.s32 $0x10, s5;
	[dreg:$0x4] =	wrdreg s5  }
0x16: {  	s0 =	sadd.s32 s8, s0;
	s19 =	sadd.s32 $0x20, s5;
	[dreg:$0x6] =	wrdreg s17  }
0x17: {  	s5 =	sadd.s32 $0x30, s5;
	s13 =	sadd.s32 s22, s16;
	[dreg:$0x7] =	wrdreg s19  }
0x18: {  	s22 =	simm.s32 $0x2800;
	s6 =	sadd.s32 $0x2BA00, s6;
	[dreg:$0x8] =	wrdreg s5  }
.Ltmp0:
0x19: {  	s0 =	sadd.s32 $0x85A00, s0;
	s5 =	sshrl.u32 s24, $0x3;
	(pc) =	sbr.rel .LBB2_1-.Ltmp0, $4  }
0x1a: {  	s19 =	simm.s32 $0x9;
	s24 =	simm.s32 $0x2A00;
	[dreg:$0x3] =	wrdreg s6  }
0x1b: {  	[dreg:$0x9] =	wrdreg s0;
	s0 =	sshrl.u32 s23, $0x3;
	s15 =	sadd.s32 s5, s16  }
0x1c: {  	s23 =	simm.s32 $0x40;
	s5 =	simm.s32 $0x8;
	s14 =	sadd.s32 s0, s16  }
0x1d: {  	s16 =	sadd.s32 s25, s16;
	s0 =	simm.s32 $0x1;
	s25 =	simm.s32 $0x3  }
.LBB2_4:
0x1e: {  	_ =	swait.ge [sflag:s31], $0x2000  }
0x1f: {  	[sflag:s31] =	ssyncset.done $0x0  }
0x20: {  	[sflag:s31] =	ssyncadd.s32 $0xFFFFE000  }
0x21: {  	_ =	swait.ge [sflag:s5], $0x80  }
0x22: {  	[sflag:s5] =	ssyncset.done $0x0  }
0x23: {  	[sflag:s5] =	ssyncadd.s32 $0xFFFFFF80  }
0x24: {  	[spmem:s2] =	stream.indirect.scatter.add.f32 [tilespmem:s1], [sflag:$0x9], $0x80, s30, s23, $0xb8;
	[tilespmem:$0x1EA00] =	vst v63  }
0x25: {  	_ =	swait.ge [sflag:s19], $0x2000  }
0x26: {  	[sflag:s19] =	ssyncset.done $0x0  }
0x27: {  	[sflag:s19] =	ssyncadd.s32 $0xFFFFE000  }
0x28: {  	[bflag:$0x0] =	sbarrier.arrive $0xFFFF  }
0x29: {  	s6 =	rddreg [dreg:$0x9]  }
0x2a: {  	[hbm:s6], [sflag:s20] =	dma.local [spmem:s21], $0x2800  }
0x2b: {  	_ =	swait.ge [sflag:s19], $0x2800  }
0x2c: {  	s7 =	sadd.s32 $0x1, s7;
	s17 =	rddreg [dreg:$0xa]  }
0x2d: {  	p0 =	sne.s32 s7, s17  }
.Ltmp1:
0x2e: {  	_ = 	snop;
	(pc) =	sbr.rel @!p0 .LBB2_5-.Ltmp1, $3  }
0x2f: {  	_ =	sdelay $0x1  }
0x30: {  	[sflag:s19] =	ssyncset.done $0x0  }
0x31: {  	[sflag:s19] =	ssyncadd.s32 $0xFFFFD800  }
.LBB2_1:
0x32: {  	s6 =	rddreg [dreg:$0x3];
	s8 =	simm.s32 $0x80;
	s9 =	simm.s32 $0x400  }
0x33: {  	[tilespmem:s3], [sflag:$0x9] =	stream.strided.gather [hbm4b:s6+s8], $0x2800, s9, s8, $0x38;
	[tilespmem:$0x1EA00] =	vst v63  }
0x34: {  	_ =	swait.ge [sflag:s19], $0x2800  }
0x35: {  	[sflag:s19] =	ssyncset.done $0x0  }
0x36: {  	s10 =	rddreg [dreg:$0x5];
	[sflag:s19] =	ssyncadd.s32 $0xFFFFD800  }
0x37: {  	[spmem:s21], [sflag:s20] =	dma.local [hbm:s10], $0x2800  }
0x38: {  	_ =	swait.ge [sflag:s19], $0x2800  }
0x39: {  	[sflag:s19] =	ssyncset.done $0x0  }
0x3a: {  	[sflag:s19] =	ssyncadd.s32 $0xFFFFD800  }
0x3b: {  	[bflag:$0x0] =	sbarrier.arrive $0xFFFF  }
0x3c: {  	s11 =	rddreg [dreg:$0x4]  }
0x3d: {  	[tilespmem:s22], [sflag:$0x5] =	stream.linear.gather [hbm4b:s11+s3], $0x80, $0x38;
	[tilespmem:$0x1EA00] =	vst v63  }
0x3e: {  	_ = 	snop  }
0x3f: {  	[tilespmem:s24], [sflag:$0x1] =	stream.indirect.gather [hbm4b:s4+s23], $0x80, s3, s23, $0xb8;
	[tilespmem:$0x1EA00] =	vst v63  }
0x40: {  	s17 =	simm.s32 $0x2880;
	s12 =	rddreg [dreg:$0x6]  }
0x41: {  	[tilespmem:s17], [sflag:$0x6] =	stream.linear.gather [hbm4b:s12+s3], $0x80, $0x38;
	[tilespmem:$0x1EA00] =	vst v63  }
0x42: {  	s10 =	simm.s32 $0x4A00  }
0x43: {  	[tilespmem:s10], [sflag:$0x2] =	stream.indirect.gather [hbm4b:s4+s23], $0x80, s23, s23, $0xb8;
	[tilespmem:$0x1EA00] =	vst v63  }
0x44: {  	s11 =	rddreg [dreg:$0x7]  }
0x45: {  	[tilespmem:s28], [sflag:$0x7] =	stream.linear.gather [hbm4b:s11+s3], $0x80, $0x38;
	[tilespmem:$0x1EA00] =	vst v63  }
0x46: {  	_ = 	snop  }
0x47: {  	[tilespmem:s29], [sflag:$0x3] =	stream.indirect.gather [hbm4b:s4+s23], $0x80, s8, s23, $0xb8;
	[tilespmem:$0x1EA00] =	vst v63  }
0x48: {  	s12 =	rddreg [dreg:$0x8]  }
0x49: {  	[tilespmem:s30], [sflag:$0x8] =	stream.linear.gather [hbm4b:s12+s3], $0x80, $0x38;
	[tilespmem:$0x1EA00] =	vst v63  }
0x4a: {  	s9 =	simm.s32 $0x0;
	s17 =	simm.s32 $0xC0;
	s8 =	simm.s32 $0x100  }
0x4b: {  	[tilespmem:s1], [sflag:$0x4] =	stream.indirect.gather [hbm4b:s4+s23], $0x80, s17, s23, $0xb8;
	[tilespmem:$0x1EA00] =	vst v63  }
.LBB2_2:
0x4c: {  	_ =	swait.ge [sflag:s0], $0x2000  }
0x4d: {  	[sflag:s0] =	ssyncset.done $0x0  }
0x4e: {  	[sflag:s0] =	ssyncadd.s32 $0xFFFFE000  }
0x4f: {  	_ =	swait.ge [sflag:s18], $0x80  }
0x50: {  	[sflag:s18] =	ssyncset.done $0x0  }
0x51: {  	[sflag:s18] =	ssyncadd.s32 $0xFFFFFF80  }
0x52: {  	[spmem:s2] =	stream.indirect.scatter.add.f32 [tilespmem:s24], [sflag:$0x9], $0x80, s22, s23, $0xb8;
	[tilespmem:$0x1EA00] =	vst v63  }
0x53: {  	_ =	swait.ge [sflag:s19], $0x2000  }
0x54: {  	p0 =	seq.s32 s9, $0x9C0;
	[sflag:s19] =	ssyncset.done $0x0  }
0x55: {  	s10 =	simm.s32 @p0 $0x2;
	[sflag:s19] =	ssyncadd.s32 $0xFFFFE000  }
0x56: {  	_ =	swait.ge @p0 [sflag:s10], $0x2000  }
0x57: {  	[sflag:s10] =	ssyncset.done @p0 $0x0  }
0x58: {  	[sflag:s10] =	ssyncadd.s32 @p0 $0xFFFFE000;
	s10 =	simm.s32 @p0 $0x6  }
0x59: {  	_ =	swait.ge @p0 [sflag:s10], $0x80  }
0x5a: {  	s11 =	simm.s32 @p0 $0x2880;
	[sflag:s10] =	ssyncset.done @p0 $0x0  }
0x5b: {  	s12 =	simm.s32 @p0 $0x4A00;
	[sflag:s10] =	ssyncadd.s32 @p0 $0xFFFFFF80;
	s10 =	simm.s32 @p0 $0x40  }
0x5c: {  	[spmem:s2] =	stream.indirect.scatter.add.f32 @p0 [tilespmem:s12], [sflag:$0x9], $0x80, s11, s10, $0xb8;
	[tilespmem:$0x1EA00] =	vst v63  }
0x5d: {  	s10 =	simm.s32 @p0 $0x9  }
0x5e: {  	_ =	swait.ge @p0 [sflag:s10], $0x2000  }
0x5f: {  	s11 =	simm.s32 @!p0 $0x0;
	[sflag:s10] =	ssyncset.done @p0 $0x0  }
0x60: {  	s12 =	simm.s32 @!p0 $0x2800;
	[sflag:s10] =	ssyncadd.s32 @p0 $0xFFFFE000;
	s10 =	sadd.s32 @!p0 s9, s13  }
0x61: {  	[tilespmem:s12], [sflag:$0x5] =	stream.linear.gather @!p0 [hbm4b:s10+s11], $0x80, $0x38;
	[tilespmem:$0x1EA00] =	vst v63  }
0x62: {  	s10 =	simm.s32 @!p0 $0x40;
	s12 =	simm.s32 @!p0 $0x2A00  }
0x63: {  	[tilespmem:s12], [sflag:$0x1] =	stream.indirect.gather @!p0 [hbm4b:s4+s10], $0x80, s8, s10, $0xb8;
	[tilespmem:$0x1EA00] =	vst v63  }
0x64: {  	s12 =	simm.s32 @!p0 $0x2  }
0x65: {  	_ =	swait.ge @!p0 [sflag:s12], $0x2000  }
0x66: {  	[sflag:s12] =	ssyncset.done @!p0 $0x0  }
0x67: {  	[sflag:s12] =	ssyncadd.s32 @!p0 $0xFFFFE000;
	s12 =	simm.s32 @!p0 $0x6  }
0x68: {  	_ =	swait.ge @!p0 [sflag:s12], $0x80  }
0x69: {  	s6 =	simm.s32 @!p0 $0x4A00;
	[sflag:s12] =	ssyncset.done @!p0 $0x0  }
0x6a: {  	s17 =	simm.s32 @!p0 $0x9;
	[sflag:s12] =	ssyncadd.s32 @!p0 $0xFFFFFF80;
	s12 =	simm.s32 @!p0 $0x2880  }
0x6b: {  	[spmem:s2] =	stream.indirect.scatter.add.f32 @!p0 [tilespmem:s6], [sflag:$0x9], $0x80, s12, s10, $0xb8;
	[tilespmem:$0x1EA00] =	vst v63  }
0x6c: {  	_ =	swait.ge @!p0 [sflag:s17], $0x2000  }
0x6d: {  	[sflag:s17] =	ssyncset.done @!p0 $0x0  }
0x6e: {  	[sflag:s17] =	ssyncadd.s32 @!p0 $0xFFFFE000;
	s17 =	sadd.s32 @!p0 s9, s14  }
0x6f: {  	[tilespmem:s12], [sflag:$0x6] =	stream.linear.gather @!p0 [hbm4b:s17+s11], $0x80, $0x38;
	[tilespmem:$0x1EA00] =	vst v63  }
0x70: {  	s11 =	sadd.s32 @!p0 $0x40, s8  }
0x71: {  	[tilespmem:s6], [sflag:$0x2] =	stream.indirect.gather @!p0 [hbm4b:s4+s10], $0x80, s11, s10, $0xb8;
	[tilespmem:$0x1EA00] =	vst v63  }
0x72: {  	_ =	swait.ge [sflag:s25], $0x2000  }
0x73: {  	[sflag:s25] =	ssyncset.done $0x0  }
0x74: {  	[sflag:s25] =	ssyncadd.s32 $0xFFFFE000  }
0x75: {  	_ =	swait.ge [sflag:s26], $0x80  }
0x76: {  	[sflag:s26] =	ssyncset.done $0x0  }
.Ltmp2:
0x77: {  	[sflag:s26] =	ssyncadd.s32 $0xFFFFFF80;
	(pc) =	sbr.rel @p0 .LBB2_4-.Ltmp2, $4  }
0x78: {  	[spmem:s2] =	stream.indirect.scatter.add.f32 [tilespmem:s29], [sflag:$0x9], $0x80, s28, s23, $0xb8;
	[tilespmem:$0x1EA00] =	vst v63  }
0x79: {  	_ =	swait.ge [sflag:s19], $0x2000  }
0x7a: {  	[sflag:s19] =	ssyncset.done $0x0  }
0x7b: {  	[sflag:s19] =	ssyncadd.s32 $0xFFFFE000  }
0x7c: {  	s6 =	sadd.s32 s9, s15  }
0x7d: {  	[tilespmem:s28], [sflag:$0x7] =	stream.linear.gather [hbm4b:s6+s3], $0x80, $0x38;
	[tilespmem:$0x1EA00] =	vst v63  }
0x7e: {  	s11 =	sadd.s32 $0x80, s8  }
0x7f: {  	[tilespmem:s29], [sflag:$0x3] =	stream.indirect.gather [hbm4b:s4+s23], $0x80, s11, s23, $0xb8;
	[tilespmem:$0x1EA00] =	vst v63  }
0x80: {  	_ =	swait.ge [sflag:s31], $0x2000  }
0x81: {  	[sflag:s31] =	ssyncset.done $0x0  }
0x82: {  	[sflag:s31] =	ssyncadd.s32 $0xFFFFE000  }
0x83: {  	_ =	swait.ge [sflag:s5], $0x80  }
0x84: {  	[sflag:s5] =	ssyncset.done $0x0  }
0x85: {  	[sflag:s5] =	ssyncadd.s32 $0xFFFFFF80  }
0x86: {  	[spmem:s2] =	stream.indirect.scatter.add.f32 [tilespmem:s1], [sflag:$0x9], $0x80, s30, s23, $0xb8;
	[tilespmem:$0x1EA00] =	vst v63  }
0x87: {  	_ =	swait.ge [sflag:s19], $0x2000  }
.Ltmp3:
0x88: {  	[sflag:s19] =	ssyncset.done $0x0;
	(pc) =	sbr.rel .LBB2_2-.Ltmp3, $4  }
0x89: {  	s12 =	sadd.s32 s9, s16;
	[sflag:s19] =	ssyncadd.s32 $0xFFFFE000  }
0x8a: {  	[tilespmem:s30], [sflag:$0x8] =	stream.linear.gather [hbm4b:s12+s3], $0x80, $0x38;
	[tilespmem:$0x1EA00] =	vst v63  }
0x8b: {  	s17 =	sadd.s32 $0xC0, s8;
	s9 =	sadd.s32 $0x40, s9;
	s8 =	sadd.s32 $0x100, s8  }
0x8c: {  	[tilespmem:s1], [sflag:$0x4] =	stream.indirect.gather [hbm4b:s4+s23], $0x80, s17, s23, $0xb8;
	[tilespmem:$0x1EA00] =	vst v63  }
.LBB2_5:
0x8d: {  	_ =	sfence.sel $0x180000  }
0x8e: {  	[bflag:$0x0] =	sbarrier.arrive $0xFFFF  }
0x8f: {  	_ =	strace $0x90000050  }
0x90: {  	s0 =	stileid.u32;
	[bflag:$0x2] =	sbarrier.arrive $0xFFFF  }
0x91: {  	p0 =	sne.s32 s0, $0x0;
	s0 =	rddreg [dreg:$0x2]  }
0x92: {  	s0 =	sadd.s32 @!p0 $0x100000, s0  }
0x93: {  	[sflag:s0] =	ssyncadd.tile.s32 @!p0 $0x1;
	_ =	shalt  }
.Lfunc_end2:
_tile_overlayer_lowered:
.L_overlay_start_2:
0x94: {  	(tag) =	ssettag $0x2  }
0x95: {  	s0 =	rddreg [dreg:$0x0];
	s2 =	stileid.u32  }
0x96: {  	s1 =	rddreg [dreg:$0x1];
	p0 =	sne.s32 s2, $0x0  }
0x97: {  	s3 =	rddreg [dreg:$0x2];
	[bflag:$0x3] =	sbarrier.arrive $0xFFFF;
	s2 =	simm.s32 @!p0 $0x1C09  }
0x98: {  	[timem:s3], [sflag:s2] =	dma.local @!p0 [hbm:s0], s1  }
0x99: {  	s0 =	simm.s32 @!p0 $0x9  }
0x9a: {  	_ =	swait.ge @!p0 [sflag:s0], s1  }
0x9b: {  	s1 =	ssub.s32 @!p0 $0x0, s1;
	[sflag:s0] =	ssyncset.done @!p0 $0x0  }
0x9c: {  	[sflag:s0] =	ssyncadd.s32 @!p0 s1  }
0x9d: {  	[bflag:$0x3] =	sbarrier.arrive $0xFFFF  }
0x9e: {  	_ =	shalt  }

</sc_bundles>
